<compile_context>
chip_gen: v7x
topology: tpu7x:2x2x1
jax: 0.10.2.dev20260603
libtpu: 0.0.44.dev20260713+nightly
codegen_flags: <defaults>
</compile_context>

<pallas_src>
import functools

import jax
import jax.numpy as jnp
from jax import lax
from jax.experimental import pallas as pl
from jax.experimental.pallas import tpu as pltpu
from jax.experimental.pallas import tpu_sc as plsc

_NCORE = 2
_NSUB = 16
_NW = _NCORE * _NSUB
_C = 128
_NB = 4
_KCA = 80
_KCB = 80


def _sc_mesh():
    return plsc.VectorSubcoreMesh(core_axis_name="c", subcore_axis_name="s")


def _sc_degree_rowmap(row2d, col2d, n_nodes, np_nodes):
    nrows = row2d.shape[0]
    kcd = nrows // _NW
    rt = np_nodes // _NSUB

    @functools.partial(
        pl.kernel,
        out_type=(
            jax.ShapeDtypeStruct((nrows, _C), jnp.int32),
            jax.ShapeDtypeStruct((_NCORE, np_nodes), jnp.float32),
        ),
        mesh=_sc_mesh(),
        scratch_types=[
            pltpu.VMEM((kcd, _C), jnp.int32),
            pltpu.VMEM((kcd, _C), jnp.int32),
            pltpu.VMEM((kcd, _C), jnp.int32),
            pltpu.VMEM((kcd, _C), jnp.float32),
            pltpu.VMEM((rt,), jnp.float32),
            pltpu.VMEM_SHARED((np_nodes,), jnp.float32),
            pltpu.SemaphoreType.DMA,
        ],
    )
    def k(row_hbm, col_hbm, rowmap_hbm, degp_hbm, rbuf, cbuf, rmbuf, wbuf,
          stage, degacc, sem):
        core = lax.axis_index("c")
        sub = lax.axis_index("s")
        wid = core * _NSUB + sub

        zeros16 = jnp.zeros((16,), jnp.float32)
        ones16 = jnp.ones((16,), jnp.float32)
        dummy16 = jnp.full((16,), n_nodes, jnp.int32)

        def zfill(i, _):
            stage[pl.ds(i * 16, 16)] = zeros16
            return 0

        lax.fori_loop(0, rt // 16, zfill, 0)
        pltpu.sync_copy(stage, degacc.at[pl.ds(sub * rt, rt)])

        pltpu.sync_copy(row_hbm.at[pl.ds(wid * kcd, kcd)], rbuf)
        pltpu.sync_copy(col_hbm.at[pl.ds(wid * kcd, kcd)], cbuf)

        def comp(t, _):
            for j in range(_C // 16):
                sl = pl.ds(j * 16, 16)
                r = rbuf[t, sl]
                m = r == cbuf[t, sl]
                rmbuf[t, sl] = jnp.where(m, dummy16, r)
                wbuf[t, sl] = jnp.where(m, zeros16, ones16)
            return 0

        lax.fori_loop(0, kcd, comp, 0)
        pltpu.sync_copy(rmbuf, rowmap_hbm.at[pl.ds(wid * kcd, kcd)])
        plsc.subcore_barrier()

        def fire(t, _):
            pltpu.async_copy(wbuf.at[t], degacc.at[rbuf.at[t]], sem, add=True)
            return 0

        lax.fori_loop(0, kcd, fire, 0)

        def drain(t, _):
            pltpu.make_async_copy(wbuf.at[t], degacc.at[rbuf.at[t]], sem).wait()
            return 0

        lax.fori_loop(0, kcd, drain, 0)
        plsc.subcore_barrier()
        pltpu.sync_copy(degacc.at[pl.ds(sub * rt, rt)], stage)
        pltpu.sync_copy(stage, degp_hbm.at[core, pl.ds(sub * rt, rt)])

    return k(row2d, col2d)


def _sc_propagate(z_pad, rowmapf, colf, np_nodes):
    d = z_pad.shape[1]
    rt = np_nodes // _NSUB

    @functools.partial(
        pl.kernel,
        out_type=jax.ShapeDtypeStruct((_NCORE, np_nodes, d), jnp.float32),
        mesh=_sc_mesh(),
        scratch_types=[
            [pltpu.VMEM((_C, d), jnp.float32)] * 2,
            pltpu.VMEM_SHARED((np_nodes, d), jnp.float32),
            [pltpu.SemaphoreType.DMA] * 2,
            [pltpu.SemaphoreType.DMA] * 2,
            [pltpu.SemaphoreType.DMA] * _NB,
            [pltpu.VMEM((_C,), jnp.int32)] * _NB,
            [pltpu.VMEM((_C,), jnp.int32)] * _NB,
        ],
    )
    def k(z_hbm, rmapf_hbm, colf_hbm, out_hbm, rows, acc,
          gsems, ssems, isems, rc, cc):
        core = lax.axis_index("c")
        sub = lax.axis_index("s")
        kc = _KCA
        chunk0 = (core * _NSUB + sub) * _KCA

        zeros16 = jnp.zeros((16,), jnp.float32)

        def idx_copy(t, s, start):
            base = (chunk0 + t) * _C
            for src, dst in ((rmapf_hbm, rc[s]), (colf_hbm, cc[s])):
                cp = pltpu.make_async_copy(src.at[pl.ds(base, _C)], dst,
                                           isems[s])
                if start:
                    cp.start()
                else:
                    cp.wait()

        for s in range(_NB):
            idx_copy(s, s, True)

        def zfill(i, _):
            for j in range(d // 16):
                rows[0][i, pl.ds(j * 16, 16)] = zeros16
            return 0

        lax.fori_loop(0, _C, zfill, 0)
        for i in range(rt // _C):
            pltpu.async_copy(rows[0],
                             acc.at[pl.ds(sub * rt + i * _C, _C)], gsems[1])
        for i in range(rt // _C):
            pltpu.make_async_copy(rows[0],
                                  acc.at[pl.ds(sub * rt, _C)], gsems[1]).wait()

        plsc.subcore_barrier()
        idx_copy(0, 0, False)
        pltpu.async_copy(z_hbm.at[rc[0]], rows[0], gsems[0])

        def scat(ph, start):
            if start:
                pltpu.async_copy(rows[ph % 2], acc.at[cc[ph % _NB]],
                                 ssems[ph % 2], add=True)
            else:
                pltpu.make_async_copy(rows[ph % 2], acc.at[cc[ph % _NB]],
                                      ssems[ph % 2]).wait()

        def group(g, _):
            for bb in range(_NB):
                t = g * _NB + bb
                b2 = bb % 2
                pltpu.make_async_copy(z_hbm.at[rc[bb]], rows[b2],
                                      gsems[b2]).wait()
                tn = t + 1
                sn = (bb + 1) % _NB
                bn2 = (bb + 1) % 2
                sp = (bb - 1) % _NB

                @pl.when(t >= 1)
                def _():
                    scat(bb - 1, False)

                    @pl.when(t + 3 < kc)
                    def _():
                        idx_copy(t + 3, sp, True)

                @pl.when(tn < kc)
                def _():
                    idx_copy(tn, sn, False)
                    pltpu.async_copy(z_hbm.at[rc[sn]], rows[bn2], gsems[bn2])

                scat(bb, True)
            return 0

        lax.fori_loop(0, kc // _NB, group, 0)
        scat((kc - 1) % _NB, False)
        plsc.subcore_barrier()
        nsl = rt // _C

        def rd(i, b):
            r0 = sub * rt + i * _C
            return pltpu.make_async_copy(acc.at[pl.ds(r0, _C)], rows[b],
                                         gsems[b])

        def wr(i, b):
            r0 = sub * rt + i * _C
            return pltpu.make_async_copy(rows[b], out_hbm.at[core,
                                                             pl.ds(r0, _C)],
                                         gsems[b])

        rd(0, 0).start()
        for i in range(nsl):
            b = i % 2
            rd(i, b).wait()
            if i + 1 < nsl:
                rd(i + 1, (i + 1) % 2).start()
            wr(i, b).start()
            wr(i, b).wait()

    return k(z_pad, rowmapf, colf)


def _tc_prescale(deg4, x_pad):
    npn, d = x_pad.shape
    rb = 1024
    nb = npn // rb
    sb = rb // 128

    def body(degr, xr, dinvbr, z1r):
        rid = lax.broadcasted_iota(jnp.int32, (128, 128), 0)
        cid = lax.broadcasted_iota(jnp.int32, (128, 128), 1)
        ones = jnp.ones((128, 128), jnp.float32)
        for j in range(sb):
            dv = degr[0, j] + degr[1, j]
            pos = dv > 0.0
            dinv = jnp.where(pos, lax.rsqrt(jnp.where(pos, dv, 1.0)), 0.0)
            diag = jnp.where(rid == cid,
                             jnp.broadcast_to(dinv, (128, 128)), 0.0)
            dm = jnp.dot(diag, ones, preferred_element_type=jnp.float32)
            sl = pl.ds(j * 128, 128)
            dinvbr[sl, :] = dm
            z1r[sl, :] = dm * xr[sl, :]

    return pl.pallas_call(
        body,
        grid=(nb,),
        in_specs=[
            pl.BlockSpec((2, sb, 1, 128), lambda g: (0, g, 0, 0)),
            pl.BlockSpec((rb, d), lambda g: (g, 0)),
        ],
        out_specs=[
            pl.BlockSpec((rb, 128), lambda g: (g, 0)),
            pl.BlockSpec((rb, d), lambda g: (g, 0)),
        ],
        out_shape=(
            jax.ShapeDtypeStruct((npn, 128), jnp.float32),
            jax.ShapeDtypeStruct((npn, d), jnp.float32),
        ),
    )(deg4, x_pad)


def _tc_mid(a1, dinvb):
    _, npn, d = a1.shape
    rb = 1024
    nb = npn // rb

    def body(ar, dr, u1r, z2r):
        dm = dr[...]
        u1 = -(dm * (ar[0] + ar[1]))
        u1r[...] = u1
        z2r[...] = dm * u1

    return pl.pallas_call(
        body,
        grid=(nb,),
        in_specs=[
            pl.BlockSpec((2, rb, d), lambda g: (0, g, 0)),
            pl.BlockSpec((rb, 128), lambda g: (g, 0)),
        ],
        out_specs=[
            pl.BlockSpec((rb, d), lambda g: (g, 0)),
            pl.BlockSpec((rb, d), lambda g: (g, 0)),
        ],
        out_shape=(
            jax.ShapeDtypeStruct((npn, d), jnp.float32),
            jax.ShapeDtypeStruct((npn, d), jnp.float32),
        ),
    )(a1, dinvb)


def _tc_final(x, u1, a2, dinvb, wa, wb, wc, params):
    n, d = x.shape
    rb = 1000
    nb = n // rb

    def body(xr, u1r, ar, dr, war, wbr, wcr, pr, outr):
        u2 = dr[...] * (ar[0] + ar[1])
        acc = jnp.dot(xr[...], war[...], preferred_element_type=jnp.float32)
        acc += jnp.dot(u1r[...], wbr[...], preferred_element_type=jnp.float32)
        acc += jnp.dot(u2, wcr[...], preferred_element_type=jnp.float32)
        acc += pr[0:1, :]
        mu = jnp.mean(acc, axis=-1, keepdims=True)
        var = jnp.mean((acc - mu) ** 2, axis=-1, keepdims=True)
        outr[...] = (acc - mu) / jnp.sqrt(var + 1e-5) * pr[1:2, :] + pr[2:3, :]

    return pl.pallas_call(
        body,
        grid=(nb,),
        in_specs=[
            pl.BlockSpec((rb, d), lambda g: (g, 0)),
            pl.BlockSpec((rb, d), lambda g: (g, 0)),
            pl.BlockSpec((2, rb, d), lambda g: (0, g, 0)),
            pl.BlockSpec((rb, 128), lambda g: (g, 0)),
            pl.BlockSpec((d, d), lambda g: (0, 0)),
            pl.BlockSpec((d, d), lambda g: (0, 0)),
            pl.BlockSpec((d, d), lambda g: (0, 0)),
            pl.BlockSpec((8, d), lambda g: (0, 0)),
        ],
        out_specs=pl.BlockSpec((rb, d), lambda g: (g, 0)),
        out_shape=jax.ShapeDtypeStruct((n, d), jnp.float32),
    )(x, u1, a2, dinvb, wa, wb, wc, params)


def kernel(features, edge_index, W, b, gamma, beta):
    n, d = features.shape
    e = edge_index.shape[1]
    npn = -(-n // (_NSUB * _C)) * (_NSUB * _C)
    nchunks = _NSUB * (_KCA + _KCB)
    epad = nchunks * _C

    row = edge_index[0].astype(jnp.int32)
    col = edge_index[1].astype(jnp.int32)
    ar = jnp.arange(epad - e, dtype=jnp.int32)
    pad_row = n + ar % (npn - n)
    pad_col = ar % npn
    row2d = jnp.concatenate([row, pad_row]).reshape(nchunks, _C)
    col2d = jnp.concatenate([col, pad_col]).reshape(nchunks, _C)
    x_pad = jnp.pad(features, ((0, npn - n), (0, 0)))

    rowmap2d, deg_parts = _sc_degree_rowmap(row2d, col2d, n, npn)
    deg4 = deg_parts.reshape(_NCORE, npn // 128, 1, 128)
    dinvb, z1 = _tc_prescale(deg4, x_pad)
    a1 = _sc_propagate(z1, rowmap2d.reshape(-1), col2d.reshape(-1), npn)
    u1, z2 = _tc_mid(a1, dinvb)
    a2 = _sc_propagate(z2, rowmap2d.reshape(-1), col2d.reshape(-1), npn)

    wa = W[0] - W[2]
    wb = W[1]
    wc = -2.0 * W[2]
    params = jnp.zeros((8, d), jnp.float32).at[0].set(b).at[1].set(gamma).at[2].set(beta)
    return _tc_final(features, u1, a2, dinvb, wa, wb, wc, params)

# --- scband reference (transcript-rebuilt; emitter-appended) ---
"""Pipeline reference for scband-spectral-weighting-44813688767179 (READ-ONLY COPY).

The authoritative reference and input builder live on the scoring server;
editing this copy changes nothing except your own understanding.
"""

import jax, jax.numpy as jnp
import numpy as np

N = 10000
E = 320000
D = 128
K = 3

def setup_inputs(seed: int = 0) -> dict:
    key = jax.random.key(seed)
    k1, k2, k3 = jax.random.split(key, 3)
    features = jax.random.normal(k1, (N, D), dtype=jnp.float32)
    edge_index = jax.random.randint(k2, (2, E), 0, N)
    # ChebConv parameters: K linear maps [D, D] (no per-lin bias) + one output bias
    W = jax.random.normal(k3, (K, D, D), dtype=jnp.float32) * (1.0 / np.sqrt(D))
    b = jnp.zeros((D,), dtype=jnp.float32)
    # PyG LayerNorm(mode='node') affine params
    gamma = jnp.ones((D,), dtype=jnp.float32)
    beta = jnp.zeros((D,), dtype=jnp.float32)
    return {"features": features, "edge_index": edge_index, "W": W, "b": b, "gamma": gamma, "beta": beta}


def reference(features, edge_index, W, b, gamma, beta):
    # ChebConv with normalization='sym', edge_weight=None, lambda_max defaults to 2.0.
    # get_laplacian('sym'): remove self loops (we zero their weight), A_norm = D^-1/2 A D^-1/2,
    # L = I - A_norm. Rescale L_hat = (2/lambda_max) * L - I = -A_norm when lambda_max = 2,
    # so the diagonal cancels and propagate(y)[i] = -sum_{e: col_e = i} wn_e * y[row_e].
    row = edge_index[0]
    col = edge_index[1]
    w = jnp.where(row == col, 0.0, 1.0).astype(features.dtype)
    deg = jax.ops.segment_sum(w, row, num_segments=N)
    safe_deg = jnp.where(deg > 0, deg, 1.0)
    dinv = jnp.where(deg > 0, 1.0 / jnp.sqrt(safe_deg), 0.0)
    wn = dinv[row] * w * dinv[col]

    def prop(y):
        return -jax.ops.segment_sum(wn[:, None] * y[row], col, num_segments=N)

    # Chebyshev recursion: Tx0 = x, Tx1 = L_hat x, Tx_k = 2 L_hat Tx_{k-1} - Tx_{k-2}
    Tx0 = features
    out = Tx0 @ W[0]
    Tx1 = prop(Tx0)
    out = out + Tx1 @ W[1]
    Tx2 = 2.0 * prop(Tx1) - Tx0
    out = out + Tx2 @ W[2]
    out = out + b
    # PyG LayerNorm(mode='node'): standard layer norm over feature dim
    mu = out.mean(axis=-1, keepdims=True)
    var = ((out - mu) ** 2).mean(axis=-1, keepdims=True)
    out = (out - mu) / jnp.sqrt(var + 1e-5) * gamma + beta
    # dropout p=0.0 -> identity
    return out

if __name__ == "__main__":
    import jax
    _d = setup_inputs()
    print(jax.jit(kernel)(*tuple(_d.values())))

</pallas_src>

<mosaic_0001>
#map = affine_map<(d0, d1) -> (0, 0)>
#map1 = affine_map<(d0, d1) -> (0)>
#map2 = affine_map<(d0, d1) -> (0, 0, 0)>
module attributes {stable_mosaic.version = 14 : i64} {
  func.func @k(%arg0: i32, %arg1: i32, %arg2: memref<10240x128xf32, #tpu.memory_space<hbm>>, %arg3: memref<327680xi32, #tpu.memory_space<hbm>>, %arg4: memref<327680xi32, #tpu.memory_space<hbm>>, %arg5: memref<2x10240x128xf32, #tpu.memory_space<hbm>>, %arg6: memref<128x128xf32, #tpu.memory_space<vmem>>, %arg7: memref<128x128xf32, #tpu.memory_space<vmem>>, %arg8: memref<10240x128xf32, #tpu.memory_space<vmem_shared>>, %arg9: memref<!tpu.dma_semaphore, #tpu.memory_space<semaphore_mem>>, %arg10: memref<!tpu.dma_semaphore, #tpu.memory_space<semaphore_mem>>, %arg11: memref<!tpu.dma_semaphore, #tpu.memory_space<semaphore_mem>>, %arg12: memref<!tpu.dma_semaphore, #tpu.memory_space<semaphore_mem>>, %arg13: memref<!tpu.dma_semaphore, #tpu.memory_space<semaphore_mem>>, %arg14: memref<!tpu.dma_semaphore, #tpu.memory_space<semaphore_mem>>, %arg15: memref<!tpu.dma_semaphore, #tpu.memory_space<semaphore_mem>>, %arg16: memref<!tpu.dma_semaphore, #tpu.memory_space<semaphore_mem>>, %arg17: memref<128xi32, #tpu.memory_space<vmem>>, %arg18: memref<128xi32, #tpu.memory_space<vmem>>, %arg19: memref<128xi32, #tpu.memory_space<vmem>>, %arg20: memref<128xi32, #tpu.memory_space<vmem>>, %arg21: memref<128xi32, #tpu.memory_space<vmem>>, %arg22: memref<128xi32, #tpu.memory_space<vmem>>, %arg23: memref<128xi32, #tpu.memory_space<vmem>>, %arg24: memref<128xi32, #tpu.memory_space<vmem>>) attributes {dimension_semantics = [#tpu.dimension_semantics<core_parallel>, #tpu.dimension_semantics<subcore_parallel>], iteration_bounds = array<i64: 2, 16>, scalar_prefetch = 0 : i64, scratch_operands = 19 : i64, tpu.core_type = #tpu.core_type<sc_vector_subcore>, window_params = [{transform_indices = #map}, {transform_indices = #map1}, {transform_indices = #map1}, {transform_indices = #map2}]} {
    %mul3A = arith.constant 16 : i32
    %mul3A_0 = arith.muli %arg0, %mul3A : i32
    %add3A = arith.addi %mul3A_0, %arg1 : i32
    %mul3A_1 = arith.constant 80 : i32
    %mul3A_2 = arith.muli %add3A, %mul3A_1 : i32
    %broadcast_in_dim3A = arith.constant 0.000000e+00 : f32
    %broadcast_in_dim3A_3 = vector.broadcast %broadcast_in_dim3A : f32 to vector<16xf32>
    %add3A_4 = arith.constant 0 : i32
    %add3A_5 = arith.addi %mul3A_2, %add3A_4 : i32
    %mul3A_6 = arith.constant 128 : i32
    %mul3A_7 = arith.muli %add3A_5, %mul3A_6 : i32
    %dma_start3A = tpu.memref_slice %arg3[%mul3A_7] : memref<327680xi32, #tpu.memory_space<hbm>> -> memref<128xi32, #tpu.memory_space<hbm>>
    %dma_start3A_8 = tpu.memref_slice %arg3[%mul3A_7] : memref<327680xi32, #tpu.memory_space<hbm>> -> memref<128xi32, #tpu.memory_space<hbm>>
    tpu.enqueue_dma source(%dma_start3A_8 : memref<128xi32, #tpu.memory_space<hbm>>) target(%arg17 : memref<128xi32, #tpu.memory_space<vmem>>) target_semaphore(%arg13 : memref<!tpu.dma_semaphore, #tpu.memory_space<semaphore_mem>>)
    %dma_start3A_9 = tpu.memref_slice %arg4[%mul3A_7] : memref<327680xi32, #tpu.memory_space<hbm>> -> memref<128xi32, #tpu.memory_space<hbm>>
    %dma_start3A_10 = tpu.memref_slice %arg4[%mul3A_7] : memref<327680xi32, #tpu.memory_space<hbm>> -> memref<128xi32, #tpu.memory_space<hbm>>
    tpu.enqueue_dma source(%dma_start3A_10 : memref<128xi32, #tpu.memory_space<hbm>>) target(%arg21 : memref<128xi32, #tpu.memory_space<vmem>>) target_semaphore(%arg13 : memref<!tpu.dma_semaphore, #tpu.memory_space<semaphore_mem>>)
    %add3A_11 = arith.constant 1 : i32
    %add3A_12 = arith.addi %mul3A_2, %add3A_11 : i32
    %mul3A_13 = arith.constant 128 : i32
    %mul3A_14 = arith.muli %add3A_12, %mul3A_13 : i32
    %dma_start3A_15 = tpu.memref_slice %arg3[%mul3A_14] : memref<327680xi32, #tpu.memory_space<hbm>> -> memref<128xi32, #tpu.memory_space<hbm>>
    %dma_start3A_16 = tpu.memref_slice %arg3[%mul3A_14] : memref<327680xi32, #tpu.memory_space<hbm>> -> memref<128xi32, #tpu.memory_space<hbm>>
    tpu.enqueue_dma source(%dma_start3A_16 : memref<128xi32, #tpu.memory_space<hbm>>) target(%arg18 : memref<128xi32, #tpu.memory_space<vmem>>) target_semaphore(%arg14 : memref<!tpu.dma_semaphore, #tpu.memory_space<semaphore_mem>>)
    %dma_start3A_17 = tpu.memref_slice %arg4[%mul3A_14] : memref<327680xi32, #tpu.memory_space<hbm>> -> memref<128xi32, #tpu.memory_space<hbm>>
    %dma_start3A_18 = tpu.memref_slice %arg4[%mul3A_14] : memref<327680xi32, #tpu.memory_space<hbm>> -> memref<128xi32, #tpu.memory_space<hbm>>
    tpu.enqueue_dma source(%dma_start3A_18 : memref<128xi32, #tpu.memory_space<hbm>>) target(%arg22 : memref<128xi32, #tpu.memory_space<vmem>>) target_semaphore(%arg14 : memref<!tpu.dma_semaphore, #tpu.memory_space<semaphore_mem>>)
    %add3A_19 = arith.constant 2 : i32
    %add3A_20 = arith.addi %mul3A_2, %add3A_19 : i32
    %mul3A_21 = arith.constant 128 : i32
    %mul3A_22 = arith.muli %add3A_20, %mul3A_21 : i32
    %dma_start3A_23 = tpu.memref_slice %arg3[%mul3A_22] : memref<327680xi32, #tpu.memory_space<hbm>> -> memref<128xi32, #tpu.memory_space<hbm>>
    %dma_start3A_24 = tpu.memref_slice %arg3[%mul3A_22] : memref<327680xi32, #tpu.memory_space<hbm>> -> memref<128xi32, #tpu.memory_space<hbm>>
    tpu.enqueue_dma source(%dma_start3A_24 : memref<128xi32, #tpu.memory_space<hbm>>) target(%arg19 : memref<128xi32, #tpu.memory_space<vmem>>) target_semaphore(%arg15 : memref<!tpu.dma_semaphore, #tpu.memory_space<semaphore_mem>>)
    %dma_start3A_25 = tpu.memref_slice %arg4[%mul3A_22] : memref<327680xi32, #tpu.memory_space<hbm>> -> memref<128xi32, #tpu.memory_space<hbm>>
    %dma_start3A_26 = tpu.memref_slice %arg4[%mul3A_22] : memref<327680xi32, #tpu.memory_space<hbm>> -> memref<128xi32, #tpu.memory_space<hbm>>
    tpu.enqueue_dma source(%dma_start3A_26 : memref<128xi32, #tpu.memory_space<hbm>>) target(%arg23 : memref<128xi32, #tpu.memory_space<vmem>>) target_semaphore(%arg15 : memref<!tpu.dma_semaphore, #tpu.memory_space<semaphore_mem>>)
    %add3A_27 = arith.constant 3 : i32
    %add3A_28 = arith.addi %mul3A_2, %add3A_27 : i32
    %mul3A_29 = arith.constant 128 : i32
    %mul3A_30 = arith.muli %add3A_28, %mul3A_29 : i32
    %dma_start3A_31 = tpu.memref_slice %arg3[%mul3A_30] : memref<327680xi32, #tpu.memory_space<hbm>> -> memref<128xi32, #tpu.memory_space<hbm>>
    %dma_start3A_32 = tpu.memref_slice %arg3[%mul3A_30] : memref<327680xi32, #tpu.memory_space<hbm>> -> memref<128xi32, #tpu.memory_space<hbm>>
    tpu.enqueue_dma source(%dma_start3A_32 : memref<128xi32, #tpu.memory_space<hbm>>) target(%arg20 : memref<128xi32, #tpu.memory_space<vmem>>) target_semaphore(%arg16 : memref<!tpu.dma_semaphore, #tpu.memory_space<semaphore_mem>>)
    %dma_start3A_33 = tpu.memref_slice %arg4[%mul3A_30] : memref<327680xi32, #tpu.memory_space<hbm>> -> memref<128xi32, #tpu.memory_space<hbm>>
    %dma_start3A_34 = tpu.memref_slice %arg4[%mul3A_30] : memref<327680xi32, #tpu.memory_space<hbm>> -> memref<128xi32, #tpu.memory_space<hbm>>
    tpu.enqueue_dma source(%dma_start3A_34 : memref<128xi32, #tpu.memory_space<hbm>>) target(%arg24 : memref<128xi32, #tpu.memory_space<vmem>>) target_semaphore(%arg16 : memref<!tpu.dma_semaphore, #tpu.memory_space<semaphore_mem>>)
    %scan3A = arith.constant 0 : i32
    %scan3A_35 = arith.constant 0 : i32
    %scan3A_36 = arith.constant 128 : i32
    %scan3A_37 = arith.addi %scan3A_35, %scan3A_36 : i32
    %scan3A_38 = arith.constant 1 : i32
    %scan3A_39 = scf.for %scan3A_312 = %scan3A_35 to %scan3A_37 step %scan3A_38 iter_args(%scan3A_313 = %scan3A) -> (i32)  : i32 {
      %swap3A = arith.index_cast %scan3A_312 : i32 to index
      %swap3A_314 = arith.constant 0 : index
      %swap3A_315 = tpu.vector_load %arg6[%swap3A, %swap3A_314] {strides = array<i32>} : memref<128x128xf32, #tpu.memory_space<vmem>>, vector<1x16xf32>,
      %swap3A_316 = vector.shape_cast %swap3A_315 : vector<1x16xf32> to vector<16xf32>
      %swap3A_317 = vector.shape_cast %broadcast_in_dim3A_3 : vector<16xf32> to vector<1x16xf32>
      tpu.vector_store %arg6[%swap3A, %swap3A_314], %swap3A_317 {strides = array<i32>} : memref<128x128xf32, #tpu.memory_space<vmem>>, vector<1x16xf32>,
      %swap3A_318 = arith.index_cast %scan3A_312 : i32 to index
      %swap3A_319 = arith.constant 16 : index
      %swap3A_320 = tpu.vector_load %arg6[%swap3A_318, %swap3A_319] {strides = array<i32>} : memref<128x128xf32, #tpu.memory_space<vmem>>, vector<1x16xf32>,
      %swap3A_321 = vector.shape_cast %swap3A_320 : vector<1x16xf32> to vector<16xf32>
      %swap3A_322 = vector.shape_cast %broadcast_in_dim3A_3 : vector<16xf32> to vector<1x16xf32>
      tpu.vector_store %arg6[%swap3A_318, %swap3A_319], %swap3A_322 {strides = array<i32>} : memref<128x128xf32, #tpu.memory_space<vmem>>, vector<1x16xf32>,
      %swap3A_323 = arith.index_cast %scan3A_312 : i32 to index
      %swap3A_324 = arith.constant 32 : index
      %swap3A_325 = tpu.vector_load %arg6[%swap3A_323, %swap3A_324] {strides = array<i32>} : memref<128x128xf32, #tpu.memory_space<vmem>>, vector<1x16xf32>,
      %swap3A_326 = vector.shape_cast %swap3A_325 : vector<1x16xf32> to vector<16xf32>
      %swap3A_327 = vector.shape_cast %broadcast_in_dim3A_3 : vector<16xf32> to vector<1x16xf32>
      tpu.vector_store %arg6[%swap3A_323, %swap3A_324], %swap3A_327 {strides = array<i32>} : memref<128x128xf32, #tpu.memory_space<vmem>>, vector<1x16xf32>,
      %swap3A_328 = arith.index_cast %scan3A_312 : i32 to index
      %swap3A_329 = arith.constant 48 : index
      %swap3A_330 = tpu.vector_load %arg6[%swap3A_328, %swap3A_329] {strides = array<i32>} : memref<128x128xf32, #tpu.memory_space<vmem>>, vector<1x16xf32>,
      %swap3A_331 = vector.shape_cast %swap3A_330 : vector<1x16xf32> to vector<16xf32>
      %swap3A_332 = vector.shape_cast %broadcast_in_dim3A_3 : vector<16xf32> to vector<1x16xf32>
      tpu.vector_store %arg6[%swap3A_328, %swap3A_329], %swap3A_332 {strides = array<i32>} : memref<128x128xf32, #tpu.memory_space<vmem>>, vector<1x16xf32>,
      %swap3A_333 = arith.index_cast %scan3A_312 : i32 to index
      %swap3A_334 = arith.constant 64 : index
      %swap3A_335 = tpu.vector_load %arg6[%swap3A_333, %swap3A_334] {strides = array<i32>} : memref<128x128xf32, #tpu.memory_space<vmem>>, vector<1x16xf32>,
      %swap3A_336 = vector.shape_cast %swap3A_335 : vector<1x16xf32> to vector<16xf32>
      %swap3A_337 = vector.shape_cast %broadcast_in_dim3A_3 : vector<16xf32> to vector<1x16xf32>
      tpu.vector_store %arg6[%swap3A_333, %swap3A_334], %swap3A_337 {strides = array<i32>} : memref<128x128xf32, #tpu.memory_space<vmem>>, vector<1x16xf32>,
      %swap3A_338 = arith.index_cast %scan3A_312 : i32 to index
      %swap3A_339 = arith.constant 80 : index
      %swap3A_340 = tpu.vector_load %arg6[%swap3A_338, %swap3A_339] {strides = array<i32>} : memref<128x128xf32, #tpu.memory_space<vmem>>, vector<1x16xf32>,
      %swap3A_341 = vector.shape_cast %swap3A_340 : vector<1x16xf32> to vector<16xf32>
      %swap3A_342 = vector.shape_cast %broadcast_in_dim3A_3 : vector<16xf32> to vector<1x16xf32>
      tpu.vector_store %arg6[%swap3A_338, %swap3A_339], %swap3A_342 {strides = array<i32>} : memref<128x128xf32, #tpu.memory_space<vmem>>, vector<1x16xf32>,
      %swap3A_343 = arith.index_cast %scan3A_312 : i32 to index
      %swap3A_344 = arith.constant 96 : index
      %swap3A_345 = tpu.vector_load %arg6[%swap3A_343, %swap3A_344] {strides = array<i32>} : memref<128x128xf32, #tpu.memory_space<vmem>>, vector<1x16xf32>,
      %swap3A_346 = vector.shape_cast %swap3A_345 : vector<1x16xf32> to vector<16xf32>
      %swap3A_347 = vector.shape_cast %broadcast_in_dim3A_3 : vector<16xf32> to vector<1x16xf32>
      tpu.vector_store %arg6[%swap3A_343, %swap3A_344], %swap3A_347 {strides = array<i32>} : memref<128x128xf32, #tpu.memory_space<vmem>>, vector<1x16xf32>,
      %swap3A_348 = arith.index_cast %scan3A_312 : i32 to index
      %swap3A_349 = arith.constant 112 : index
      %swap3A_350 = tpu.vector_load %arg6[%swap3A_348, %swap3A_349] {strides = array<i32>} : memref<128x128xf32, #tpu.memory_space<vmem>>, vector<1x16xf32>,
      %swap3A_351 = vector.shape_cast %swap3A_350 : vector<1x16xf32> to vector<16xf32>
      %swap3A_352 = vector.shape_cast %broadcast_in_dim3A_3 : vector<16xf32> to vector<1x16xf32>
      tpu.vector_store %arg6[%swap3A_348, %swap3A_349], %swap3A_352 {strides = array<i32>} : memref<128x128xf32, #tpu.memory_space<vmem>>, vector<1x16xf32>,
      %scan3A_353 = arith.constant 0 : i32
      scf.yield %scan3A_353 : i32
    }
    %scan3A_40 = arith.constant 128 : i32
    %mul3A_41 = arith.constant 640 : i32
    %mul3A_42 = arith.muli %arg1, %mul3A_41 : i32
    %add3A_43 = arith.constant 0 : i32
    %add3A_44 = arith.addi %mul3A_42, %add3A_43 : i32
    %dma_start3A_45 = arith.constant 0 : i32
    %dma_start3A_46 = tpu.memref_slice %arg8[%add3A_44, %dma_start3A_45] : memref<10240x128xf32, #tpu.memory_space<vmem_shared>> -> memref<128x128xf32, #tpu.memory_space<vmem_shared>>
    %dma_start3A_47 = arith.constant 0 : i32
    %dma_start3A_48 = tpu.memref_slice %arg8[%add3A_44, %dma_start3A_47] : memref<10240x128xf32, #tpu.memory_space<vmem_shared>> -> memref<128x128xf32, #tpu.memory_space<vmem_shared>>
    tpu.enqueue_dma source(%arg6 : memref<128x128xf32, #tpu.memory_space<vmem>>) target(%dma_start3A_48 : memref<128x128xf32, #tpu.memory_space<vmem_shared>>) target_semaphore(%arg10 : memref<!tpu.dma_semaphore, #tpu.memory_space<semaphore_mem>>)
    %mul3A_49 = arith.constant 640 : i32
    %mul3A_50 = arith.muli %arg1, %mul3A_49 : i32
    %add3A_51 = arith.constant 128 : i32
    %add3A_52 = arith.addi %mul3A_50, %add3A_51 : i32
    %dma_start3A_53 = arith.constant 0 : i32
    %dma_start3A_54 = tpu.memref_slice %arg8[%add3A_52, %dma_start3A_53] : memref<10240x128xf32, #tpu.memory_space<vmem_shared>> -> memref<128x128xf32, #tpu.memory_space<vmem_shared>>
    %dma_start3A_55 = arith.constant 0 : i32
    %dma_start3A_56 = tpu.memref_slice %arg8[%add3A_52, %dma_start3A_55] : memref<10240x128xf32, #tpu.memory_space<vmem_shared>> -> memref<128x128xf32, #tpu.memory_space<vmem_shared>>
    tpu.enqueue_dma source(%arg6 : memref<128x128xf32, #tpu.memory_space<vmem>>) target(%dma_start3A_56 : memref<128x128xf32, #tpu.memory_space<vmem_shared>>) target_semaphore(%arg10 : memref<!tpu.dma_semaphore, #tpu.memory_space<semaphore_mem>>)
    %mul3A_57 = arith.constant 640 : i32
    %mul3A_58 = arith.muli %arg1, %mul3A_57 : i32
    %add3A_59 = arith.constant 256 : i32
    %add3A_60 = arith.addi %mul3A_58, %add3A_59 : i32
    %dma_start3A_61 = arith.constant 0 : i32
    %dma_start3A_62 = tpu.memref_slice %arg8[%add3A_60, %dma_start3A_61] : memref<10240x128xf32, #tpu.memory_space<vmem_shared>> -> memref<128x128xf32, #tpu.memory_space<vmem_shared>>
    %dma_start3A_63 = arith.constant 0 : i32
    %dma_start3A_64 = tpu.memref_slice %arg8[%add3A_60, %dma_start3A_63] : memref<10240x128xf32, #tpu.memory_space<vmem_shared>> -> memref<128x128xf32, #tpu.memory_space<vmem_shared>>
    tpu.enqueue_dma source(%arg6 : memref<128x128xf32, #tpu.memory_space<vmem>>) target(%dma_start3A_64 : memref<128x128xf32, #tpu.memory_space<vmem_shared>>) target_semaphore(%arg10 : memref<!tpu.dma_semaphore, #tpu.memory_space<semaphore_mem>>)
    %mul3A_65 = arith.constant 640 : i32
    %mul3A_66 = arith.muli %arg1, %mul3A_65 : i32
    %add3A_67 = arith.constant 384 : i32
    %add3A_68 = arith.addi %mul3A_66, %add3A_67 : i32
    %dma_start3A_69 = arith.constant 0 : i32
    %dma_start3A_70 = tpu.memref_slice %arg8[%add3A_68, %dma_start3A_69] : memref<10240x128xf32, #tpu.memory_space<vmem_shared>> -> memref<128x128xf32, #tpu.memory_space<vmem_shared>>
    %dma_start3A_71 = arith.constant 0 : i32
    %dma_start3A_72 = tpu.memref_slice %arg8[%add3A_68, %dma_start3A_71] : memref<10240x128xf32, #tpu.memory_space<vmem_shared>> -> memref<128x128xf32, #tpu.memory_space<vmem_shared>>
    tpu.enqueue_dma source(%arg6 : memref<128x128xf32, #tpu.memory_space<vmem>>) target(%dma_start3A_72 : memref<128x128xf32, #tpu.memory_space<vmem_shared>>) target_semaphore(%arg10 : memref<!tpu.dma_semaphore, #tpu.memory_space<semaphore_mem>>)
    %mul3A_73 = arith.constant 640 : i32
    %mul3A_74 = arith.muli %arg1, %mul3A_73 : i32
    %add3A_75 = arith.constant 512 : i32
    %add3A_76 = arith.addi %mul3A_74, %add3A_75 : i32
    %dma_start3A_77 = arith.constant 0 : i32
    %dma_start3A_78 = tpu.memref_slice %arg8[%add3A_76, %dma_start3A_77] : memref<10240x128xf32, #tpu.memory_space<vmem_shared>> -> memref<128x128xf32, #tpu.memory_space<vmem_shared>>
    %dma_start3A_79 = arith.constant 0 : i32
    %dma_start3A_80 = tpu.memref_slice %arg8[%add3A_76, %dma_start3A_79] : memref<10240x128xf32, #tpu.memory_space<vmem_shared>> -> memref<128x128xf32, #tpu.memory_space<vmem_shared>>
    tpu.enqueue_dma source(%arg6 : memref<128x128xf32, #tpu.memory_space<vmem>>) target(%dma_start3A_80 : memref<128x128xf32, #tpu.memory_space<vmem_shared>>) target_semaphore(%arg10 : memref<!tpu.dma_semaphore, #tpu.memory_space<semaphore_mem>>)
    %mul3A_81 = arith.constant 640 : i32
    %mul3A_82 = arith.muli %arg1, %mul3A_81 : i32
    %dma_wait3A = arith.constant 0 : i32
    %dma_wait3A_83 = tpu.memref_slice %arg8[%mul3A_82, %dma_wait3A] : memref<10240x128xf32, #tpu.memory_space<vmem_shared>> -> memref<128x128xf32, #tpu.memory_space<vmem_shared>>
    %dma_wait3A_84 = arith.constant 0 : i32
    %dma_wait3A_85 = tpu.memref_slice %arg8[%mul3A_82, %dma_wait3A_84] : memref<10240x128xf32, #tpu.memory_space<vmem_shared>> -> memref<128x128xf32, #tpu.memory_space<vmem_shared>>
    tpu.wait_dma2 semaphore(%arg10 : memref<!tpu.dma_semaphore, #tpu.memory_space<semaphore_mem>>) src(%arg6 : memref<128x128xf32, #tpu.memory_space<vmem>>) dst(%dma_wait3A_85 : memref<128x128xf32, #tpu.memory_space<vmem_shared>>)
    %mul3A_86 = arith.constant 640 : i32
    %mul3A_87 = arith.muli %arg1, %mul3A_86 : i32
    %dma_wait3A_88 = arith.constant 0 : i32
    %dma_wait3A_89 = tpu.memref_slice %arg8[%mul3A_87, %dma_wait3A_88] : memref<10240x128xf32, #tpu.memory_space<vmem_shared>> -> memref<128x128xf32, #tpu.memory_space<vmem_shared>>
    %dma_wait3A_90 = arith.constant 0 : i32
    %dma_wait3A_91 = tpu.memref_slice %arg8[%mul3A_87, %dma_wait3A_90] : memref<10240x128xf32, #tpu.memory_space<vmem_shared>> -> memref<128x128xf32, #tpu.memory_space<vmem_shared>>
    tpu.wait_dma2 semaphore(%arg10 : memref<!tpu.dma_semaphore, #tpu.memory_space<semaphore_mem>>) src(%arg6 : memref<128x128xf32, #tpu.memory_space<vmem>>) dst(%dma_wait3A_91 : memref<128x128xf32, #tpu.memory_space<vmem_shared>>)
    %mul3A_92 = arith.constant 640 : i32
    %mul3A_93 = arith.muli %arg1, %mul3A_92 : i32
    %dma_wait3A_94 = arith.constant 0 : i32
    %dma_wait3A_95 = tpu.memref_slice %arg8[%mul3A_93, %dma_wait3A_94] : memref<10240x128xf32, #tpu.memory_space<vmem_shared>> -> memref<128x128xf32, #tpu.memory_space<vmem_shared>>
    %dma_wait3A_96 = arith.constant 0 : i32
    %dma_wait3A_97 = tpu.memref_slice %arg8[%mul3A_93, %dma_wait3A_96] : memref<10240x128xf32, #tpu.memory_space<vmem_shared>> -> memref<128x128xf32, #tpu.memory_space<vmem_shared>>
    tpu.wait_dma2 semaphore(%arg10 : memref<!tpu.dma_semaphore, #tpu.memory_space<semaphore_mem>>) src(%arg6 : memref<128x128xf32, #tpu.memory_space<vmem>>) dst(%dma_wait3A_97 : memref<128x128xf32, #tpu.memory_space<vmem_shared>>)
    %mul3A_98 = arith.constant 640 : i32
    %mul3A_99 = arith.muli %arg1, %mul3A_98 : i32
    %dma_wait3A_100 = arith.constant 0 : i32
    %dma_wait3A_101 = tpu.memref_slice %arg8[%mul3A_99, %dma_wait3A_100] : memref<10240x128xf32, #tpu.memory_space<vmem_shared>> -> memref<128x128xf32, #tpu.memory_space<vmem_shared>>
    %dma_wait3A_102 = arith.constant 0 : i32
    %dma_wait3A_103 = tpu.memref_slice %arg8[%mul3A_99, %dma_wait3A_102] : memref<10240x128xf32, #tpu.memory_space<vmem_shared>> -> memref<128x128xf32, #tpu.memory_space<vmem_shared>>
    tpu.wait_dma2 semaphore(%arg10 : memref<!tpu.dma_semaphore, #tpu.memory_space<semaphore_mem>>) src(%arg6 : memref<128x128xf32, #tpu.memory_space<vmem>>) dst(%dma_wait3A_103 : memref<128x128xf32, #tpu.memory_space<vmem_shared>>)
    %mul3A_104 = arith.constant 640 : i32
    %mul3A_105 = arith.muli %arg1, %mul3A_104 : i32
    %dma_wait3A_106 = arith.constant 0 : i32
    %dma_wait3A_107 = tpu.memref_slice %arg8[%mul3A_105, %dma_wait3A_106] : memref<10240x128xf32, #tpu.memory_space<vmem_shared>> -> memref<128x128xf32, #tpu.memory_space<vmem_shared>>
    %dma_wait3A_108 = arith.constant 0 : i32
    %dma_wait3A_109 = tpu.memref_slice %arg8[%mul3A_105, %dma_wait3A_108] : memref<10240x128xf32, #tpu.memory_space<vmem_shared>> -> memref<128x128xf32, #tpu.memory_space<vmem_shared>>
    tpu.wait_dma2 semaphore(%arg10 : memref<!tpu.dma_semaphore, #tpu.memory_space<semaphore_mem>>) src(%arg6 : memref<128x128xf32, #tpu.memory_space<vmem>>) dst(%dma_wait3A_109 : memref<128x128xf32, #tpu.memory_space<vmem_shared>>)
    %barrier3A = arith.constant 0 : index
    tpu.barrier barrier_id(%barrier3A)
    %add3A_110 = arith.constant 0 : i32
    %add3A_111 = arith.addi %mul3A_2, %add3A_110 : i32
    %mul3A_112 = arith.constant 128 : i32
    %mul3A_113 = arith.muli %add3A_111, %mul3A_112 : i32
    %dma_wait3A_114 = tpu.memref_slice %arg3[%mul3A_113] : memref<327680xi32, #tpu.memory_space<hbm>> -> memref<128xi32, #tpu.memory_space<hbm>>
    %dma_wait3A_115 = tpu.memref_slice %arg3[%mul3A_113] : memref<327680xi32, #tpu.memory_space<hbm>> -> memref<128xi32, #tpu.memory_space<hbm>>
    tpu.wait_dma2 semaphore(%arg13 : memref<!tpu.dma_semaphore, #tpu.memory_space<semaphore_mem>>) src(%dma_wait3A_115 : memref<128xi32, #tpu.memory_space<hbm>>) dst(%arg17 : memref<128xi32, #tpu.memory_space<vmem>>)
    %dma_wait3A_116 = tpu.memref_slice %arg4[%mul3A_113] : memref<327680xi32, #tpu.memory_space<hbm>> -> memref<128xi32, #tpu.memory_space<hbm>>
    %dma_wait3A_117 = tpu.memref_slice %arg4[%mul3A_113] : memref<327680xi32, #tpu.memory_space<hbm>> -> memref<128xi32, #tpu.memory_space<hbm>>
    tpu.wait_dma2 semaphore(%arg13 : memref<!tpu.dma_semaphore, #tpu.memory_space<semaphore_mem>>) src(%dma_wait3A_117 : memref<128xi32, #tpu.memory_space<hbm>>) dst(%arg21 : memref<128xi32, #tpu.memory_space<vmem>>)
    %dma_start3A_118 = arith.constant 0 : i32
    %dma_start3A_119 = arith.constant 0 : i32
    %dma_start3A_120 = tpu.memref_slice %arg2[%dma_start3A_118, %dma_start3A_119] : memref<10240x128xf32, #tpu.memory_space<hbm>> -> memref<10240x128xf32, #tpu.memory_space<hbm>>
    tpu.enqueue_indirect_dma source(%dma_start3A_120 : memref<10240x128xf32, #tpu.memory_space<hbm>>) target(%arg6 : memref<128x128xf32, #tpu.memory_space<vmem>>) offsets(%arg17 : memref<128xi32, #tpu.memory_space<vmem>>) semaphore(%arg9 : memref<!tpu.dma_semaphore, #tpu.memory_space<semaphore_mem>>)
    %scan3A_121 = arith.constant 0 : i32
    %scan3A_122 = arith.constant 0 : i32
    %scan3A_123 = arith.constant 20 : i32
    %scan3A_124 = arith.addi %scan3A_122, %scan3A_123 : i32
    %scan3A_125 = arith.constant 1 : i32
    %scan3A_126 = scf.for %scan3A_312 = %scan3A_122 to %scan3A_124 step %scan3A_125 iter_args(%scan3A_313 = %scan3A_121) -> (i32)  : i32 {
      %mul3A_314 = arith.constant 4 : i32
      %mul3A_315 = arith.muli %scan3A_312, %mul3A_314 : i32
      %add3A_316 = arith.constant 0 : i32
      %add3A_317 = arith.addi %mul3A_315, %add3A_316 : i32
      %dma_wait3A_318 = arith.constant 0 : i32
      %dma_wait3A_319 = arith.constant 0 : i32
      %dma_wait3A_320 = tpu.memref_slice %arg2[%dma_wait3A_318, %dma_wait3A_319] : memref<10240x128xf32, #tpu.memory_space<hbm>> -> memref<10240x128xf32, #tpu.memory_space<hbm>>
      tpu.wait_indirect_dma semaphore(%arg9 : memref<!tpu.dma_semaphore, #tpu.memory_space<semaphore_mem>>) src(%dma_wait3A_320 : memref<10240x128xf32, #tpu.memory_space<hbm>>) dst(%arg6 : memref<128x128xf32, #tpu.memory_space<vmem>>)
      %add3A_321 = arith.constant 1 : i32
      %add3A_322 = arith.addi %add3A_317, %add3A_321 : i32
      %ge3A = arith.constant 1 : i32
      %ge3A_323 = arith.cmpi sge, %add3A_317, %ge3A : i32
      %convert_element_type3A = arith.extui %ge3A_323 : i1 to i32
      %cond3A = arith.constant 0 : i32
      %cond3A_324 = arith.cmpi ne, %convert_element_type3A, %cond3A : i32
      scf.if %cond3A_324 {
        %dma_wait3A_399 = arith.constant 0 : i32
        %dma_wait3A_400 = arith.constant 0 : i32
        %dma_wait3A_401 = tpu.memref_slice %arg8[%dma_wait3A_399, %dma_wait3A_400] : memref<10240x128xf32, #tpu.memory_space<vmem_shared>> -> memref<10240x128xf32, #tpu.memory_space<vmem_shared>>
        tpu.wait_indirect_dma semaphore(%arg12 : memref<!tpu.dma_semaphore, #tpu.memory_space<semaphore_mem>>) src(%arg7 : memref<128x128xf32, #tpu.memory_space<vmem>>) dst(%dma_wait3A_401 : memref<10240x128xf32, #tpu.memory_space<vmem_shared>>)
        %add3A_402 = arith.constant 3 : i32
        %add3A_403 = arith.addi %add3A_317, %add3A_402 : i32
        %lt3A_404 = arith.constant 80 : i32
        %lt3A_405 = arith.cmpi slt, %add3A_403, %lt3A_404 : i32
        %convert_element_type3A_406 = arith.extui %lt3A_405 : i1 to i32
        %cond3A_407 = arith.constant 0 : i32
        %cond3A_408 = arith.cmpi ne, %convert_element_type3A_406, %cond3A_407 : i32
        scf.if %cond3A_408 {
          %add3A_409 = arith.constant 3 : i32
          %add3A_410 = arith.addi %add3A_317, %add3A_409 : i32
          %add3A_411 = arith.addi %mul3A_2, %add3A_410 : i32
          %mul3A_412 = arith.constant 128 : i32
          %mul3A_413 = arith.muli %add3A_411, %mul3A_412 : i32
          %dma_start3A_414 = tpu.memref_slice %arg3[%mul3A_413] : memref<327680xi32, #tpu.memory_space<hbm>> -> memref<128xi32, #tpu.memory_space<hbm>>
          %dma_start3A_415 = tpu.memref_slice %arg3[%mul3A_413] : memref<327680xi32, #tpu.memory_space<hbm>> -> memref<128xi32, #tpu.memory_space<hbm>>
          tpu.enqueue_dma source(%dma_start3A_415 : memref<128xi32, #tpu.memory_space<hbm>>) target(%arg20 : memref<128xi32, #tpu.memory_space<vmem>>) target_semaphore(%arg16 : memref<!tpu.dma_semaphore, #tpu.memory_space<semaphore_mem>>)
          %dma_start3A_416 = tpu.memref_slice %arg4[%mul3A_413] : memref<327680xi32, #tpu.memory_space<hbm>> -> memref<128xi32, #tpu.memory_space<hbm>>
          %dma_start3A_417 = tpu.memref_slice %arg4[%mul3A_413] : memref<327680xi32, #tpu.memory_space<hbm>> -> memref<128xi32, #tpu.memory_space<hbm>>
          tpu.enqueue_dma source(%dma_start3A_417 : memref<128xi32, #tpu.memory_space<hbm>>) target(%arg24 : memref<128xi32, #tpu.memory_space<vmem>>) target_semaphore(%arg16 : memref<!tpu.dma_semaphore, #tpu.memory_space<semaphore_mem>>)
        } else {
        }
      } else {
      }
      %lt3A = arith.constant 80 : i32
      %lt3A_325 = arith.cmpi slt, %add3A_322, %lt3A : i32
      %convert_element_type3A_326 = arith.extui %lt3A_325 : i1 to i32
      %cond3A_327 = arith.constant 0 : i32
      %cond3A_328 = arith.cmpi ne, %convert_element_type3A_326, %cond3A_327 : i32
      scf.if %cond3A_328 {
        %add3A_399 = arith.addi %mul3A_2, %add3A_322 : i32
        %mul3A_400 = arith.constant 128 : i32
        %mul3A_401 = arith.muli %add3A_399, %mul3A_400 : i32
        %dma_wait3A_402 = tpu.memref_slice %arg3[%mul3A_401] : memref<327680xi32, #tpu.memory_space<hbm>> -> memref<128xi32, #tpu.memory_space<hbm>>
        %dma_wait3A_403 = tpu.memref_slice %arg3[%mul3A_401] : memref<327680xi32, #tpu.memory_space<hbm>> -> memref<128xi32, #tpu.memory_space<hbm>>
        tpu.wait_dma2 semaphore(%arg14 : memref<!tpu.dma_semaphore, #tpu.memory_space<semaphore_mem>>) src(%dma_wait3A_403 : memref<128xi32, #tpu.memory_space<hbm>>) dst(%arg18 : memref<128xi32, #tpu.memory_space<vmem>>)
        %dma_wait3A_404 = tpu.memref_slice %arg4[%mul3A_401] : memref<327680xi32, #tpu.memory_space<hbm>> -> memref<128xi32, #tpu.memory_space<hbm>>
        %dma_wait3A_405 = tpu.memref_slice %arg4[%mul3A_401] : memref<327680xi32, #tpu.memory_space<hbm>> -> memref<128xi32, #tpu.memory_space<hbm>>
        tpu.wait_dma2 semaphore(%arg14 : memref<!tpu.dma_semaphore, #tpu.memory_space<semaphore_mem>>) src(%dma_wait3A_405 : memref<128xi32, #tpu.memory_space<hbm>>) dst(%arg22 : memref<128xi32, #tpu.memory_space<vmem>>)
        %dma_start3A_406 = arith.constant 0 : i32
        %dma_start3A_407 = arith.constant 0 : i32
        %dma_start3A_408 = tpu.memref_slice %arg2[%dma_start3A_406, %dma_start3A_407] : memref<10240x128xf32, #tpu.memory_space<hbm>> -> memref<10240x128xf32, #tpu.memory_space<hbm>>
        tpu.enqueue_indirect_dma source(%dma_start3A_408 : memref<10240x128xf32, #tpu.memory_space<hbm>>) target(%arg7 : memref<128x128xf32, #tpu.memory_space<vmem>>) offsets(%arg18 : memref<128xi32, #tpu.memory_space<vmem>>) semaphore(%arg10 : memref<!tpu.dma_semaphore, #tpu.memory_space<semaphore_mem>>)
      } else {
      }
      %dma_start3A_329 = arith.constant 0 : i32
      %dma_start3A_330 = arith.constant 0 : i32
      %dma_start3A_331 = tpu.memref_slice %arg8[%dma_start3A_329, %dma_start3A_330] : memref<10240x128xf32, #tpu.memory_space<vmem_shared>> -> memref<10240x128xf32, #tpu.memory_space<vmem_shared>>
      tpu.enqueue_indirect_dma source(%arg6 : memref<128x128xf32, #tpu.memory_space<vmem>>) target(%dma_start3A_331 : memref<10240x128xf32, #tpu.memory_space<vmem_shared>>) offsets(%arg21 : memref<128xi32, #tpu.memory_space<vmem>>) semaphore(%arg11 : memref<!tpu.dma_semaphore, #tpu.memory_space<semaphore_mem>>) {add = true}
      %mul3A_332 = arith.constant 4 : i32
      %mul3A_333 = arith.muli %scan3A_312, %mul3A_332 : i32
      %add3A_334 = arith.constant 1 : i32
      %add3A_335 = arith.addi %mul3A_333, %add3A_334 : i32
      %dma_wait3A_336 = arith.constant 0 : i32
      %dma_wait3A_337 = arith.constant 0 : i32
      %dma_wait3A_338 = tpu.memref_slice %arg2[%dma_wait3A_336, %dma_wait3A_337] : memref<10240x128xf32, #tpu.memory_space<hbm>> -> memref<10240x128xf32, #tpu.memory_space<hbm>>
      tpu.wait_indirect_dma semaphore(%arg10 : memref<!tpu.dma_semaphore, #tpu.memory_space<semaphore_mem>>) src(%dma_wait3A_338 : memref<10240x128xf32, #tpu.memory_space<hbm>>) dst(%arg7 : memref<128x128xf32, #tpu.memory_space<vmem>>)
      %add3A_339 = arith.constant 1 : i32
      %add3A_340 = arith.addi %add3A_335, %add3A_339 : i32
      %ge3A_341 = arith.constant 1 : i32
      %ge3A_342 = arith.cmpi sge, %add3A_335, %ge3A_341 : i32
      %convert_element_type3A_343 = arith.extui %ge3A_342 : i1 to i32
      %cond3A_344 = arith.constant 0 : i32
      %cond3A_345 = arith.cmpi ne, %convert_element_type3A_343, %cond3A_344 : i32
      scf.if %cond3A_345 {
        %dma_wait3A_399 = arith.constant 0 : i32
        %dma_wait3A_400 = arith.constant 0 : i32
        %dma_wait3A_401 = tpu.memref_slice %arg8[%dma_wait3A_399, %dma_wait3A_400] : memref<10240x128xf32, #tpu.memory_space<vmem_shared>> -> memref<10240x128xf32, #tpu.memory_space<vmem_shared>>
        tpu.wait_indirect_dma semaphore(%arg11 : memref<!tpu.dma_semaphore, #tpu.memory_space<semaphore_mem>>) src(%arg6 : memref<128x128xf32, #tpu.memory_space<vmem>>) dst(%dma_wait3A_401 : memref<10240x128xf32, #tpu.memory_space<vmem_shared>>)
        %add3A_402 = arith.constant 3 : i32
        %add3A_403 = arith.addi %add3A_335, %add3A_402 : i32
        %lt3A_404 = arith.constant 80 : i32
        %lt3A_405 = arith.cmpi slt, %add3A_403, %lt3A_404 : i32
        %convert_element_type3A_406 = arith.extui %lt3A_405 : i1 to i32
        %cond3A_407 = arith.constant 0 : i32
        %cond3A_408 = arith.cmpi ne, %convert_element_type3A_406, %cond3A_407 : i32
        scf.if %cond3A_408 {
          %add3A_409 = arith.constant 3 : i32
          %add3A_410 = arith.addi %add3A_335, %add3A_409 : i32
          %add3A_411 = arith.addi %mul3A_2, %add3A_410 : i32
          %mul3A_412 = arith.constant 128 : i32
          %mul3A_413 = arith.muli %add3A_411, %mul3A_412 : i32
          %dma_start3A_414 = tpu.memref_slice %arg3[%mul3A_413] : memref<327680xi32, #tpu.memory_space<hbm>> -> memref<128xi32, #tpu.memory_space<hbm>>
          %dma_start3A_415 = tpu.memref_slice %arg3[%mul3A_413] : memref<327680xi32, #tpu.memory_space<hbm>> -> memref<128xi32, #tpu.memory_space<hbm>>
          tpu.enqueue_dma source(%dma_start3A_415 : memref<128xi32, #tpu.memory_space<hbm>>) target(%arg17 : memref<128xi32, #tpu.memory_space<vmem>>) target_semaphore(%arg13 : memref<!tpu.dma_semaphore, #tpu.memory_space<semaphore_mem>>)
          %dma_start3A_416 = tpu.memref_slice %arg4[%mul3A_413] : memref<327680xi32, #tpu.memory_space<hbm>> -> memref<128xi32, #tpu.memory_space<hbm>>
          %dma_start3A_417 = tpu.memref_slice %arg4[%mul3A_413] : memref<327680xi32, #tpu.memory_space<hbm>> -> memref<128xi32, #tpu.memory_space<hbm>>
          tpu.enqueue_dma source(%dma_start3A_417 : memref<128xi32, #tpu.memory_space<hbm>>) target(%arg21 : memref<128xi32, #tpu.memory_space<vmem>>) target_semaphore(%arg13 : memref<!tpu.dma_semaphore, #tpu.memory_space<semaphore_mem>>)
        } else {
        }
      } else {
      }
      %lt3A_346 = arith.constant 80 : i32
      %lt3A_347 = arith.cmpi slt, %add3A_340, %lt3A_346 : i32
      %convert_element_type3A_348 = arith.extui %lt3A_347 : i1 to i32
      %cond3A_349 = arith.constant 0 : i32
      %cond3A_350 = arith.cmpi ne, %convert_element_type3A_348, %cond3A_349 : i32
      scf.if %cond3A_350 {
        %add3A_399 = arith.addi %mul3A_2, %add3A_340 : i32
        %mul3A_400 = arith.constant 128 : i32
        %mul3A_401 = arith.muli %add3A_399, %mul3A_400 : i32
        %dma_wait3A_402 = tpu.memref_slice %arg3[%mul3A_401] : memref<327680xi32, #tpu.memory_space<hbm>> -> memref<128xi32, #tpu.memory_space<hbm>>
        %dma_wait3A_403 = tpu.memref_slice %arg3[%mul3A_401] : memref<327680xi32, #tpu.memory_space<hbm>> -> memref<128xi32, #tpu.memory_space<hbm>>
        tpu.wait_dma2 semaphore(%arg15 : memref<!tpu.dma_semaphore, #tpu.memory_space<semaphore_mem>>) src(%dma_wait3A_403 : memref<128xi32, #tpu.memory_space<hbm>>) dst(%arg19 : memref<128xi32, #tpu.memory_space<vmem>>)
        %dma_wait3A_404 = tpu.memref_slice %arg4[%mul3A_401] : memref<327680xi32, #tpu.memory_space<hbm>> -> memref<128xi32, #tpu.memory_space<hbm>>
        %dma_wait3A_405 = tpu.memref_slice %arg4[%mul3A_401] : memref<327680xi32, #tpu.memory_space<hbm>> -> memref<128xi32, #tpu.memory_space<hbm>>
        tpu.wait_dma2 semaphore(%arg15 : memref<!tpu.dma_semaphore, #tpu.memory_space<semaphore_mem>>) src(%dma_wait3A_405 : memref<128xi32, #tpu.memory_space<hbm>>) dst(%arg23 : memref<128xi32, #tpu.memory_space<vmem>>)
        %dma_start3A_406 = arith.constant 0 : i32
        %dma_start3A_407 = arith.constant 0 : i32
        %dma_start3A_408 = tpu.memref_slice %arg2[%dma_start3A_406, %dma_start3A_407] : memref<10240x128xf32, #tpu.memory_space<hbm>> -> memref<10240x128xf32, #tpu.memory_space<hbm>>
        tpu.enqueue_indirect_dma source(%dma_start3A_408 : memref<10240x128xf32, #tpu.memory_space<hbm>>) target(%arg6 : memref<128x128xf32, #tpu.memory_space<vmem>>) offsets(%arg19 : memref<128xi32, #tpu.memory_space<vmem>>) semaphore(%arg9 : memref<!tpu.dma_semaphore, #tpu.memory_space<semaphore_mem>>)
      } else {
      }
      %dma_start3A_351 = arith.constant 0 : i32
      %dma_start3A_352 = arith.constant 0 : i32
      %dma_start3A_353 = tpu.memref_slice %arg8[%dma_start3A_351, %dma_start3A_352] : memref<10240x128xf32, #tpu.memory_space<vmem_shared>> -> memref<10240x128xf32, #tpu.memory_space<vmem_shared>>
      tpu.enqueue_indirect_dma source(%arg7 : memref<128x128xf32, #tpu.memory_space<vmem>>) target(%dma_start3A_353 : memref<10240x128xf32, #tpu.memory_space<vmem_shared>>) offsets(%arg22 : memref<128xi32, #tpu.memory_space<vmem>>) semaphore(%arg12 : memref<!tpu.dma_semaphore, #tpu.memory_space<semaphore_mem>>) {add = true}
      %mul3A_354 = arith.constant 4 : i32
      %mul3A_355 = arith.muli %scan3A_312, %mul3A_354 : i32
      %add3A_356 = arith.constant 2 : i32
      %add3A_357 = arith.addi %mul3A_355, %add3A_356 : i32
      %dma_wait3A_358 = arith.constant 0 : i32
      %dma_wait3A_359 = arith.constant 0 : i32
      %dma_wait3A_360 = tpu.memref_slice %arg2[%dma_wait3A_358, %dma_wait3A_359] : memref<10240x128xf32, #tpu.memory_space<hbm>> -> memref<10240x128xf32, #tpu.memory_space<hbm>>
      tpu.wait_indirect_dma semaphore(%arg9 : memref<!tpu.dma_semaphore, #tpu.memory_space<semaphore_mem>>) src(%dma_wait3A_360 : memref<10240x128xf32, #tpu.memory_space<hbm>>) dst(%arg6 : memref<128x128xf32, #tpu.memory_space<vmem>>)
      %add3A_361 = arith.constant 1 : i32
      %add3A_362 = arith.addi %add3A_357, %add3A_361 : i32
      %ge3A_363 = arith.constant 1 : i32
      %ge3A_364 = arith.cmpi sge, %add3A_357, %ge3A_363 : i32
      %convert_element_type3A_365 = arith.extui %ge3A_364 : i1 to i32
      %cond3A_366 = arith.constant 0 : i32
      %cond3A_367 = arith.cmpi ne, %convert_element_type3A_365, %cond3A_366 : i32
      scf.if %cond3A_367 {
        %dma_wait3A_399 = arith.constant 0 : i32
        %dma_wait3A_400 = arith.constant 0 : i32
        %dma_wait3A_401 = tpu.memref_slice %arg8[%dma_wait3A_399, %dma_wait3A_400] : memref<10240x128xf32, #tpu.memory_space<vmem_shared>> -> memref<10240x128xf32, #tpu.memory_space<vmem_shared>>
        tpu.wait_indirect_dma semaphore(%arg12 : memref<!tpu.dma_semaphore, #tpu.memory_space<semaphore_mem>>) src(%arg7 : memref<128x128xf32, #tpu.memory_space<vmem>>) dst(%dma_wait3A_401 : memref<10240x128xf32, #tpu.memory_space<vmem_shared>>)
        %add3A_402 = arith.constant 3 : i32
        %add3A_403 = arith.addi %add3A_357, %add3A_402 : i32
        %lt3A_404 = arith.constant 80 : i32
        %lt3A_405 = arith.cmpi slt, %add3A_403, %lt3A_404 : i32
        %convert_element_type3A_406 = arith.extui %lt3A_405 : i1 to i32
        %cond3A_407 = arith.constant 0 : i32
        %cond3A_408 = arith.cmpi ne, %convert_element_type3A_406, %cond3A_407 : i32
        scf.if %cond3A_408 {
          %add3A_409 = arith.constant 3 : i32
          %add3A_410 = arith.addi %add3A_357, %add3A_409 : i32
          %add3A_411 = arith.addi %mul3A_2, %add3A_410 : i32
          %mul3A_412 = arith.constant 128 : i32
          %mul3A_413 = arith.muli %add3A_411, %mul3A_412 : i32
          %dma_start3A_414 = tpu.memref_slice %arg3[%mul3A_413] : memref<327680xi32, #tpu.memory_space<hbm>> -> memref<128xi32, #tpu.memory_space<hbm>>
          %dma_start3A_415 = tpu.memref_slice %arg3[%mul3A_413] : memref<327680xi32, #tpu.memory_space<hbm>> -> memref<128xi32, #tpu.memory_space<hbm>>
          tpu.enqueue_dma source(%dma_start3A_415 : memref<128xi32, #tpu.memory_space<hbm>>) target(%arg18 : memref<128xi32, #tpu.memory_space<vmem>>) target_semaphore(%arg14 : memref<!tpu.dma_semaphore, #tpu.memory_space<semaphore_mem>>)
          %dma_start3A_416 = tpu.memref_slice %arg4[%mul3A_413] : memref<327680xi32, #tpu.memory_space<hbm>> -> memref<128xi32, #tpu.memory_space<hbm>>
          %dma_start3A_417 = tpu.memref_slice %arg4[%mul3A_413] : memref<327680xi32, #tpu.memory_space<hbm>> -> memref<128xi32, #tpu.memory_space<hbm>>
          tpu.enqueue_dma source(%dma_start3A_417 : memref<128xi32, #tpu.memory_space<hbm>>) target(%arg22 : memref<128xi32, #tpu.memory_space<vmem>>) target_semaphore(%arg14 : memref<!tpu.dma_semaphore, #tpu.memory_space<semaphore_mem>>)
        } else {
        }
      } else {
      }
      %lt3A_368 = arith.constant 80 : i32
      %lt3A_369 = arith.cmpi slt, %add3A_362, %lt3A_368 : i32
      %convert_element_type3A_370 = arith.extui %lt3A_369 : i1 to i32
      %cond3A_371 = arith.constant 0 : i32
      %cond3A_372 = arith.cmpi ne, %convert_element_type3A_370, %cond3A_371 : i32
      scf.if %cond3A_372 {
        %add3A_399 = arith.addi %mul3A_2, %add3A_362 : i32
        %mul3A_400 = arith.constant 128 : i32
        %mul3A_401 = arith.muli %add3A_399, %mul3A_400 : i32
        %dma_wait3A_402 = tpu.memref_slice %arg3[%mul3A_401] : memref<327680xi32, #tpu.memory_space<hbm>> -> memref<128xi32, #tpu.memory_space<hbm>>
        %dma_wait3A_403 = tpu.memref_slice %arg3[%mul3A_401] : memref<327680xi32, #tpu.memory_space<hbm>> -> memref<128xi32, #tpu.memory_space<hbm>>
        tpu.wait_dma2 semaphore(%arg16 : memref<!tpu.dma_semaphore, #tpu.memory_space<semaphore_mem>>) src(%dma_wait3A_403 : memref<128xi32, #tpu.memory_space<hbm>>) dst(%arg20 : memref<128xi32, #tpu.memory_space<vmem>>)
        %dma_wait3A_404 = tpu.memref_slice %arg4[%mul3A_401] : memref<327680xi32, #tpu.memory_space<hbm>> -> memref<128xi32, #tpu.memory_space<hbm>>
        %dma_wait3A_405 = tpu.memref_slice %arg4[%mul3A_401] : memref<327680xi32, #tpu.memory_space<hbm>> -> memref<128xi32, #tpu.memory_space<hbm>>
        tpu.wait_dma2 semaphore(%arg16 : memref<!tpu.dma_semaphore, #tpu.memory_space<semaphore_mem>>) src(%dma_wait3A_405 : memref<128xi32, #tpu.memory_space<hbm>>) dst(%arg24 : memref<128xi32, #tpu.memory_space<vmem>>)
        %dma_start3A_406 = arith.constant 0 : i32
        %dma_start3A_407 = arith.constant 0 : i32
        %dma_start3A_408 = tpu.memref_slice %arg2[%dma_start3A_406, %dma_start3A_407] : memref<10240x128xf32, #tpu.memory_space<hbm>> -> memref<10240x128xf32, #tpu.memory_space<hbm>>
        tpu.enqueue_indirect_dma source(%dma_start3A_408 : memref<10240x128xf32, #tpu.memory_space<hbm>>) target(%arg7 : memref<128x128xf32, #tpu.memory_space<vmem>>) offsets(%arg20 : memref<128xi32, #tpu.memory_space<vmem>>) semaphore(%arg10 : memref<!tpu.dma_semaphore, #tpu.memory_space<semaphore_mem>>)
      } else {
      }
      %dma_start3A_373 = arith.constant 0 : i32
      %dma_start3A_374 = arith.constant 0 : i32
      %dma_start3A_375 = tpu.memref_slice %arg8[%dma_start3A_373, %dma_start3A_374] : memref<10240x128xf32, #tpu.memory_space<vmem_shared>> -> memref<10240x128xf32, #tpu.memory_space<vmem_shared>>
      tpu.enqueue_indirect_dma source(%arg6 : memref<128x128xf32, #tpu.memory_space<vmem>>) target(%dma_start3A_375 : memref<10240x128xf32, #tpu.memory_space<vmem_shared>>) offsets(%arg23 : memref<128xi32, #tpu.memory_space<vmem>>) semaphore(%arg11 : memref<!tpu.dma_semaphore, #tpu.memory_space<semaphore_mem>>) {add = true}
      %mul3A_376 = arith.constant 4 : i32
      %mul3A_377 = arith.muli %scan3A_312, %mul3A_376 : i32
      %add3A_378 = arith.constant 3 : i32
      %add3A_379 = arith.addi %mul3A_377, %add3A_378 : i32
      %dma_wait3A_380 = arith.constant 0 : i32
      %dma_wait3A_381 = arith.constant 0 : i32
      %dma_wait3A_382 = tpu.memref_slice %arg2[%dma_wait3A_380, %dma_wait3A_381] : memref<10240x128xf32, #tpu.memory_space<hbm>> -> memref<10240x128xf32, #tpu.memory_space<hbm>>
      tpu.wait_indirect_dma semaphore(%arg10 : memref<!tpu.dma_semaphore, #tpu.memory_space<semaphore_mem>>) src(%dma_wait3A_382 : memref<10240x128xf32, #tpu.memory_space<hbm>>) dst(%arg7 : memref<128x128xf32, #tpu.memory_space<vmem>>)
      %add3A_383 = arith.constant 1 : i32
      %add3A_384 = arith.addi %add3A_379, %add3A_383 : i32
      %ge3A_385 = arith.constant 1 : i32
      %ge3A_386 = arith.cmpi sge, %add3A_379, %ge3A_385 : i32
      %convert_element_type3A_387 = arith.extui %ge3A_386 : i1 to i32
      %cond3A_388 = arith.constant 0 : i32
      %cond3A_389 = arith.cmpi ne, %convert_element_type3A_387, %cond3A_388 : i32
      scf.if %cond3A_389 {
        %dma_wait3A_399 = arith.constant 0 : i32
        %dma_wait3A_400 = arith.constant 0 : i32
        %dma_wait3A_401 = tpu.memref_slice %arg8[%dma_wait3A_399, %dma_wait3A_400] : memref<10240x128xf32, #tpu.memory_space<vmem_shared>> -> memref<10240x128xf32, #tpu.memory_space<vmem_shared>>
        tpu.wait_indirect_dma semaphore(%arg11 : memref<!tpu.dma_semaphore, #tpu.memory_space<semaphore_mem>>) src(%arg6 : memref<128x128xf32, #tpu.memory_space<vmem>>) dst(%dma_wait3A_401 : memref<10240x128xf32, #tpu.memory_space<vmem_shared>>)
        %add3A_402 = arith.constant 3 : i32
        %add3A_403 = arith.addi %add3A_379, %add3A_402 : i32
        %lt3A_404 = arith.constant 80 : i32
        %lt3A_405 = arith.cmpi slt, %add3A_403, %lt3A_404 : i32
        %convert_element_type3A_406 = arith.extui %lt3A_405 : i1 to i32
        %cond3A_407 = arith.constant 0 : i32
        %cond3A_408 = arith.cmpi ne, %convert_element_type3A_406, %cond3A_407 : i32
        scf.if %cond3A_408 {
          %add3A_409 = arith.constant 3 : i32
          %add3A_410 = arith.addi %add3A_379, %add3A_409 : i32
          %add3A_411 = arith.addi %mul3A_2, %add3A_410 : i32
          %mul3A_412 = arith.constant 128 : i32
          %mul3A_413 = arith.muli %add3A_411, %mul3A_412 : i32
          %dma_start3A_414 = tpu.memref_slice %arg3[%mul3A_413] : memref<327680xi32, #tpu.memory_space<hbm>> -> memref<128xi32, #tpu.memory_space<hbm>>
          %dma_start3A_415 = tpu.memref_slice %arg3[%mul3A_413] : memref<327680xi32, #tpu.memory_space<hbm>> -> memref<128xi32, #tpu.memory_space<hbm>>
          tpu.enqueue_dma source(%dma_start3A_415 : memref<128xi32, #tpu.memory_space<hbm>>) target(%arg19 : memref<128xi32, #tpu.memory_space<vmem>>) target_semaphore(%arg15 : memref<!tpu.dma_semaphore, #tpu.memory_space<semaphore_mem>>)
          %dma_start3A_416 = tpu.memref_slice %arg4[%mul3A_413] : memref<327680xi32, #tpu.memory_space<hbm>> -> memref<128xi32, #tpu.memory_space<hbm>>
          %dma_start3A_417 = tpu.memref_slice %arg4[%mul3A_413] : memref<327680xi32, #tpu.memory_space<hbm>> -> memref<128xi32, #tpu.memory_space<hbm>>
          tpu.enqueue_dma source(%dma_start3A_417 : memref<128xi32, #tpu.memory_space<hbm>>) target(%arg23 : memref<128xi32, #tpu.memory_space<vmem>>) target_semaphore(%arg15 : memref<!tpu.dma_semaphore, #tpu.memory_space<semaphore_mem>>)
        } else {
        }
      } else {
      }
      %lt3A_390 = arith.constant 80 : i32
      %lt3A_391 = arith.cmpi slt, %add3A_384, %lt3A_390 : i32
      %convert_element_type3A_392 = arith.extui %lt3A_391 : i1 to i32
      %cond3A_393 = arith.constant 0 : i32
      %cond3A_394 = arith.cmpi ne, %convert_element_type3A_392, %cond3A_393 : i32
      scf.if %cond3A_394 {
        %add3A_399 = arith.addi %mul3A_2, %add3A_384 : i32
        %mul3A_400 = arith.constant 128 : i32
        %mul3A_401 = arith.muli %add3A_399, %mul3A_400 : i32
        %dma_wait3A_402 = tpu.memref_slice %arg3[%mul3A_401] : memref<327680xi32, #tpu.memory_space<hbm>> -> memref<128xi32, #tpu.memory_space<hbm>>
        %dma_wait3A_403 = tpu.memref_slice %arg3[%mul3A_401] : memref<327680xi32, #tpu.memory_space<hbm>> -> memref<128xi32, #tpu.memory_space<hbm>>
        tpu.wait_dma2 semaphore(%arg13 : memref<!tpu.dma_semaphore, #tpu.memory_space<semaphore_mem>>) src(%dma_wait3A_403 : memref<128xi32, #tpu.memory_space<hbm>>) dst(%arg17 : memref<128xi32, #tpu.memory_space<vmem>>)
        %dma_wait3A_404 = tpu.memref_slice %arg4[%mul3A_401] : memref<327680xi32, #tpu.memory_space<hbm>> -> memref<128xi32, #tpu.memory_space<hbm>>
        %dma_wait3A_405 = tpu.memref_slice %arg4[%mul3A_401] : memref<327680xi32, #tpu.memory_space<hbm>> -> memref<128xi32, #tpu.memory_space<hbm>>
        tpu.wait_dma2 semaphore(%arg13 : memref<!tpu.dma_semaphore, #tpu.memory_space<semaphore_mem>>) src(%dma_wait3A_405 : memref<128xi32, #tpu.memory_space<hbm>>) dst(%arg21 : memref<128xi32, #tpu.memory_space<vmem>>)
        %dma_start3A_406 = arith.constant 0 : i32
        %dma_start3A_407 = arith.constant 0 : i32
        %dma_start3A_408 = tpu.memref_slice %arg2[%dma_start3A_406, %dma_start3A_407] : memref<10240x128xf32, #tpu.memory_space<hbm>> -> memref<10240x128xf32, #tpu.memory_space<hbm>>
        tpu.enqueue_indirect_dma source(%dma_start3A_408 : memref<10240x128xf32, #tpu.memory_space<hbm>>) target(%arg6 : memref<128x128xf32, #tpu.memory_space<vmem>>) offsets(%arg17 : memref<128xi32, #tpu.memory_space<vmem>>) semaphore(%arg9 : memref<!tpu.dma_semaphore, #tpu.memory_space<semaphore_mem>>)
      } else {
      }
      %dma_start3A_395 = arith.constant 0 : i32
      %dma_start3A_396 = arith.constant 0 : i32
      %dma_start3A_397 = tpu.memref_slice %arg8[%dma_start3A_395, %dma_start3A_396] : memref<10240x128xf32, #tpu.memory_space<vmem_shared>> -> memref<10240x128xf32, #tpu.memory_space<vmem_shared>>
      tpu.enqueue_indirect_dma source(%arg7 : memref<128x128xf32, #tpu.memory_space<vmem>>) target(%dma_start3A_397 : memref<10240x128xf32, #tpu.memory_space<vmem_shared>>) offsets(%arg24 : memref<128xi32, #tpu.memory_space<vmem>>) semaphore(%arg12 : memref<!tpu.dma_semaphore, #tpu.memory_space<semaphore_mem>>) {add = true}
      %scan3A_398 = arith.constant 0 : i32
      scf.yield %scan3A_398 : i32
    }
    %scan3A_127 = arith.constant 20 : i32
    %dma_wait3A_128 = arith.constant 0 : i32
    %dma_wait3A_129 = arith.constant 0 : i32
    %dma_wait3A_130 = tpu.memref_slice %arg8[%dma_wait3A_128, %dma_wait3A_129] : memref<10240x128xf32, #tpu.memory_space<vmem_shared>> -> memref<10240x128xf32, #tpu.memory_space<vmem_shared>>
    tpu.wait_indirect_dma semaphore(%arg12 : memref<!tpu.dma_semaphore, #tpu.memory_space<semaphore_mem>>) src(%arg7 : memref<128x128xf32, #tpu.memory_space<vmem>>) dst(%dma_wait3A_130 : memref<10240x128xf32, #tpu.memory_space<vmem_shared>>)
    %barrier3A_131 = arith.constant 0 : index
    tpu.barrier barrier_id(%barrier3A_131)
    %mul3A_132 = arith.constant 640 : i32
    %mul3A_133 = arith.muli %arg1, %mul3A_132 : i32
    %add3A_134 = arith.constant 0 : i32
    %add3A_135 = arith.addi %mul3A_133, %add3A_134 : i32
    %dma_start3A_136 = arith.constant 0 : i32
    %dma_start3A_137 = tpu.memref_slice %arg8[%add3A_135, %dma_start3A_136] : memref<10240x128xf32, #tpu.memory_space<vmem_shared>> -> memref<128x128xf32, #tpu.memory_space<vmem_shared>>
    %dma_start3A_138 = arith.constant 0 : i32
    %dma_start3A_139 = tpu.memref_slice %arg8[%add3A_135, %dma_start3A_138] : memref<10240x128xf32, #tpu.memory_space<vmem_shared>> -> memref<128x128xf32, #tpu.memory_space<vmem_shared>>
    tpu.enqueue_dma source(%dma_start3A_139 : memref<128x128xf32, #tpu.memory_space<vmem_shared>>) target(%arg6 : memref<128x128xf32, #tpu.memory_space<vmem>>) target_semaphore(%arg9 : memref<!tpu.dma_semaphore, #tpu.memory_space<semaphore_mem>>)
    %mul3A_140 = arith.constant 640 : i32
    %mul3A_141 = arith.muli %arg1, %mul3A_140 : i32
    %add3A_142 = arith.constant 0 : i32
    %add3A_143 = arith.addi %mul3A_141, %add3A_142 : i32
    %dma_wait3A_144 = arith.constant 0 : i32
    %dma_wait3A_145 = tpu.memref_slice %arg8[%add3A_143, %dma_wait3A_144] : memref<10240x128xf32, #tpu.memory_space<vmem_shared>> -> memref<128x128xf32, #tpu.memory_space<vmem_shared>>
    %dma_wait3A_146 = arith.constant 0 : i32
    %dma_wait3A_147 = tpu.memref_slice %arg8[%add3A_143, %dma_wait3A_146] : memref<10240x128xf32, #tpu.memory_space<vmem_shared>> -> memref<128x128xf32, #tpu.memory_space<vmem_shared>>
    tpu.wait_dma2 semaphore(%arg9 : memref<!tpu.dma_semaphore, #tpu.memory_space<semaphore_mem>>) src(%dma_wait3A_147 : memref<128x128xf32, #tpu.memory_space<vmem_shared>>) dst(%arg6 : memref<128x128xf32, #tpu.memory_space<vmem>>)
    %mul3A_148 = arith.constant 640 : i32
    %mul3A_149 = arith.muli %arg1, %mul3A_148 : i32
    %add3A_150 = arith.constant 128 : i32
    %add3A_151 = arith.addi %mul3A_149, %add3A_150 : i32
    %dma_start3A_152 = arith.constant 0 : i32
    %dma_start3A_153 = tpu.memref_slice %arg8[%add3A_151, %dma_start3A_152] : memref<10240x128xf32, #tpu.memory_space<vmem_shared>> -> memref<128x128xf32, #tpu.memory_space<vmem_shared>>
    %dma_start3A_154 = arith.constant 0 : i32
    %dma_start3A_155 = tpu.memref_slice %arg8[%add3A_151, %dma_start3A_154] : memref<10240x128xf32, #tpu.memory_space<vmem_shared>> -> memref<128x128xf32, #tpu.memory_space<vmem_shared>>
    tpu.enqueue_dma source(%dma_start3A_155 : memref<128x128xf32, #tpu.memory_space<vmem_shared>>) target(%arg7 : memref<128x128xf32, #tpu.memory_space<vmem>>) target_semaphore(%arg10 : memref<!tpu.dma_semaphore, #tpu.memory_space<semaphore_mem>>)
    %mul3A_156 = arith.constant 640 : i32
    %mul3A_157 = arith.muli %arg1, %mul3A_156 : i32
    %add3A_158 = arith.constant 0 : i32
    %add3A_159 = arith.addi %mul3A_157, %add3A_158 : i32
    %dma_start3A_160 = arith.constant 0 : i32
    %dma_start3A_161 = tpu.memref_slice %arg5[%arg0, %add3A_159, %dma_start3A_160] : memref<2x10240x128xf32, #tpu.memory_space<hbm>> -> memref<1x128x128xf32, #tpu.memory_space<hbm>>
    %dma_start3A_162 = tpu.memref_squeeze %dma_start3A_161 : memref<1x128x128xf32, #tpu.memory_space<hbm>> -> memref<128x128xf32, #tpu.memory_space<hbm>>
    %dma_start3A_163 = arith.constant 0 : i32
    %dma_start3A_164 = tpu.memref_slice %arg5[%arg0, %add3A_159, %dma_start3A_163] : memref<2x10240x128xf32, #tpu.memory_space<hbm>> -> memref<1x128x128xf32, #tpu.memory_space<hbm>>
    %dma_start3A_165 = tpu.memref_squeeze %dma_start3A_164 : memref<1x128x128xf32, #tpu.memory_space<hbm>> -> memref<128x128xf32, #tpu.memory_space<hbm>>
    tpu.enqueue_dma source(%arg6 : memref<128x128xf32, #tpu.memory_space<vmem>>) target(%dma_start3A_165 : memref<128x128xf32, #tpu.memory_space<hbm>>) target_semaphore(%arg9 : memref<!tpu.dma_semaphore, #tpu.memory_space<semaphore_mem>>)
    %mul3A_166 = arith.constant 640 : i32
    %mul3A_167 = arith.muli %arg1, %mul3A_166 : i32
    %add3A_168 = arith.constant 0 : i32
    %add3A_169 = arith.addi %mul3A_167, %add3A_168 : i32
    %dma_wait3A_170 = arith.constant 0 : i32
    %dma_wait3A_171 = tpu.memref_slice %arg5[%arg0, %add3A_169, %dma_wait3A_170] : memref<2x10240x128xf32, #tpu.memory_space<hbm>> -> memref<1x128x128xf32, #tpu.memory_space<hbm>>
    %dma_wait3A_172 = tpu.memref_squeeze %dma_wait3A_171 : memref<1x128x128xf32, #tpu.memory_space<hbm>> -> memref<128x128xf32, #tpu.memory_space<hbm>>
    %dma_wait3A_173 = arith.constant 0 : i32
    %dma_wait3A_174 = tpu.memref_slice %arg5[%arg0, %add3A_169, %dma_wait3A_173] : memref<2x10240x128xf32, #tpu.memory_space<hbm>> -> memref<1x128x128xf32, #tpu.memory_space<hbm>>
    %dma_wait3A_175 = tpu.memref_squeeze %dma_wait3A_174 : memref<1x128x128xf32, #tpu.memory_space<hbm>> -> memref<128x128xf32, #tpu.memory_space<hbm>>
    tpu.wait_dma2 semaphore(%arg9 : memref<!tpu.dma_semaphore, #tpu.memory_space<semaphore_mem>>) src(%arg6 : memref<128x128xf32, #tpu.memory_space<vmem>>) dst(%dma_wait3A_175 : memref<128x128xf32, #tpu.memory_space<hbm>>)
    %mul3A_176 = arith.constant 640 : i32
    %mul3A_177 = arith.muli %arg1, %mul3A_176 : i32
    %add3A_178 = arith.constant 128 : i32
    %add3A_179 = arith.addi %mul3A_177, %add3A_178 : i32
    %dma_wait3A_180 = arith.constant 0 : i32
    %dma_wait3A_181 = tpu.memref_slice %arg8[%add3A_179, %dma_wait3A_180] : memref<10240x128xf32, #tpu.memory_space<vmem_shared>> -> memref<128x128xf32, #tpu.memory_space<vmem_shared>>
    %dma_wait3A_182 = arith.constant 0 : i32
    %dma_wait3A_183 = tpu.memref_slice %arg8[%add3A_179, %dma_wait3A_182] : memref<10240x128xf32, #tpu.memory_space<vmem_shared>> -> memref<128x128xf32, #tpu.memory_space<vmem_shared>>
    tpu.wait_dma2 semaphore(%arg10 : memref<!tpu.dma_semaphore, #tpu.memory_space<semaphore_mem>>) src(%dma_wait3A_183 : memref<128x128xf32, #tpu.memory_space<vmem_shared>>) dst(%arg7 : memref<128x128xf32, #tpu.memory_space<vmem>>)
    %mul3A_184 = arith.constant 640 : i32
    %mul3A_185 = arith.muli %arg1, %mul3A_184 : i32
    %add3A_186 = arith.constant 256 : i32
    %add3A_187 = arith.addi %mul3A_185, %add3A_186 : i32
    %dma_start3A_188 = arith.constant 0 : i32
    %dma_start3A_189 = tpu.memref_slice %arg8[%add3A_187, %dma_start3A_188] : memref<10240x128xf32, #tpu.memory_space<vmem_shared>> -> memref<128x128xf32, #tpu.memory_space<vmem_shared>>
    %dma_start3A_190 = arith.constant 0 : i32
    %dma_start3A_191 = tpu.memref_slice %arg8[%add3A_187, %dma_start3A_190] : memref<10240x128xf32, #tpu.memory_space<vmem_shared>> -> memref<128x128xf32, #tpu.memory_space<vmem_shared>>
    tpu.enqueue_dma source(%dma_start3A_191 : memref<128x128xf32, #tpu.memory_space<vmem_shared>>) target(%arg6 : memref<128x128xf32, #tpu.memory_space<vmem>>) target_semaphore(%arg9 : memref<!tpu.dma_semaphore, #tpu.memory_space<semaphore_mem>>)
    %mul3A_192 = arith.constant 640 : i32
    %mul3A_193 = arith.muli %arg1, %mul3A_192 : i32
    %add3A_194 = arith.constant 128 : i32
    %add3A_195 = arith.addi %mul3A_193, %add3A_194 : i32
    %dma_start3A_196 = arith.constant 0 : i32
    %dma_start3A_197 = tpu.memref_slice %arg5[%arg0, %add3A_195, %dma_start3A_196] : memref<2x10240x128xf32, #tpu.memory_space<hbm>> -> memref<1x128x128xf32, #tpu.memory_space<hbm>>
    %dma_start3A_198 = tpu.memref_squeeze %dma_start3A_197 : memref<1x128x128xf32, #tpu.memory_space<hbm>> -> memref<128x128xf32, #tpu.memory_space<hbm>>
    %dma_start3A_199 = arith.constant 0 : i32
    %dma_start3A_200 = tpu.memref_slice %arg5[%arg0, %add3A_195, %dma_start3A_199] : memref<2x10240x128xf32, #tpu.memory_space<hbm>> -> memref<1x128x128xf32, #tpu.memory_space<hbm>>
    %dma_start3A_201 = tpu.memref_squeeze %dma_start3A_200 : memref<1x128x128xf32, #tpu.memory_space<hbm>> -> memref<128x128xf32, #tpu.memory_space<hbm>>
    tpu.enqueue_dma source(%arg7 : memref<128x128xf32, #tpu.memory_space<vmem>>) target(%dma_start3A_201 : memref<128x128xf32, #tpu.memory_space<hbm>>) target_semaphore(%arg10 : memref<!tpu.dma_semaphore, #tpu.memory_space<semaphore_mem>>)
    %mul3A_202 = arith.constant 640 : i32
    %mul3A_203 = arith.muli %arg1, %mul3A_202 : i32
    %add3A_204 = arith.constant 128 : i32
    %add3A_205 = arith.addi %mul3A_203, %add3A_204 : i32
    %dma_wait3A_206 = arith.constant 0 : i32
    %dma_wait3A_207 = tpu.memref_slice %arg5[%arg0, %add3A_205, %dma_wait3A_206] : memref<2x10240x128xf32, #tpu.memory_space<hbm>> -> memref<1x128x128xf32, #tpu.memory_space<hbm>>
    %dma_wait3A_208 = tpu.memref_squeeze %dma_wait3A_207 : memref<1x128x128xf32, #tpu.memory_space<hbm>> -> memref<128x128xf32, #tpu.memory_space<hbm>>
    %dma_wait3A_209 = arith.constant 0 : i32
    %dma_wait3A_210 = tpu.memref_slice %arg5[%arg0, %add3A_205, %dma_wait3A_209] : memref<2x10240x128xf32, #tpu.memory_space<hbm>> -> memref<1x128x128xf32, #tpu.memory_space<hbm>>
    %dma_wait3A_211 = tpu.memref_squeeze %dma_wait3A_210 : memref<1x128x128xf32, #tpu.memory_space<hbm>> -> memref<128x128xf32, #tpu.memory_space<hbm>>
    tpu.wait_dma2 semaphore(%arg10 : memref<!tpu.dma_semaphore, #tpu.memory_space<semaphore_mem>>) src(%arg7 : memref<128x128xf32, #tpu.memory_space<vmem>>) dst(%dma_wait3A_211 : memref<128x128xf32, #tpu.memory_space<hbm>>)
    %mul3A_212 = arith.constant 640 : i32
    %mul3A_213 = arith.muli %arg1, %mul3A_212 : i32
    %add3A_214 = arith.constant 256 : i32
    %add3A_215 = arith.addi %mul3A_213, %add3A_214 : i32
    %dma_wait3A_216 = arith.constant 0 : i32
    %dma_wait3A_217 = tpu.memref_slice %arg8[%add3A_215, %dma_wait3A_216] : memref<10240x128xf32, #tpu.memory_space<vmem_shared>> -> memref<128x128xf32, #tpu.memory_space<vmem_shared>>
    %dma_wait3A_218 = arith.constant 0 : i32
    %dma_wait3A_219 = tpu.memref_slice %arg8[%add3A_215, %dma_wait3A_218] : memref<10240x128xf32, #tpu.memory_space<vmem_shared>> -> memref<128x128xf32, #tpu.memory_space<vmem_shared>>
    tpu.wait_dma2 semaphore(%arg9 : memref<!tpu.dma_semaphore, #tpu.memory_space<semaphore_mem>>) src(%dma_wait3A_219 : memref<128x128xf32, #tpu.memory_space<vmem_shared>>) dst(%arg6 : memref<128x128xf32, #tpu.memory_space<vmem>>)
    %mul3A_220 = arith.constant 640 : i32
    %mul3A_221 = arith.muli %arg1, %mul3A_220 : i32
    %add3A_222 = arith.constant 384 : i32
    %add3A_223 = arith.addi %mul3A_221, %add3A_222 : i32
    %dma_start3A_224 = arith.constant 0 : i32
    %dma_start3A_225 = tpu.memref_slice %arg8[%add3A_223, %dma_start3A_224] : memref<10240x128xf32, #tpu.memory_space<vmem_shared>> -> memref<128x128xf32, #tpu.memory_space<vmem_shared>>
    %dma_start3A_226 = arith.constant 0 : i32
    %dma_start3A_227 = tpu.memref_slice %arg8[%add3A_223, %dma_start3A_226] : memref<10240x128xf32, #tpu.memory_space<vmem_shared>> -> memref<128x128xf32, #tpu.memory_space<vmem_shared>>
    tpu.enqueue_dma source(%dma_start3A_227 : memref<128x128xf32, #tpu.memory_space<vmem_shared>>) target(%arg7 : memref<128x128xf32, #tpu.memory_space<vmem>>) target_semaphore(%arg10 : memref<!tpu.dma_semaphore, #tpu.memory_space<semaphore_mem>>)
    %mul3A_228 = arith.constant 640 : i32
    %mul3A_229 = arith.muli %arg1, %mul3A_228 : i32
    %add3A_230 = arith.constant 256 : i32
    %add3A_231 = arith.addi %mul3A_229, %add3A_230 : i32
    %dma_start3A_232 = arith.constant 0 : i32
    %dma_start3A_233 = tpu.memref_slice %arg5[%arg0, %add3A_231, %dma_start3A_232] : memref<2x10240x128xf32, #tpu.memory_space<hbm>> -> memref<1x128x128xf32, #tpu.memory_space<hbm>>
    %dma_start3A_234 = tpu.memref_squeeze %dma_start3A_233 : memref<1x128x128xf32, #tpu.memory_space<hbm>> -> memref<128x128xf32, #tpu.memory_space<hbm>>
    %dma_start3A_235 = arith.constant 0 : i32
    %dma_start3A_236 = tpu.memref_slice %arg5[%arg0, %add3A_231, %dma_start3A_235] : memref<2x10240x128xf32, #tpu.memory_space<hbm>> -> memref<1x128x128xf32, #tpu.memory_space<hbm>>
    %dma_start3A_237 = tpu.memref_squeeze %dma_start3A_236 : memref<1x128x128xf32, #tpu.memory_space<hbm>> -> memref<128x128xf32, #tpu.memory_space<hbm>>
    tpu.enqueue_dma source(%arg6 : memref<128x128xf32, #tpu.memory_space<vmem>>) target(%dma_start3A_237 : memref<128x128xf32, #tpu.memory_space<hbm>>) target_semaphore(%arg9 : memref<!tpu.dma_semaphore, #tpu.memory_space<semaphore_mem>>)
    %mul3A_238 = arith.constant 640 : i32
    %mul3A_239 = arith.muli %arg1, %mul3A_238 : i32
    %add3A_240 = arith.constant 256 : i32
    %add3A_241 = arith.addi %mul3A_239, %add3A_240 : i32
    %dma_wait3A_242 = arith.constant 0 : i32
    %dma_wait3A_243 = tpu.memref_slice %arg5[%arg0, %add3A_241, %dma_wait3A_242] : memref<2x10240x128xf32, #tpu.memory_space<hbm>> -> memref<1x128x128xf32, #tpu.memory_space<hbm>>
    %dma_wait3A_244 = tpu.memref_squeeze %dma_wait3A_243 : memref<1x128x128xf32, #tpu.memory_space<hbm>> -> memref<128x128xf32, #tpu.memory_space<hbm>>
    %dma_wait3A_245 = arith.constant 0 : i32
    %dma_wait3A_246 = tpu.memref_slice %arg5[%arg0, %add3A_241, %dma_wait3A_245] : memref<2x10240x128xf32, #tpu.memory_space<hbm>> -> memref<1x128x128xf32, #tpu.memory_space<hbm>>
    %dma_wait3A_247 = tpu.memref_squeeze %dma_wait3A_246 : memref<1x128x128xf32, #tpu.memory_space<hbm>> -> memref<128x128xf32, #tpu.memory_space<hbm>>
    tpu.wait_dma2 semaphore(%arg9 : memref<!tpu.dma_semaphore, #tpu.memory_space<semaphore_mem>>) src(%arg6 : memref<128x128xf32, #tpu.memory_space<vmem>>) dst(%dma_wait3A_247 : memref<128x128xf32, #tpu.memory_space<hbm>>)
    %mul3A_248 = arith.constant 640 : i32
    %mul3A_249 = arith.muli %arg1, %mul3A_248 : i32
    %add3A_250 = arith.constant 384 : i32
    %add3A_251 = arith.addi %mul3A_249, %add3A_250 : i32
    %dma_wait3A_252 = arith.constant 0 : i32
    %dma_wait3A_253 = tpu.memref_slice %arg8[%add3A_251, %dma_wait3A_252] : memref<10240x128xf32, #tpu.memory_space<vmem_shared>> -> memref<128x128xf32, #tpu.memory_space<vmem_shared>>
    %dma_wait3A_254 = arith.constant 0 : i32
    %dma_wait3A_255 = tpu.memref_slice %arg8[%add3A_251, %dma_wait3A_254] : memref<10240x128xf32, #tpu.memory_space<vmem_shared>> -> memref<128x128xf32, #tpu.memory_space<vmem_shared>>
    tpu.wait_dma2 semaphore(%arg10 : memref<!tpu.dma_semaphore, #tpu.memory_space<semaphore_mem>>) src(%dma_wait3A_255 : memref<128x128xf32, #tpu.memory_space<vmem_shared>>) dst(%arg7 : memref<128x128xf32, #tpu.memory_space<vmem>>)
    %mul3A_256 = arith.constant 640 : i32
    %mul3A_257 = arith.muli %arg1, %mul3A_256 : i32
    %add3A_258 = arith.constant 512 : i32
    %add3A_259 = arith.addi %mul3A_257, %add3A_258 : i32
    %dma_start3A_260 = arith.constant 0 : i32
    %dma_start3A_261 = tpu.memref_slice %arg8[%add3A_259, %dma_start3A_260] : memref<10240x128xf32, #tpu.memory_space<vmem_shared>> -> memref<128x128xf32, #tpu.memory_space<vmem_shared>>
    %dma_start3A_262 = arith.constant 0 : i32
    %dma_start3A_263 = tpu.memref_slice %arg8[%add3A_259, %dma_start3A_262] : memref<10240x128xf32, #tpu.memory_space<vmem_shared>> -> memref<128x128xf32, #tpu.memory_space<vmem_shared>>
    tpu.enqueue_dma source(%dma_start3A_263 : memref<128x128xf32, #tpu.memory_space<vmem_shared>>) target(%arg6 : memref<128x128xf32, #tpu.memory_space<vmem>>) target_semaphore(%arg9 : memref<!tpu.dma_semaphore, #tpu.memory_space<semaphore_mem>>)
    %mul3A_264 = arith.constant 640 : i32
    %mul3A_265 = arith.muli %arg1, %mul3A_264 : i32
    %add3A_266 = arith.constant 384 : i32
    %add3A_267 = arith.addi %mul3A_265, %add3A_266 : i32
    %dma_start3A_268 = arith.constant 0 : i32
    %dma_start3A_269 = tpu.memref_slice %arg5[%arg0, %add3A_267, %dma_start3A_268] : memref<2x10240x128xf32, #tpu.memory_space<hbm>> -> memref<1x128x128xf32, #tpu.memory_space<hbm>>
    %dma_start3A_270 = tpu.memref_squeeze %dma_start3A_269 : memref<1x128x128xf32, #tpu.memory_space<hbm>> -> memref<128x128xf32, #tpu.memory_space<hbm>>
    %dma_start3A_271 = arith.constant 0 : i32
    %dma_start3A_272 = tpu.memref_slice %arg5[%arg0, %add3A_267, %dma_start3A_271] : memref<2x10240x128xf32, #tpu.memory_space<hbm>> -> memref<1x128x128xf32, #tpu.memory_space<hbm>>
    %dma_start3A_273 = tpu.memref_squeeze %dma_start3A_272 : memref<1x128x128xf32, #tpu.memory_space<hbm>> -> memref<128x128xf32, #tpu.memory_space<hbm>>
    tpu.enqueue_dma source(%arg7 : memref<128x128xf32, #tpu.memory_space<vmem>>) target(%dma_start3A_273 : memref<128x128xf32, #tpu.memory_space<hbm>>) target_semaphore(%arg10 : memref<!tpu.dma_semaphore, #tpu.memory_space<semaphore_mem>>)
    %mul3A_274 = arith.constant 640 : i32
    %mul3A_275 = arith.muli %arg1, %mul3A_274 : i32
    %add3A_276 = arith.constant 384 : i32
    %add3A_277 = arith.addi %mul3A_275, %add3A_276 : i32
    %dma_wait3A_278 = arith.constant 0 : i32
    %dma_wait3A_279 = tpu.memref_slice %arg5[%arg0, %add3A_277, %dma_wait3A_278] : memref<2x10240x128xf32, #tpu.memory_space<hbm>> -> memref<1x128x128xf32, #tpu.memory_space<hbm>>
    %dma_wait3A_280 = tpu.memref_squeeze %dma_wait3A_279 : memref<1x128x128xf32, #tpu.memory_space<hbm>> -> memref<128x128xf32, #tpu.memory_space<hbm>>
    %dma_wait3A_281 = arith.constant 0 : i32
    %dma_wait3A_282 = tpu.memref_slice %arg5[%arg0, %add3A_277, %dma_wait3A_281] : memref<2x10240x128xf32, #tpu.memory_space<hbm>> -> memref<1x128x128xf32, #tpu.memory_space<hbm>>
    %dma_wait3A_283 = tpu.memref_squeeze %dma_wait3A_282 : memref<1x128x128xf32, #tpu.memory_space<hbm>> -> memref<128x128xf32, #tpu.memory_space<hbm>>
    tpu.wait_dma2 semaphore(%arg10 : memref<!tpu.dma_semaphore, #tpu.memory_space<semaphore_mem>>) src(%arg7 : memref<128x128xf32, #tpu.memory_space<vmem>>) dst(%dma_wait3A_283 : memref<128x128xf32, #tpu.memory_space<hbm>>)
    %mul3A_284 = arith.constant 640 : i32
    %mul3A_285 = arith.muli %arg1, %mul3A_284 : i32
    %add3A_286 = arith.constant 512 : i32
    %add3A_287 = arith.addi %mul3A_285, %add3A_286 : i32
    %dma_wait3A_288 = arith.constant 0 : i32
    %dma_wait3A_289 = tpu.memref_slice %arg8[%add3A_287, %dma_wait3A_288] : memref<10240x128xf32, #tpu.memory_space<vmem_shared>> -> memref<128x128xf32, #tpu.memory_space<vmem_shared>>
    %dma_wait3A_290 = arith.constant 0 : i32
    %dma_wait3A_291 = tpu.memref_slice %arg8[%add3A_287, %dma_wait3A_290] : memref<10240x128xf32, #tpu.memory_space<vmem_shared>> -> memref<128x128xf32, #tpu.memory_space<vmem_shared>>
    tpu.wait_dma2 semaphore(%arg9 : memref<!tpu.dma_semaphore, #tpu.memory_space<semaphore_mem>>) src(%dma_wait3A_291 : memref<128x128xf32, #tpu.memory_space<vmem_shared>>) dst(%arg6 : memref<128x128xf32, #tpu.memory_space<vmem>>)
    %mul3A_292 = arith.constant 640 : i32
    %mul3A_293 = arith.muli %arg1, %mul3A_292 : i32
    %add3A_294 = arith.constant 512 : i32
    %add3A_295 = arith.addi %mul3A_293, %add3A_294 : i32
    %dma_start3A_296 = arith.constant 0 : i32
    %dma_start3A_297 = tpu.memref_slice %arg5[%arg0, %add3A_295, %dma_start3A_296] : memref<2x10240x128xf32, #tpu.memory_space<hbm>> -> memref<1x128x128xf32, #tpu.memory_space<hbm>>
    %dma_start3A_298 = tpu.memref_squeeze %dma_start3A_297 : memref<1x128x128xf32, #tpu.memory_space<hbm>> -> memref<128x128xf32, #tpu.memory_space<hbm>>
    %dma_start3A_299 = arith.constant 0 : i32
    %dma_start3A_300 = tpu.memref_slice %arg5[%arg0, %add3A_295, %dma_start3A_299] : memref<2x10240x128xf32, #tpu.memory_space<hbm>> -> memref<1x128x128xf32, #tpu.memory_space<hbm>>
    %dma_start3A_301 = tpu.memref_squeeze %dma_start3A_300 : memref<1x128x128xf32, #tpu.memory_space<hbm>> -> memref<128x128xf32, #tpu.memory_space<hbm>>
    tpu.enqueue_dma source(%arg6 : memref<128x128xf32, #tpu.memory_space<vmem>>) target(%dma_start3A_301 : memref<128x128xf32, #tpu.memory_space<hbm>>) target_semaphore(%arg9 : memref<!tpu.dma_semaphore, #tpu.memory_space<semaphore_mem>>)
    %mul3A_302 = arith.constant 640 : i32
    %mul3A_303 = arith.muli %arg1, %mul3A_302 : i32
    %add3A_304 = arith.constant 512 : i32
    %add3A_305 = arith.addi %mul3A_303, %add3A_304 : i32
    %dma_wait3A_306 = arith.constant 0 : i32
    %dma_wait3A_307 = tpu.memref_slice %arg5[%arg0, %add3A_305, %dma_wait3A_306] : memref<2x10240x128xf32, #tpu.memory_space<hbm>> -> memref<1x128x128xf32, #tpu.memory_space<hbm>>
    %dma_wait3A_308 = tpu.memref_squeeze %dma_wait3A_307 : memref<1x128x128xf32, #tpu.memory_space<hbm>> -> memref<128x128xf32, #tpu.memory_space<hbm>>
    %dma_wait3A_309 = arith.constant 0 : i32
    %dma_wait3A_310 = tpu.memref_slice %arg5[%arg0, %add3A_305, %dma_wait3A_309] : memref<2x10240x128xf32, #tpu.memory_space<hbm>> -> memref<1x128x128xf32, #tpu.memory_space<hbm>>
    %dma_wait3A_311 = tpu.memref_squeeze %dma_wait3A_310 : memref<1x128x128xf32, #tpu.memory_space<hbm>> -> memref<128x128xf32, #tpu.memory_space<hbm>>
    tpu.wait_dma2 semaphore(%arg9 : memref<!tpu.dma_semaphore, #tpu.memory_space<semaphore_mem>>) src(%arg6 : memref<128x128xf32, #tpu.memory_space<vmem>>) dst(%dma_wait3A_311 : memref<128x128xf32, #tpu.memory_space<hbm>>)
    return
  }
}

#map = affine_map<(d0, d1) -> (0, 0)>
module attributes {stable_mosaic.version = 14 : i64} {
  func.func @k(%arg0: i32, %arg1: i32, %arg2: memref<2560x128xi32, #tpu.memory_space<hbm>>, %arg3: memref<2560x128xi32, #tpu.memory_space<hbm>>, %arg4: memref<2560x128xi32, #tpu.memory_space<hbm>>, %arg5: memref<2x10240xf32, #tpu.memory_space<hbm>>, %arg6: memref<80x128xi32, #tpu.memory_space<vmem>>, %arg7: memref<80x128xi32, #tpu.memory_space<vmem>>, %arg8: memref<80x128xi32, #tpu.memory_space<vmem>>, %arg9: memref<80x128xf32, #tpu.memory_space<vmem>>, %arg10: memref<640xf32, #tpu.memory_space<vmem>>, %arg11: memref<10240xf32, #tpu.memory_space<vmem_shared>>, %arg12: memref<!tpu.dma_semaphore, #tpu.memory_space<semaphore_mem>>) attributes {dimension_semantics = [#tpu.dimension_semantics<core_parallel>, #tpu.dimension_semantics<subcore_parallel>], iteration_bounds = array<i64: 2, 16>, scalar_prefetch = 0 : i64, scratch_operands = 7 : i64, tpu.core_type = #tpu.core_type<sc_vector_subcore>, window_params = [{transform_indices = #map}, {transform_indices = #map}, {transform_indices = #map}, {transform_indices = #map}]} {
    %mul3A = arith.constant 16 : i32
    %mul3A_0 = arith.muli %arg0, %mul3A : i32
    %add3A = arith.addi %mul3A_0, %arg1 : i32
    %broadcast_in_dim3A = arith.constant 0.000000e+00 : f32
    %broadcast_in_dim3A_1 = vector.broadcast %broadcast_in_dim3A : f32 to vector<16xf32>
    %broadcast_in_dim3A_2 = arith.constant 1.000000e+00 : f32
    %broadcast_in_dim3A_3 = vector.broadcast %broadcast_in_dim3A_2 : f32 to vector<16xf32>
    %broadcast_in_dim3A_4 = arith.constant 10000 : i32
    %broadcast_in_dim3A_5 = vector.broadcast %broadcast_in_dim3A_4 : i32 to vector<16xi32>
    %scan3A = arith.constant 0 : i32
    %scan3A_6 = arith.constant 0 : i32
    %scan3A_7 = arith.constant 40 : i32
    %scan3A_8 = arith.addi %scan3A_6, %scan3A_7 : i32
    %scan3A_9 = arith.constant 1 : i32
    %scan3A_10 = scf.for %scan3A_46 = %scan3A_6 to %scan3A_8 step %scan3A_9 iter_args(%scan3A_47 = %scan3A) -> (i32)  : i32 {
      %mul3A_48 = arith.constant 16 : i32
      %mul3A_49 = arith.muli %scan3A_46, %mul3A_48 : i32
      %swap3A = arith.index_cast %mul3A_49 : i32 to index
      %swap3A_50 = tpu.vector_load %arg10[%swap3A] {strides = array<i32>} : memref<640xf32, #tpu.memory_space<vmem>>, vector<16xf32>,
      %swap3A_51 = vector.shape_cast %swap3A_50 : vector<16xf32> to vector<16xf32>
      %swap3A_52 = vector.shape_cast %broadcast_in_dim3A_1 : vector<16xf32> to vector<16xf32>
      tpu.vector_store %arg10[%swap3A], %swap3A_52 {strides = array<i32>} : memref<640xf32, #tpu.memory_space<vmem>>, vector<16xf32>,
      %scan3A_53 = arith.constant 0 : i32
      scf.yield %scan3A_53 : i32
    }
    %scan3A_11 = arith.constant 40 : i32
    %mul3A_12 = arith.constant 640 : i32
    %mul3A_13 = arith.muli %arg1, %mul3A_12 : i32
    "tpu.region"() ({
      %run_scoped3A = tpu.sem_alloc : memref<!tpu.dma_semaphore, #tpu.memory_space<semaphore_mem>>
      %dma_start3A = tpu.memref_slice %arg11[%mul3A_13] : memref<10240xf32, #tpu.memory_space<vmem_shared>> -> memref<640xf32, #tpu.memory_space<vmem_shared>>
      %dma_start3A_46 = tpu.memref_slice %arg11[%mul3A_13] : memref<10240xf32, #tpu.memory_space<vmem_shared>> -> memref<640xf32, #tpu.memory_space<vmem_shared>>
      tpu.enqueue_dma source(%arg10 : memref<640xf32, #tpu.memory_space<vmem>>) target(%dma_start3A_46 : memref<640xf32, #tpu.memory_space<vmem_shared>>) target_semaphore(%run_scoped3A : memref<!tpu.dma_semaphore, #tpu.memory_space<semaphore_mem>>)
      %dma_wait3A = tpu.memref_slice %arg11[%mul3A_13] : memref<10240xf32, #tpu.memory_space<vmem_shared>> -> memref<640xf32, #tpu.memory_space<vmem_shared>>
      %dma_wait3A_47 = tpu.memref_slice %arg11[%mul3A_13] : memref<10240xf32, #tpu.memory_space<vmem_shared>> -> memref<640xf32, #tpu.memory_space<vmem_shared>>
      tpu.wait_dma2 semaphore(%run_scoped3A : memref<!tpu.dma_semaphore, #tpu.memory_space<semaphore_mem>>) src(%arg10 : memref<640xf32, #tpu.memory_space<vmem>>) dst(%dma_wait3A_47 : memref<640xf32, #tpu.memory_space<vmem_shared>>)
      tpu.yield
    }) : () -> ()
    %mul3A_14 = arith.constant 80 : i32
    %mul3A_15 = arith.muli %add3A, %mul3A_14 : i32
    "tpu.region"() ({
      %run_scoped3A = tpu.sem_alloc : memref<!tpu.dma_semaphore, #tpu.memory_space<semaphore_mem>>
      %dma_start3A = arith.constant 0 : i32
      %dma_start3A_46 = tpu.memref_slice %arg2[%mul3A_15, %dma_start3A] : memref<2560x128xi32, #tpu.memory_space<hbm>> -> memref<80x128xi32, #tpu.memory_space<hbm>>
      %dma_start3A_47 = arith.constant 0 : i32
      %dma_start3A_48 = tpu.memref_slice %arg2[%mul3A_15, %dma_start3A_47] : memref<2560x128xi32, #tpu.memory_space<hbm>> -> memref<80x128xi32, #tpu.memory_space<hbm>>
      tpu.enqueue_dma source(%dma_start3A_48 : memref<80x128xi32, #tpu.memory_space<hbm>>) target(%arg6 : memref<80x128xi32, #tpu.memory_space<vmem>>) target_semaphore(%run_scoped3A : memref<!tpu.dma_semaphore, #tpu.memory_space<semaphore_mem>>)
      %dma_wait3A = arith.constant 0 : i32
      %dma_wait3A_49 = tpu.memref_slice %arg2[%mul3A_15, %dma_wait3A] : memref<2560x128xi32, #tpu.memory_space<hbm>> -> memref<80x128xi32, #tpu.memory_space<hbm>>
      %dma_wait3A_50 = arith.constant 0 : i32
      %dma_wait3A_51 = tpu.memref_slice %arg2[%mul3A_15, %dma_wait3A_50] : memref<2560x128xi32, #tpu.memory_space<hbm>> -> memref<80x128xi32, #tpu.memory_space<hbm>>
      tpu.wait_dma2 semaphore(%run_scoped3A : memref<!tpu.dma_semaphore, #tpu.memory_space<semaphore_mem>>) src(%dma_wait3A_51 : memref<80x128xi32, #tpu.memory_space<hbm>>) dst(%arg6 : memref<80x128xi32, #tpu.memory_space<vmem>>)
      tpu.yield
    }) : () -> ()
    %mul3A_16 = arith.constant 80 : i32
    %mul3A_17 = arith.muli %add3A, %mul3A_16 : i32
    "tpu.region"() ({
      %run_scoped3A = tpu.sem_alloc : memref<!tpu.dma_semaphore, #tpu.memory_space<semaphore_mem>>
      %dma_start3A = arith.constant 0 : i32
      %dma_start3A_46 = tpu.memref_slice %arg3[%mul3A_17, %dma_start3A] : memref<2560x128xi32, #tpu.memory_space<hbm>> -> memref<80x128xi32, #tpu.memory_space<hbm>>
      %dma_start3A_47 = arith.constant 0 : i32
      %dma_start3A_48 = tpu.memref_slice %arg3[%mul3A_17, %dma_start3A_47] : memref<2560x128xi32, #tpu.memory_space<hbm>> -> memref<80x128xi32, #tpu.memory_space<hbm>>
      tpu.enqueue_dma source(%dma_start3A_48 : memref<80x128xi32, #tpu.memory_space<hbm>>) target(%arg7 : memref<80x128xi32, #tpu.memory_space<vmem>>) target_semaphore(%run_scoped3A : memref<!tpu.dma_semaphore, #tpu.memory_space<semaphore_mem>>)
      %dma_wait3A = arith.constant 0 : i32
      %dma_wait3A_49 = tpu.memref_slice %arg3[%mul3A_17, %dma_wait3A] : memref<2560x128xi32, #tpu.memory_space<hbm>> -> memref<80x128xi32, #tpu.memory_space<hbm>>
      %dma_wait3A_50 = arith.constant 0 : i32
      %dma_wait3A_51 = tpu.memref_slice %arg3[%mul3A_17, %dma_wait3A_50] : memref<2560x128xi32, #tpu.memory_space<hbm>> -> memref<80x128xi32, #tpu.memory_space<hbm>>
      tpu.wait_dma2 semaphore(%run_scoped3A : memref<!tpu.dma_semaphore, #tpu.memory_space<semaphore_mem>>) src(%dma_wait3A_51 : memref<80x128xi32, #tpu.memory_space<hbm>>) dst(%arg7 : memref<80x128xi32, #tpu.memory_space<vmem>>)
      tpu.yield
    }) : () -> ()
    %scan3A_18 = arith.constant 0 : i32
    %scan3A_19 = arith.constant 0 : i32
    %scan3A_20 = arith.constant 80 : i32
    %scan3A_21 = arith.addi %scan3A_19, %scan3A_20 : i32
    %scan3A_22 = arith.constant 1 : i32
    %scan3A_23 = scf.for %scan3A_46 = %scan3A_19 to %scan3A_21 step %scan3A_22 iter_args(%scan3A_47 = %scan3A_18) -> (i32)  : i32 {
      %get3A = arith.index_cast %scan3A_46 : i32 to index
      %get3A_48 = arith.constant 0 : index
      %get3A_49 = tpu.vector_load %arg6[%get3A, %get3A_48] {strides = array<i32>} : memref<80x128xi32, #tpu.memory_space<vmem>>, vector<1x16xi32>,
      %get3A_50 = vector.shape_cast %get3A_49 : vector<1x16xi32> to vector<16xi32>
      %get3A_51 = arith.index_cast %scan3A_46 : i32 to index
      %get3A_52 = arith.constant 0 : index
      %get3A_53 = tpu.vector_load %arg7[%get3A_51, %get3A_52] {strides = array<i32>} : memref<80x128xi32, #tpu.memory_space<vmem>>, vector<1x16xi32>,
      %get3A_54 = vector.shape_cast %get3A_53 : vector<1x16xi32> to vector<16xi32>
      %eq3A = arith.cmpi eq, %get3A_50, %get3A_54 : vector<16xi32>
      %select_n3A = arith.select %eq3A, %broadcast_in_dim3A_5, %get3A_50 : vector<16xi1>, vector<16xi32>
      %swap3A = arith.index_cast %scan3A_46 : i32 to index
      %swap3A_55 = arith.constant 0 : index
      %swap3A_56 = tpu.vector_load %arg8[%swap3A, %swap3A_55] {strides = array<i32>} : memref<80x128xi32, #tpu.memory_space<vmem>>, vector<1x16xi32>,
      %swap3A_57 = vector.shape_cast %swap3A_56 : vector<1x16xi32> to vector<16xi32>
      %swap3A_58 = vector.shape_cast %select_n3A : vector<16xi32> to vector<1x16xi32>
      tpu.vector_store %arg8[%swap3A, %swap3A_55], %swap3A_58 {strides = array<i32>} : memref<80x128xi32, #tpu.memory_space<vmem>>, vector<1x16xi32>,
      %select_n3A_59 = arith.select %eq3A, %broadcast_in_dim3A_1, %broadcast_in_dim3A_3 : vector<16xi1>, vector<16xf32>
      %swap3A_60 = arith.index_cast %scan3A_46 : i32 to index
      %swap3A_61 = arith.constant 0 : index
      %swap3A_62 = tpu.vector_load %arg9[%swap3A_60, %swap3A_61] {strides = array<i32>} : memref<80x128xf32, #tpu.memory_space<vmem>>, vector<1x16xf32>,
      %swap3A_63 = vector.shape_cast %swap3A_62 : vector<1x16xf32> to vector<16xf32>
      %swap3A_64 = vector.shape_cast %select_n3A_59 : vector<16xf32> to vector<1x16xf32>
      tpu.vector_store %arg9[%swap3A_60, %swap3A_61], %swap3A_64 {strides = array<i32>} : memref<80x128xf32, #tpu.memory_space<vmem>>, vector<1x16xf32>,
      %get3A_65 = arith.index_cast %scan3A_46 : i32 to index
      %get3A_66 = arith.constant 16 : index
      %get3A_67 = tpu.vector_load %arg6[%get3A_65, %get3A_66] {strides = array<i32>} : memref<80x128xi32, #tpu.memory_space<vmem>>, vector<1x16xi32>,
      %get3A_68 = vector.shape_cast %get3A_67 : vector<1x16xi32> to vector<16xi32>
      %get3A_69 = arith.index_cast %scan3A_46 : i32 to index
      %get3A_70 = arith.constant 16 : index
      %get3A_71 = tpu.vector_load %arg7[%get3A_69, %get3A_70] {strides = array<i32>} : memref<80x128xi32, #tpu.memory_space<vmem>>, vector<1x16xi32>,
      %get3A_72 = vector.shape_cast %get3A_71 : vector<1x16xi32> to vector<16xi32>
      %eq3A_73 = arith.cmpi eq, %get3A_68, %get3A_72 : vector<16xi32>
      %select_n3A_74 = arith.select %eq3A_73, %broadcast_in_dim3A_5, %get3A_68 : vector<16xi1>, vector<16xi32>
      %swap3A_75 = arith.index_cast %scan3A_46 : i32 to index
      %swap3A_76 = arith.constant 16 : index
      %swap3A_77 = tpu.vector_load %arg8[%swap3A_75, %swap3A_76] {strides = array<i32>} : memref<80x128xi32, #tpu.memory_space<vmem>>, vector<1x16xi32>,
      %swap3A_78 = vector.shape_cast %swap3A_77 : vector<1x16xi32> to vector<16xi32>
      %swap3A_79 = vector.shape_cast %select_n3A_74 : vector<16xi32> to vector<1x16xi32>
      tpu.vector_store %arg8[%swap3A_75, %swap3A_76], %swap3A_79 {strides = array<i32>} : memref<80x128xi32, #tpu.memory_space<vmem>>, vector<1x16xi32>,
      %select_n3A_80 = arith.select %eq3A_73, %broadcast_in_dim3A_1, %broadcast_in_dim3A_3 : vector<16xi1>, vector<16xf32>
      %swap3A_81 = arith.index_cast %scan3A_46 : i32 to index
      %swap3A_82 = arith.constant 16 : index
      %swap3A_83 = tpu.vector_load %arg9[%swap3A_81, %swap3A_82] {strides = array<i32>} : memref<80x128xf32, #tpu.memory_space<vmem>>, vector<1x16xf32>,
      %swap3A_84 = vector.shape_cast %swap3A_83 : vector<1x16xf32> to vector<16xf32>
      %swap3A_85 = vector.shape_cast %select_n3A_80 : vector<16xf32> to vector<1x16xf32>
      tpu.vector_store %arg9[%swap3A_81, %swap3A_82], %swap3A_85 {strides = array<i32>} : memref<80x128xf32, #tpu.memory_space<vmem>>, vector<1x16xf32>,
      %get3A_86 = arith.index_cast %scan3A_46 : i32 to index
      %get3A_87 = arith.constant 32 : index
      %get3A_88 = tpu.vector_load %arg6[%get3A_86, %get3A_87] {strides = array<i32>} : memref<80x128xi32, #tpu.memory_space<vmem>>, vector<1x16xi32>,
      %get3A_89 = vector.shape_cast %get3A_88 : vector<1x16xi32> to vector<16xi32>
      %get3A_90 = arith.index_cast %scan3A_46 : i32 to index
      %get3A_91 = arith.constant 32 : index
      %get3A_92 = tpu.vector_load %arg7[%get3A_90, %get3A_91] {strides = array<i32>} : memref<80x128xi32, #tpu.memory_space<vmem>>, vector<1x16xi32>,
      %get3A_93 = vector.shape_cast %get3A_92 : vector<1x16xi32> to vector<16xi32>
      %eq3A_94 = arith.cmpi eq, %get3A_89, %get3A_93 : vector<16xi32>
      %select_n3A_95 = arith.select %eq3A_94, %broadcast_in_dim3A_5, %get3A_89 : vector<16xi1>, vector<16xi32>
      %swap3A_96 = arith.index_cast %scan3A_46 : i32 to index
      %swap3A_97 = arith.constant 32 : index
      %swap3A_98 = tpu.vector_load %arg8[%swap3A_96, %swap3A_97] {strides = array<i32>} : memref<80x128xi32, #tpu.memory_space<vmem>>, vector<1x16xi32>,
      %swap3A_99 = vector.shape_cast %swap3A_98 : vector<1x16xi32> to vector<16xi32>
      %swap3A_100 = vector.shape_cast %select_n3A_95 : vector<16xi32> to vector<1x16xi32>
      tpu.vector_store %arg8[%swap3A_96, %swap3A_97], %swap3A_100 {strides = array<i32>} : memref<80x128xi32, #tpu.memory_space<vmem>>, vector<1x16xi32>,
      %select_n3A_101 = arith.select %eq3A_94, %broadcast_in_dim3A_1, %broadcast_in_dim3A_3 : vector<16xi1>, vector<16xf32>
      %swap3A_102 = arith.index_cast %scan3A_46 : i32 to index
      %swap3A_103 = arith.constant 32 : index
      %swap3A_104 = tpu.vector_load %arg9[%swap3A_102, %swap3A_103] {strides = array<i32>} : memref<80x128xf32, #tpu.memory_space<vmem>>, vector<1x16xf32>,
      %swap3A_105 = vector.shape_cast %swap3A_104 : vector<1x16xf32> to vector<16xf32>
      %swap3A_106 = vector.shape_cast %select_n3A_101 : vector<16xf32> to vector<1x16xf32>
      tpu.vector_store %arg9[%swap3A_102, %swap3A_103], %swap3A_106 {strides = array<i32>} : memref<80x128xf32, #tpu.memory_space<vmem>>, vector<1x16xf32>,
      %get3A_107 = arith.index_cast %scan3A_46 : i32 to index
      %get3A_108 = arith.constant 48 : index
      %get3A_109 = tpu.vector_load %arg6[%get3A_107, %get3A_108] {strides = array<i32>} : memref<80x128xi32, #tpu.memory_space<vmem>>, vector<1x16xi32>,
      %get3A_110 = vector.shape_cast %get3A_109 : vector<1x16xi32> to vector<16xi32>
      %get3A_111 = arith.index_cast %scan3A_46 : i32 to index
      %get3A_112 = arith.constant 48 : index
      %get3A_113 = tpu.vector_load %arg7[%get3A_111, %get3A_112] {strides = array<i32>} : memref<80x128xi32, #tpu.memory_space<vmem>>, vector<1x16xi32>,
      %get3A_114 = vector.shape_cast %get3A_113 : vector<1x16xi32> to vector<16xi32>
      %eq3A_115 = arith.cmpi eq, %get3A_110, %get3A_114 : vector<16xi32>
      %select_n3A_116 = arith.select %eq3A_115, %broadcast_in_dim3A_5, %get3A_110 : vector<16xi1>, vector<16xi32>
      %swap3A_117 = arith.index_cast %scan3A_46 : i32 to index
      %swap3A_118 = arith.constant 48 : index
      %swap3A_119 = tpu.vector_load %arg8[%swap3A_117, %swap3A_118] {strides = array<i32>} : memref<80x128xi32, #tpu.memory_space<vmem>>, vector<1x16xi32>,
      %swap3A_120 = vector.shape_cast %swap3A_119 : vector<1x16xi32> to vector<16xi32>
      %swap3A_121 = vector.shape_cast %select_n3A_116 : vector<16xi32> to vector<1x16xi32>
      tpu.vector_store %arg8[%swap3A_117, %swap3A_118], %swap3A_121 {strides = array<i32>} : memref<80x128xi32, #tpu.memory_space<vmem>>, vector<1x16xi32>,
      %select_n3A_122 = arith.select %eq3A_115, %broadcast_in_dim3A_1, %broadcast_in_dim3A_3 : vector<16xi1>, vector<16xf32>
      %swap3A_123 = arith.index_cast %scan3A_46 : i32 to index
      %swap3A_124 = arith.constant 48 : index
      %swap3A_125 = tpu.vector_load %arg9[%swap3A_123, %swap3A_124] {strides = array<i32>} : memref<80x128xf32, #tpu.memory_space<vmem>>, vector<1x16xf32>,
      %swap3A_126 = vector.shape_cast %swap3A_125 : vector<1x16xf32> to vector<16xf32>
      %swap3A_127 = vector.shape_cast %select_n3A_122 : vector<16xf32> to vector<1x16xf32>
      tpu.vector_store %arg9[%swap3A_123, %swap3A_124], %swap3A_127 {strides = array<i32>} : memref<80x128xf32, #tpu.memory_space<vmem>>, vector<1x16xf32>,
      %get3A_128 = arith.index_cast %scan3A_46 : i32 to index
      %get3A_129 = arith.constant 64 : index
      %get3A_130 = tpu.vector_load %arg6[%get3A_128, %get3A_129] {strides = array<i32>} : memref<80x128xi32, #tpu.memory_space<vmem>>, vector<1x16xi32>,
      %get3A_131 = vector.shape_cast %get3A_130 : vector<1x16xi32> to vector<16xi32>
      %get3A_132 = arith.index_cast %scan3A_46 : i32 to index
      %get3A_133 = arith.constant 64 : index
      %get3A_134 = tpu.vector_load %arg7[%get3A_132, %get3A_133] {strides = array<i32>} : memref<80x128xi32, #tpu.memory_space<vmem>>, vector<1x16xi32>,
      %get3A_135 = vector.shape_cast %get3A_134 : vector<1x16xi32> to vector<16xi32>
      %eq3A_136 = arith.cmpi eq, %get3A_131, %get3A_135 : vector<16xi32>
      %select_n3A_137 = arith.select %eq3A_136, %broadcast_in_dim3A_5, %get3A_131 : vector<16xi1>, vector<16xi32>
      %swap3A_138 = arith.index_cast %scan3A_46 : i32 to index
      %swap3A_139 = arith.constant 64 : index
      %swap3A_140 = tpu.vector_load %arg8[%swap3A_138, %swap3A_139] {strides = array<i32>} : memref<80x128xi32, #tpu.memory_space<vmem>>, vector<1x16xi32>,
      %swap3A_141 = vector.shape_cast %swap3A_140 : vector<1x16xi32> to vector<16xi32>
      %swap3A_142 = vector.shape_cast %select_n3A_137 : vector<16xi32> to vector<1x16xi32>
      tpu.vector_store %arg8[%swap3A_138, %swap3A_139], %swap3A_142 {strides = array<i32>} : memref<80x128xi32, #tpu.memory_space<vmem>>, vector<1x16xi32>,
      %select_n3A_143 = arith.select %eq3A_136, %broadcast_in_dim3A_1, %broadcast_in_dim3A_3 : vector<16xi1>, vector<16xf32>
      %swap3A_144 = arith.index_cast %scan3A_46 : i32 to index
      %swap3A_145 = arith.constant 64 : index
      %swap3A_146 = tpu.vector_load %arg9[%swap3A_144, %swap3A_145] {strides = array<i32>} : memref<80x128xf32, #tpu.memory_space<vmem>>, vector<1x16xf32>,
      %swap3A_147 = vector.shape_cast %swap3A_146 : vector<1x16xf32> to vector<16xf32>
      %swap3A_148 = vector.shape_cast %select_n3A_143 : vector<16xf32> to vector<1x16xf32>
      tpu.vector_store %arg9[%swap3A_144, %swap3A_145], %swap3A_148 {strides = array<i32>} : memref<80x128xf32, #tpu.memory_space<vmem>>, vector<1x16xf32>,
      %get3A_149 = arith.index_cast %scan3A_46 : i32 to index
      %get3A_150 = arith.constant 80 : index
      %get3A_151 = tpu.vector_load %arg6[%get3A_149, %get3A_150] {strides = array<i32>} : memref<80x128xi32, #tpu.memory_space<vmem>>, vector<1x16xi32>,
      %get3A_152 = vector.shape_cast %get3A_151 : vector<1x16xi32> to vector<16xi32>
      %get3A_153 = arith.index_cast %scan3A_46 : i32 to index
      %get3A_154 = arith.constant 80 : index
      %get3A_155 = tpu.vector_load %arg7[%get3A_153, %get3A_154] {strides = array<i32>} : memref<80x128xi32, #tpu.memory_space<vmem>>, vector<1x16xi32>,
      %get3A_156 = vector.shape_cast %get3A_155 : vector<1x16xi32> to vector<16xi32>
      %eq3A_157 = arith.cmpi eq, %get3A_152, %get3A_156 : vector<16xi32>
      %select_n3A_158 = arith.select %eq3A_157, %broadcast_in_dim3A_5, %get3A_152 : vector<16xi1>, vector<16xi32>
      %swap3A_159 = arith.index_cast %scan3A_46 : i32 to index
      %swap3A_160 = arith.constant 80 : index
      %swap3A_161 = tpu.vector_load %arg8[%swap3A_159, %swap3A_160] {strides = array<i32>} : memref<80x128xi32, #tpu.memory_space<vmem>>, vector<1x16xi32>,
      %swap3A_162 = vector.shape_cast %swap3A_161 : vector<1x16xi32> to vector<16xi32>
      %swap3A_163 = vector.shape_cast %select_n3A_158 : vector<16xi32> to vector<1x16xi32>
      tpu.vector_store %arg8[%swap3A_159, %swap3A_160], %swap3A_163 {strides = array<i32>} : memref<80x128xi32, #tpu.memory_space<vmem>>, vector<1x16xi32>,
      %select_n3A_164 = arith.select %eq3A_157, %broadcast_in_dim3A_1, %broadcast_in_dim3A_3 : vector<16xi1>, vector<16xf32>
      %swap3A_165 = arith.index_cast %scan3A_46 : i32 to index
      %swap3A_166 = arith.constant 80 : index
      %swap3A_167 = tpu.vector_load %arg9[%swap3A_165, %swap3A_166] {strides = array<i32>} : memref<80x128xf32, #tpu.memory_space<vmem>>, vector<1x16xf32>,
      %swap3A_168 = vector.shape_cast %swap3A_167 : vector<1x16xf32> to vector<16xf32>
      %swap3A_169 = vector.shape_cast %select_n3A_164 : vector<16xf32> to vector<1x16xf32>
      tpu.vector_store %arg9[%swap3A_165, %swap3A_166], %swap3A_169 {strides = array<i32>} : memref<80x128xf32, #tpu.memory_space<vmem>>, vector<1x16xf32>,
      %get3A_170 = arith.index_cast %scan3A_46 : i32 to index
      %get3A_171 = arith.constant 96 : index
      %get3A_172 = tpu.vector_load %arg6[%get3A_170, %get3A_171] {strides = array<i32>} : memref<80x128xi32, #tpu.memory_space<vmem>>, vector<1x16xi32>,
      %get3A_173 = vector.shape_cast %get3A_172 : vector<1x16xi32> to vector<16xi32>
      %get3A_174 = arith.index_cast %scan3A_46 : i32 to index
      %get3A_175 = arith.constant 96 : index
      %get3A_176 = tpu.vector_load %arg7[%get3A_174, %get3A_175] {strides = array<i32>} : memref<80x128xi32, #tpu.memory_space<vmem>>, vector<1x16xi32>,
      %get3A_177 = vector.shape_cast %get3A_176 : vector<1x16xi32> to vector<16xi32>
      %eq3A_178 = arith.cmpi eq, %get3A_173, %get3A_177 : vector<16xi32>
      %select_n3A_179 = arith.select %eq3A_178, %broadcast_in_dim3A_5, %get3A_173 : vector<16xi1>, vector<16xi32>
      %swap3A_180 = arith.index_cast %scan3A_46 : i32 to index
      %swap3A_181 = arith.constant 96 : index
      %swap3A_182 = tpu.vector_load %arg8[%swap3A_180, %swap3A_181] {strides = array<i32>} : memref<80x128xi32, #tpu.memory_space<vmem>>, vector<1x16xi32>,
      %swap3A_183 = vector.shape_cast %swap3A_182 : vector<1x16xi32> to vector<16xi32>
      %swap3A_184 = vector.shape_cast %select_n3A_179 : vector<16xi32> to vector<1x16xi32>
      tpu.vector_store %arg8[%swap3A_180, %swap3A_181], %swap3A_184 {strides = array<i32>} : memref<80x128xi32, #tpu.memory_space<vmem>>, vector<1x16xi32>,
      %select_n3A_185 = arith.select %eq3A_178, %broadcast_in_dim3A_1, %broadcast_in_dim3A_3 : vector<16xi1>, vector<16xf32>
      %swap3A_186 = arith.index_cast %scan3A_46 : i32 to index
      %swap3A_187 = arith.constant 96 : index
      %swap3A_188 = tpu.vector_load %arg9[%swap3A_186, %swap3A_187] {strides = array<i32>} : memref<80x128xf32, #tpu.memory_space<vmem>>, vector<1x16xf32>,
      %swap3A_189 = vector.shape_cast %swap3A_188 : vector<1x16xf32> to vector<16xf32>
      %swap3A_190 = vector.shape_cast %select_n3A_185 : vector<16xf32> to vector<1x16xf32>
      tpu.vector_store %arg9[%swap3A_186, %swap3A_187], %swap3A_190 {strides = array<i32>} : memref<80x128xf32, #tpu.memory_space<vmem>>, vector<1x16xf32>,
      %get3A_191 = arith.index_cast %scan3A_46 : i32 to index
      %get3A_192 = arith.constant 112 : index
      %get3A_193 = tpu.vector_load %arg6[%get3A_191, %get3A_192] {strides = array<i32>} : memref<80x128xi32, #tpu.memory_space<vmem>>, vector<1x16xi32>,
      %get3A_194 = vector.shape_cast %get3A_193 : vector<1x16xi32> to vector<16xi32>
      %get3A_195 = arith.index_cast %scan3A_46 : i32 to index
      %get3A_196 = arith.constant 112 : index
      %get3A_197 = tpu.vector_load %arg7[%get3A_195, %get3A_196] {strides = array<i32>} : memref<80x128xi32, #tpu.memory_space<vmem>>, vector<1x16xi32>,
      %get3A_198 = vector.shape_cast %get3A_197 : vector<1x16xi32> to vector<16xi32>
      %eq3A_199 = arith.cmpi eq, %get3A_194, %get3A_198 : vector<16xi32>
      %select_n3A_200 = arith.select %eq3A_199, %broadcast_in_dim3A_5, %get3A_194 : vector<16xi1>, vector<16xi32>
      %swap3A_201 = arith.index_cast %scan3A_46 : i32 to index
      %swap3A_202 = arith.constant 112 : index
      %swap3A_203 = tpu.vector_load %arg8[%swap3A_201, %swap3A_202] {strides = array<i32>} : memref<80x128xi32, #tpu.memory_space<vmem>>, vector<1x16xi32>,
      %swap3A_204 = vector.shape_cast %swap3A_203 : vector<1x16xi32> to vector<16xi32>
      %swap3A_205 = vector.shape_cast %select_n3A_200 : vector<16xi32> to vector<1x16xi32>
      tpu.vector_store %arg8[%swap3A_201, %swap3A_202], %swap3A_205 {strides = array<i32>} : memref<80x128xi32, #tpu.memory_space<vmem>>, vector<1x16xi32>,
      %select_n3A_206 = arith.select %eq3A_199, %broadcast_in_dim3A_1, %broadcast_in_dim3A_3 : vector<16xi1>, vector<16xf32>
      %swap3A_207 = arith.index_cast %scan3A_46 : i32 to index
      %swap3A_208 = arith.constant 112 : index
      %swap3A_209 = tpu.vector_load %arg9[%swap3A_207, %swap3A_208] {strides = array<i32>} : memref<80x128xf32, #tpu.memory_space<vmem>>, vector<1x16xf32>,
      %swap3A_210 = vector.shape_cast %swap3A_209 : vector<1x16xf32> to vector<16xf32>
      %swap3A_211 = vector.shape_cast %select_n3A_206 : vector<16xf32> to vector<1x16xf32>
      tpu.vector_store %arg9[%swap3A_207, %swap3A_208], %swap3A_211 {strides = array<i32>} : memref<80x128xf32, #tpu.memory_space<vmem>>, vector<1x16xf32>,
      %scan3A_212 = arith.constant 0 : i32
      scf.yield %scan3A_212 : i32
    }
    %scan3A_24 = arith.constant 80 : i32
    %mul3A_25 = arith.constant 80 : i32
    %mul3A_26 = arith.muli %add3A, %mul3A_25 : i32
    "tpu.region"() ({
      %run_scoped3A = tpu.sem_alloc : memref<!tpu.dma_semaphore, #tpu.memory_space<semaphore_mem>>
      %dma_start3A = arith.constant 0 : i32
      %dma_start3A_46 = tpu.memref_slice %arg4[%mul3A_26, %dma_start3A] : memref<2560x128xi32, #tpu.memory_space<hbm>> -> memref<80x128xi32, #tpu.memory_space<hbm>>
      %dma_start3A_47 = arith.constant 0 : i32
      %dma_start3A_48 = tpu.memref_slice %arg4[%mul3A_26, %dma_start3A_47] : memref<2560x128xi32, #tpu.memory_space<hbm>> -> memref<80x128xi32, #tpu.memory_space<hbm>>
      tpu.enqueue_dma source(%arg8 : memref<80x128xi32, #tpu.memory_space<vmem>>) target(%dma_start3A_48 : memref<80x128xi32, #tpu.memory_space<hbm>>) target_semaphore(%run_scoped3A : memref<!tpu.dma_semaphore, #tpu.memory_space<semaphore_mem>>)
      %dma_wait3A = arith.constant 0 : i32
      %dma_wait3A_49 = tpu.memref_slice %arg4[%mul3A_26, %dma_wait3A] : memref<2560x128xi32, #tpu.memory_space<hbm>> -> memref<80x128xi32, #tpu.memory_space<hbm>>
      %dma_wait3A_50 = arith.constant 0 : i32
      %dma_wait3A_51 = tpu.memref_slice %arg4[%mul3A_26, %dma_wait3A_50] : memref<2560x128xi32, #tpu.memory_space<hbm>> -> memref<80x128xi32, #tpu.memory_space<hbm>>
      tpu.wait_dma2 semaphore(%run_scoped3A : memref<!tpu.dma_semaphore, #tpu.memory_space<semaphore_mem>>) src(%arg8 : memref<80x128xi32, #tpu.memory_space<vmem>>) dst(%dma_wait3A_51 : memref<80x128xi32, #tpu.memory_space<hbm>>)
      tpu.yield
    }) : () -> ()
    %barrier3A = arith.constant 0 : index
    tpu.barrier barrier_id(%barrier3A)
    %scan3A_27 = arith.constant 0 : i32
    %scan3A_28 = arith.constant 0 : i32
    %scan3A_29 = arith.constant 80 : i32
    %scan3A_30 = arith.addi %scan3A_28, %scan3A_29 : i32
    %scan3A_31 = arith.constant 1 : i32
    %scan3A_32 = scf.for %scan3A_46 = %scan3A_28 to %scan3A_30 step %scan3A_31 iter_args(%scan3A_47 = %scan3A_27) -> (i32)  : i32 {
      %dma_start3A = arith.constant 0 : i32
      %dma_start3A_48 = tpu.memref_slice %arg9[%scan3A_46, %dma_start3A] : memref<80x128xf32, #tpu.memory_space<vmem>> -> memref<1x128xf32, #tpu.memory_space<vmem>>
      %dma_start3A_49 = tpu.memref_squeeze %dma_start3A_48 : memref<1x128xf32, #tpu.memory_space<vmem>> -> memref<128xf32, #tpu.memory_space<vmem>>
      %dma_start3A_50 = arith.constant 0 : i32
      %dma_start3A_51 = tpu.memref_slice %arg6[%scan3A_46, %dma_start3A_50] : memref<80x128xi32, #tpu.memory_space<vmem>> -> memref<1x128xi32, #tpu.memory_space<vmem>>
      %dma_start3A_52 = tpu.memref_squeeze %dma_start3A_51 : memref<1x128xi32, #tpu.memory_space<vmem>> -> memref<128xi32, #tpu.memory_space<vmem>>
      %dma_start3A_53 = arith.constant 0 : i32
      %dma_start3A_54 = tpu.memref_slice %arg11[%dma_start3A_53] : memref<10240xf32, #tpu.memory_space<vmem_shared>> -> memref<10240xf32, #tpu.memory_space<vmem_shared>>
      tpu.enqueue_indirect_dma source(%dma_start3A_49 : memref<128xf32, #tpu.memory_space<vmem>>) target(%dma_start3A_54 : memref<10240xf32, #tpu.memory_space<vmem_shared>>) offsets(%dma_start3A_52 : memref<128xi32, #tpu.memory_space<vmem>>) semaphore(%arg12 : memref<!tpu.dma_semaphore, #tpu.memory_space<semaphore_mem>>) {add = true}
      %scan3A_55 = arith.constant 0 : i32
      scf.yield %scan3A_55 : i32
    }
    %scan3A_33 = arith.constant 80 : i32
    %scan3A_34 = arith.constant 0 : i32
    %scan3A_35 = arith.constant 0 : i32
    %scan3A_36 = arith.constant 80 : i32
    %scan3A_37 = arith.addi %scan3A_35, %scan3A_36 : i32
    %scan3A_38 = arith.constant 1 : i32
    %scan3A_39 = scf.for %scan3A_46 = %scan3A_35 to %scan3A_37 step %scan3A_38 iter_args(%scan3A_47 = %scan3A_34) -> (i32)  : i32 {
      %dma_wait3A = arith.constant 0 : i32
      %dma_wait3A_48 = tpu.memref_slice %arg9[%scan3A_46, %dma_wait3A] : memref<80x128xf32, #tpu.memory_space<vmem>> -> memref<1x128xf32, #tpu.memory_space<vmem>>
      %dma_wait3A_49 = tpu.memref_squeeze %dma_wait3A_48 : memref<1x128xf32, #tpu.memory_space<vmem>> -> memref<128xf32, #tpu.memory_space<vmem>>
      %dma_wait3A_50 = arith.constant 0 : i32
      %dma_wait3A_51 = tpu.memref_slice %arg6[%scan3A_46, %dma_wait3A_50] : memref<80x128xi32, #tpu.memory_space<vmem>> -> memref<1x128xi32, #tpu.memory_space<vmem>>
      %dma_wait3A_52 = tpu.memref_squeeze %dma_wait3A_51 : memref<1x128xi32, #tpu.memory_space<vmem>> -> memref<128xi32, #tpu.memory_space<vmem>>
      %dma_wait3A_53 = arith.constant 0 : i32
      %dma_wait3A_54 = tpu.memref_slice %arg11[%dma_wait3A_53] : memref<10240xf32, #tpu.memory_space<vmem_shared>> -> memref<10240xf32, #tpu.memory_space<vmem_shared>>
      tpu.wait_indirect_dma semaphore(%arg12 : memref<!tpu.dma_semaphore, #tpu.memory_space<semaphore_mem>>) src(%dma_wait3A_49 : memref<128xf32, #tpu.memory_space<vmem>>) dst(%dma_wait3A_54 : memref<10240xf32, #tpu.memory_space<vmem_shared>>)
      %scan3A_55 = arith.constant 0 : i32
      scf.yield %scan3A_55 : i32
    }
    %scan3A_40 = arith.constant 80 : i32
    %barrier3A_41 = arith.constant 0 : index
    tpu.barrier barrier_id(%barrier3A_41)
    %mul3A_42 = arith.constant 640 : i32
    %mul3A_43 = arith.muli %arg1, %mul3A_42 : i32
    "tpu.region"() ({
      %run_scoped3A = tpu.sem_alloc : memref<!tpu.dma_semaphore, #tpu.memory_space<semaphore_mem>>
      %dma_start3A = tpu.memref_slice %arg11[%mul3A_43] : memref<10240xf32, #tpu.memory_space<vmem_shared>> -> memref<640xf32, #tpu.memory_space<vmem_shared>>
      %dma_start3A_46 = tpu.memref_slice %arg11[%mul3A_43] : memref<10240xf32, #tpu.memory_space<vmem_shared>> -> memref<640xf32, #tpu.memory_space<vmem_shared>>
      tpu.enqueue_dma source(%dma_start3A_46 : memref<640xf32, #tpu.memory_space<vmem_shared>>) target(%arg10 : memref<640xf32, #tpu.memory_space<vmem>>) target_semaphore(%run_scoped3A : memref<!tpu.dma_semaphore, #tpu.memory_space<semaphore_mem>>)
      %dma_wait3A = tpu.memref_slice %arg11[%mul3A_43] : memref<10240xf32, #tpu.memory_space<vmem_shared>> -> memref<640xf32, #tpu.memory_space<vmem_shared>>
      %dma_wait3A_47 = tpu.memref_slice %arg11[%mul3A_43] : memref<10240xf32, #tpu.memory_space<vmem_shared>> -> memref<640xf32, #tpu.memory_space<vmem_shared>>
      tpu.wait_dma2 semaphore(%run_scoped3A : memref<!tpu.dma_semaphore, #tpu.memory_space<semaphore_mem>>) src(%dma_wait3A_47 : memref<640xf32, #tpu.memory_space<vmem_shared>>) dst(%arg10 : memref<640xf32, #tpu.memory_space<vmem>>)
      tpu.yield
    }) : () -> ()
    %mul3A_44 = arith.constant 640 : i32
    %mul3A_45 = arith.muli %arg1, %mul3A_44 : i32
    "tpu.region"() ({
      %run_scoped3A = tpu.sem_alloc : memref<!tpu.dma_semaphore, #tpu.memory_space<semaphore_mem>>
      %dma_start3A = tpu.memref_slice %arg5[%arg0, %mul3A_45] : memref<2x10240xf32, #tpu.memory_space<hbm>> -> memref<1x640xf32, #tpu.memory_space<hbm>>
      %dma_start3A_46 = tpu.memref_squeeze %dma_start3A : memref<1x640xf32, #tpu.memory_space<hbm>> -> memref<640xf32, #tpu.memory_space<hbm>>
      %dma_start3A_47 = tpu.memref_slice %arg5[%arg0, %mul3A_45] : memref<2x10240xf32, #tpu.memory_space<hbm>> -> memref<1x640xf32, #tpu.memory_space<hbm>>
      %dma_start3A_48 = tpu.memref_squeeze %dma_start3A_47 : memref<1x640xf32, #tpu.memory_space<hbm>> -> memref<640xf32, #tpu.memory_space<hbm>>
      tpu.enqueue_dma source(%arg10 : memref<640xf32, #tpu.memory_space<vmem>>) target(%dma_start3A_48 : memref<640xf32, #tpu.memory_space<hbm>>) target_semaphore(%run_scoped3A : memref<!tpu.dma_semaphore, #tpu.memory_space<semaphore_mem>>)
      %dma_wait3A = tpu.memref_slice %arg5[%arg0, %mul3A_45] : memref<2x10240xf32, #tpu.memory_space<hbm>> -> memref<1x640xf32, #tpu.memory_space<hbm>>
      %dma_wait3A_49 = tpu.memref_squeeze %dma_wait3A : memref<1x640xf32, #tpu.memory_space<hbm>> -> memref<640xf32, #tpu.memory_space<hbm>>
      %dma_wait3A_50 = tpu.memref_slice %arg5[%arg0, %mul3A_45] : memref<2x10240xf32, #tpu.memory_space<hbm>> -> memref<1x640xf32, #tpu.memory_space<hbm>>
      %dma_wait3A_51 = tpu.memref_squeeze %dma_wait3A_50 : memref<1x640xf32, #tpu.memory_space<hbm>> -> memref<640xf32, #tpu.memory_space<hbm>>
      tpu.wait_dma2 semaphore(%run_scoped3A : memref<!tpu.dma_semaphore, #tpu.memory_space<semaphore_mem>>) src(%arg10 : memref<640xf32, #tpu.memory_space<vmem>>) dst(%dma_wait3A_51 : memref<640xf32, #tpu.memory_space<hbm>>)
      tpu.yield
    }) : () -> ()
    return
  }
}

#map = affine_map<(d0, d1) -> (0, 0)>
#map1 = affine_map<(d0, d1) -> (0)>
#map2 = affine_map<(d0, d1) -> (0, 0, 0)>
module attributes {stable_mosaic.version = 14 : i64} {
  func.func @k(%arg0: i32, %arg1: i32, %arg2: memref<10240x128xf32, #tpu.memory_space<hbm>>, %arg3: memref<327680xi32, #tpu.memory_space<hbm>>, %arg4: memref<327680xi32, #tpu.memory_space<hbm>>, %arg5: memref<2x10240x128xf32, #tpu.memory_space<hbm>>, %arg6: memref<128x128xf32, #tpu.memory_space<vmem>>, %arg7: memref<128x128xf32, #tpu.memory_space<vmem>>, %arg8: memref<10240x128xf32, #tpu.memory_space<vmem_shared>>, %arg9: memref<!tpu.dma_semaphore, #tpu.memory_space<semaphore_mem>>, %arg10: memref<!tpu.dma_semaphore, #tpu.memory_space<semaphore_mem>>, %arg11: memref<!tpu.dma_semaphore, #tpu.memory_space<semaphore_mem>>, %arg12: memref<!tpu.dma_semaphore, #tpu.memory_space<semaphore_mem>>, %arg13: memref<!tpu.dma_semaphore, #tpu.memory_space<semaphore_mem>>, %arg14: memref<!tpu.dma_semaphore, #tpu.memory_space<semaphore_mem>>, %arg15: memref<!tpu.dma_semaphore, #tpu.memory_space<semaphore_mem>>, %arg16: memref<!tpu.dma_semaphore, #tpu.memory_space<semaphore_mem>>, %arg17: memref<128xi32, #tpu.memory_space<vmem>>, %arg18: memref<128xi32, #tpu.memory_space<vmem>>, %arg19: memref<128xi32, #tpu.memory_space<vmem>>, %arg20: memref<128xi32, #tpu.memory_space<vmem>>, %arg21: memref<128xi32, #tpu.memory_space<vmem>>, %arg22: memref<128xi32, #tpu.memory_space<vmem>>, %arg23: memref<128xi32, #tpu.memory_space<vmem>>, %arg24: memref<128xi32, #tpu.memory_space<vmem>>) attributes {dimension_semantics = [#tpu.dimension_semantics<core_parallel>, #tpu.dimension_semantics<subcore_parallel>], iteration_bounds = array<i64: 2, 16>, scalar_prefetch = 0 : i64, scratch_operands = 19 : i64, tpu.core_type = #tpu.core_type<sc_vector_subcore>, window_params = [{transform_indices = #map}, {transform_indices = #map1}, {transform_indices = #map1}, {transform_indices = #map2}]} {
    %mul3A = arith.constant 16 : i32
    %mul3A_0 = arith.muli %arg0, %mul3A : i32
    %add3A = arith.addi %mul3A_0, %arg1 : i32
    %mul3A_1 = arith.constant 80 : i32
    %mul3A_2 = arith.muli %add3A, %mul3A_1 : i32
    %broadcast_in_dim3A = arith.constant 0.000000e+00 : f32
    %broadcast_in_dim3A_3 = vector.broadcast %broadcast_in_dim3A : f32 to vector<16xf32>
    %add3A_4 = arith.constant 0 : i32
    %add3A_5 = arith.addi %mul3A_2, %add3A_4 : i32
    %mul3A_6 = arith.constant 128 : i32
    %mul3A_7 = arith.muli %add3A_5, %mul3A_6 : i32
    %dma_start3A = tpu.memref_slice %arg3[%mul3A_7] : memref<327680xi32, #tpu.memory_space<hbm>> -> memref<128xi32, #tpu.memory_space<hbm>>
    %dma_start3A_8 = tpu.memref_slice %arg3[%mul3A_7] : memref<327680xi32, #tpu.memory_space<hbm>> -> memref<128xi32, #tpu.memory_space<hbm>>
    tpu.enqueue_dma source(%dma_start3A_8 : memref<128xi32, #tpu.memory_space<hbm>>) target(%arg17 : memref<128xi32, #tpu.memory_space<vmem>>) target_semaphore(%arg13 : memref<!tpu.dma_semaphore, #tpu.memory_space<semaphore_mem>>)
    %dma_start3A_9 = tpu.memref_slice %arg4[%mul3A_7] : memref<327680xi32, #tpu.memory_space<hbm>> -> memref<128xi32, #tpu.memory_space<hbm>>
    %dma_start3A_10 = tpu.memref_slice %arg4[%mul3A_7] : memref<327680xi32, #tpu.memory_space<hbm>> -> memref<128xi32, #tpu.memory_space<hbm>>
    tpu.enqueue_dma source(%dma_start3A_10 : memref<128xi32, #tpu.memory_space<hbm>>) target(%arg21 : memref<128xi32, #tpu.memory_space<vmem>>) target_semaphore(%arg13 : memref<!tpu.dma_semaphore, #tpu.memory_space<semaphore_mem>>)
    %add3A_11 = arith.constant 1 : i32
    %add3A_12 = arith.addi %mul3A_2, %add3A_11 : i32
    %mul3A_13 = arith.constant 128 : i32
    %mul3A_14 = arith.muli %add3A_12, %mul3A_13 : i32
    %dma_start3A_15 = tpu.memref_slice %arg3[%mul3A_14] : memref<327680xi32, #tpu.memory_space<hbm>> -> memref<128xi32, #tpu.memory_space<hbm>>
    %dma_start3A_16 = tpu.memref_slice %arg3[%mul3A_14] : memref<327680xi32, #tpu.memory_space<hbm>> -> memref<128xi32, #tpu.memory_space<hbm>>
    tpu.enqueue_dma source(%dma_start3A_16 : memref<128xi32, #tpu.memory_space<hbm>>) target(%arg18 : memref<128xi32, #tpu.memory_space<vmem>>) target_semaphore(%arg14 : memref<!tpu.dma_semaphore, #tpu.memory_space<semaphore_mem>>)
    %dma_start3A_17 = tpu.memref_slice %arg4[%mul3A_14] : memref<327680xi32, #tpu.memory_space<hbm>> -> memref<128xi32, #tpu.memory_space<hbm>>
    %dma_start3A_18 = tpu.memref_slice %arg4[%mul3A_14] : memref<327680xi32, #tpu.memory_space<hbm>> -> memref<128xi32, #tpu.memory_space<hbm>>
    tpu.enqueue_dma source(%dma_start3A_18 : memref<128xi32, #tpu.memory_space<hbm>>) target(%arg22 : memref<128xi32, #tpu.memory_space<vmem>>) target_semaphore(%arg14 : memref<!tpu.dma_semaphore, #tpu.memory_space<semaphore_mem>>)
    %add3A_19 = arith.constant 2 : i32
    %add3A_20 = arith.addi %mul3A_2, %add3A_19 : i32
    %mul3A_21 = arith.constant 128 : i32
    %mul3A_22 = arith.muli %add3A_20, %mul3A_21 : i32
    %dma_start3A_23 = tpu.memref_slice %arg3[%mul3A_22] : memref<327680xi32, #tpu.memory_space<hbm>> -> memref<128xi32, #tpu.memory_space<hbm>>
    %dma_start3A_24 = tpu.memref_slice %arg3[%mul3A_22] : memref<327680xi32, #tpu.memory_space<hbm>> -> memref<128xi32, #tpu.memory_space<hbm>>
    tpu.enqueue_dma source(%dma_start3A_24 : memref<128xi32, #tpu.memory_space<hbm>>) target(%arg19 : memref<128xi32, #tpu.memory_space<vmem>>) target_semaphore(%arg15 : memref<!tpu.dma_semaphore, #tpu.memory_space<semaphore_mem>>)
    %dma_start3A_25 = tpu.memref_slice %arg4[%mul3A_22] : memref<327680xi32, #tpu.memory_space<hbm>> -> memref<128xi32, #tpu.memory_space<hbm>>
    %dma_start3A_26 = tpu.memref_slice %arg4[%mul3A_22] : memref<327680xi32, #tpu.memory_space<hbm>> -> memref<128xi32, #tpu.memory_space<hbm>>
    tpu.enqueue_dma source(%dma_start3A_26 : memref<128xi32, #tpu.memory_space<hbm>>) target(%arg23 : memref<128xi32, #tpu.memory_space<vmem>>) target_semaphore(%arg15 : memref<!tpu.dma_semaphore, #tpu.memory_space<semaphore_mem>>)
    %add3A_27 = arith.constant 3 : i32
    %add3A_28 = arith.addi %mul3A_2, %add3A_27 : i32
    %mul3A_29 = arith.constant 128 : i32
    %mul3A_30 = arith.muli %add3A_28, %mul3A_29 : i32
    %dma_start3A_31 = tpu.memref_slice %arg3[%mul3A_30] : memref<327680xi32, #tpu.memory_space<hbm>> -> memref<128xi32, #tpu.memory_space<hbm>>
    %dma_start3A_32 = tpu.memref_slice %arg3[%mul3A_30] : memref<327680xi32, #tpu.memory_space<hbm>> -> memref<128xi32, #tpu.memory_space<hbm>>
    tpu.enqueue_dma source(%dma_start3A_32 : memref<128xi32, #tpu.memory_space<hbm>>) target(%arg20 : memref<128xi32, #tpu.memory_space<vmem>>) target_semaphore(%arg16 : memref<!tpu.dma_semaphore, #tpu.memory_space<semaphore_mem>>)
    %dma_start3A_33 = tpu.memref_slice %arg4[%mul3A_30] : memref<327680xi32, #tpu.memory_space<hbm>> -> memref<128xi32, #tpu.memory_space<hbm>>
    %dma_start3A_34 = tpu.memref_slice %arg4[%mul3A_30] : memref<327680xi32, #tpu.memory_space<hbm>> -> memref<128xi32, #tpu.memory_space<hbm>>
    tpu.enqueue_dma source(%dma_start3A_34 : memref<128xi32, #tpu.memory_space<hbm>>) target(%arg24 : memref<128xi32, #tpu.memory_space<vmem>>) target_semaphore(%arg16 : memref<!tpu.dma_semaphore, #tpu.memory_space<semaphore_mem>>)
    %scan3A = arith.constant 0 : i32
    %scan3A_35 = arith.constant 0 : i32
    %scan3A_36 = arith.constant 128 : i32
    %scan3A_37 = arith.addi %scan3A_35, %scan3A_36 : i32
    %scan3A_38 = arith.constant 1 : i32
    %scan3A_39 = scf.for %scan3A_312 = %scan3A_35 to %scan3A_37 step %scan3A_38 iter_args(%scan3A_313 = %scan3A) -> (i32)  : i32 {
      %swap3A = arith.index_cast %scan3A_312 : i32 to index
      %swap3A_314 = arith.constant 0 : index
      %swap3A_315 = tpu.vector_load %arg6[%swap3A, %swap3A_314] {strides = array<i32>} : memref<128x128xf32, #tpu.memory_space<vmem>>, vector<1x16xf32>,
      %swap3A_316 = vector.shape_cast %swap3A_315 : vector<1x16xf32> to vector<16xf32>
      %swap3A_317 = vector.shape_cast %broadcast_in_dim3A_3 : vector<16xf32> to vector<1x16xf32>
      tpu.vector_store %arg6[%swap3A, %swap3A_314], %swap3A_317 {strides = array<i32>} : memref<128x128xf32, #tpu.memory_space<vmem>>, vector<1x16xf32>,
      %swap3A_318 = arith.index_cast %scan3A_312 : i32 to index
      %swap3A_319 = arith.constant 16 : index
      %swap3A_320 = tpu.vector_load %arg6[%swap3A_318, %swap3A_319] {strides = array<i32>} : memref<128x128xf32, #tpu.memory_space<vmem>>, vector<1x16xf32>,
      %swap3A_321 = vector.shape_cast %swap3A_320 : vector<1x16xf32> to vector<16xf32>
      %swap3A_322 = vector.shape_cast %broadcast_in_dim3A_3 : vector<16xf32> to vector<1x16xf32>
      tpu.vector_store %arg6[%swap3A_318, %swap3A_319], %swap3A_322 {strides = array<i32>} : memref<128x128xf32, #tpu.memory_space<vmem>>, vector<1x16xf32>,
      %swap3A_323 = arith.index_cast %scan3A_312 : i32 to index
      %swap3A_324 = arith.constant 32 : index
      %swap3A_325 = tpu.vector_load %arg6[%swap3A_323, %swap3A_324] {strides = array<i32>} : memref<128x128xf32, #tpu.memory_space<vmem>>, vector<1x16xf32>,
      %swap3A_326 = vector.shape_cast %swap3A_325 : vector<1x16xf32> to vector<16xf32>
      %swap3A_327 = vector.shape_cast %broadcast_in_dim3A_3 : vector<16xf32> to vector<1x16xf32>
      tpu.vector_store %arg6[%swap3A_323, %swap3A_324], %swap3A_327 {strides = array<i32>} : memref<128x128xf32, #tpu.memory_space<vmem>>, vector<1x16xf32>,
      %swap3A_328 = arith.index_cast %scan3A_312 : i32 to index
      %swap3A_329 = arith.constant 48 : index
      %swap3A_330 = tpu.vector_load %arg6[%swap3A_328, %swap3A_329] {strides = array<i32>} : memref<128x128xf32, #tpu.memory_space<vmem>>, vector<1x16xf32>,
      %swap3A_331 = vector.shape_cast %swap3A_330 : vector<1x16xf32> to vector<16xf32>
      %swap3A_332 = vector.shape_cast %broadcast_in_dim3A_3 : vector<16xf32> to vector<1x16xf32>
      tpu.vector_store %arg6[%swap3A_328, %swap3A_329], %swap3A_332 {strides = array<i32>} : memref<128x128xf32, #tpu.memory_space<vmem>>, vector<1x16xf32>,
      %swap3A_333 = arith.index_cast %scan3A_312 : i32 to index
      %swap3A_334 = arith.constant 64 : index
      %swap3A_335 = tpu.vector_load %arg6[%swap3A_333, %swap3A_334] {strides = array<i32>} : memref<128x128xf32, #tpu.memory_space<vmem>>, vector<1x16xf32>,
      %swap3A_336 = vector.shape_cast %swap3A_335 : vector<1x16xf32> to vector<16xf32>
      %swap3A_337 = vector.shape_cast %broadcast_in_dim3A_3 : vector<16xf32> to vector<1x16xf32>
      tpu.vector_store %arg6[%swap3A_333, %swap3A_334], %swap3A_337 {strides = array<i32>} : memref<128x128xf32, #tpu.memory_space<vmem>>, vector<1x16xf32>,
      %swap3A_338 = arith.index_cast %scan3A_312 : i32 to index
      %swap3A_339 = arith.constant 80 : index
      %swap3A_340 = tpu.vector_load %arg6[%swap3A_338, %swap3A_339] {strides = array<i32>} : memref<128x128xf32, #tpu.memory_space<vmem>>, vector<1x16xf32>,
      %swap3A_341 = vector.shape_cast %swap3A_340 : vector<1x16xf32> to vector<16xf32>
      %swap3A_342 = vector.shape_cast %broadcast_in_dim3A_3 : vector<16xf32> to vector<1x16xf32>
      tpu.vector_store %arg6[%swap3A_338, %swap3A_339], %swap3A_342 {strides = array<i32>} : memref<128x128xf32, #tpu.memory_space<vmem>>, vector<1x16xf32>,
      %swap3A_343 = arith.index_cast %scan3A_312 : i32 to index
      %swap3A_344 = arith.constant 96 : index
      %swap3A_345 = tpu.vector_load %arg6[%swap3A_343, %swap3A_344] {strides = array<i32>} : memref<128x128xf32, #tpu.memory_space<vmem>>, vector<1x16xf32>,
      %swap3A_346 = vector.shape_cast %swap3A_345 : vector<1x16xf32> to vector<16xf32>
      %swap3A_347 = vector.shape_cast %broadcast_in_dim3A_3 : vector<16xf32> to vector<1x16xf32>
      tpu.vector_store %arg6[%swap3A_343, %swap3A_344], %swap3A_347 {strides = array<i32>} : memref<128x128xf32, #tpu.memory_space<vmem>>, vector<1x16xf32>,
      %swap3A_348 = arith.index_cast %scan3A_312 : i32 to index
      %swap3A_349 = arith.constant 112 : index
      %swap3A_350 = tpu.vector_load %arg6[%swap3A_348, %swap3A_349] {strides = array<i32>} : memref<128x128xf32, #tpu.memory_space<vmem>>, vector<1x16xf32>,
      %swap3A_351 = vector.shape_cast %swap3A_350 : vector<1x16xf32> to vector<16xf32>
      %swap3A_352 = vector.shape_cast %broadcast_in_dim3A_3 : vector<16xf32> to vector<1x16xf32>
      tpu.vector_store %arg6[%swap3A_348, %swap3A_349], %swap3A_352 {strides = array<i32>} : memref<128x128xf32, #tpu.memory_space<vmem>>, vector<1x16xf32>,
      %scan3A_353 = arith.constant 0 : i32
      scf.yield %scan3A_353 : i32
    }
    %scan3A_40 = arith.constant 128 : i32
    %mul3A_41 = arith.constant 640 : i32
    %mul3A_42 = arith.muli %arg1, %mul3A_41 : i32
    %add3A_43 = arith.constant 0 : i32
    %add3A_44 = arith.addi %mul3A_42, %add3A_43 : i32
    %dma_start3A_45 = arith.constant 0 : i32
    %dma_start3A_46 = tpu.memref_slice %arg8[%add3A_44, %dma_start3A_45] : memref<10240x128xf32, #tpu.memory_space<vmem_shared>> -> memref<128x128xf32, #tpu.memory_space<vmem_shared>>
    %dma_start3A_47 = arith.constant 0 : i32
    %dma_start3A_48 = tpu.memref_slice %arg8[%add3A_44, %dma_start3A_47] : memref<10240x128xf32, #tpu.memory_space<vmem_shared>> -> memref<128x128xf32, #tpu.memory_space<vmem_shared>>
    tpu.enqueue_dma source(%arg6 : memref<128x128xf32, #tpu.memory_space<vmem>>) target(%dma_start3A_48 : memref<128x128xf32, #tpu.memory_space<vmem_shared>>) target_semaphore(%arg10 : memref<!tpu.dma_semaphore, #tpu.memory_space<semaphore_mem>>)
    %mul3A_49 = arith.constant 640 : i32
    %mul3A_50 = arith.muli %arg1, %mul3A_49 : i32
    %add3A_51 = arith.constant 128 : i32
    %add3A_52 = arith.addi %mul3A_50, %add3A_51 : i32
    %dma_start3A_53 = arith.constant 0 : i32
    %dma_start3A_54 = tpu.memref_slice %arg8[%add3A_52, %dma_start3A_53] : memref<10240x128xf32, #tpu.memory_space<vmem_shared>> -> memref<128x128xf32, #tpu.memory_space<vmem_shared>>
    %dma_start3A_55 = arith.constant 0 : i32
    %dma_start3A_56 = tpu.memref_slice %arg8[%add3A_52, %dma_start3A_55] : memref<10240x128xf32, #tpu.memory_space<vmem_shared>> -> memref<128x128xf32, #tpu.memory_space<vmem_shared>>
    tpu.enqueue_dma source(%arg6 : memref<128x128xf32, #tpu.memory_space<vmem>>) target(%dma_start3A_56 : memref<128x128xf32, #tpu.memory_space<vmem_shared>>) target_semaphore(%arg10 : memref<!tpu.dma_semaphore, #tpu.memory_space<semaphore_mem>>)
    %mul3A_57 = arith.constant 640 : i32
    %mul3A_58 = arith.muli %arg1, %mul3A_57 : i32
    %add3A_59 = arith.constant 256 : i32
    %add3A_60 = arith.addi %mul3A_58, %add3A_59 : i32
    %dma_start3A_61 = arith.constant 0 : i32
    %dma_start3A_62 = tpu.memref_slice %arg8[%add3A_60, %dma_start3A_61] : memref<10240x128xf32, #tpu.memory_space<vmem_shared>> -> memref<128x128xf32, #tpu.memory_space<vmem_shared>>
    %dma_start3A_63 = arith.constant 0 : i32
    %dma_start3A_64 = tpu.memref_slice %arg8[%add3A_60, %dma_start3A_63] : memref<10240x128xf32, #tpu.memory_space<vmem_shared>> -> memref<128x128xf32, #tpu.memory_space<vmem_shared>>
    tpu.enqueue_dma source(%arg6 : memref<128x128xf32, #tpu.memory_space<vmem>>) target(%dma_start3A_64 : memref<128x128xf32, #tpu.memory_space<vmem_shared>>) target_semaphore(%arg10 : memref<!tpu.dma_semaphore, #tpu.memory_space<semaphore_mem>>)
    %mul3A_65 = arith.constant 640 : i32
    %mul3A_66 = arith.muli %arg1, %mul3A_65 : i32
    %add3A_67 = arith.constant 384 : i32
    %add3A_68 = arith.addi %mul3A_66, %add3A_67 : i32
    %dma_start3A_69 = arith.constant 0 : i32
    %dma_start3A_70 = tpu.memref_slice %arg8[%add3A_68, %dma_start3A_69] : memref<10240x128xf32, #tpu.memory_space<vmem_shared>> -> memref<128x128xf32, #tpu.memory_space<vmem_shared>>
    %dma_start3A_71 = arith.constant 0 : i32
    %dma_start3A_72 = tpu.memref_slice %arg8[%add3A_68, %dma_start3A_71] : memref<10240x128xf32, #tpu.memory_space<vmem_shared>> -> memref<128x128xf32, #tpu.memory_space<vmem_shared>>
    tpu.enqueue_dma source(%arg6 : memref<128x128xf32, #tpu.memory_space<vmem>>) target(%dma_start3A_72 : memref<128x128xf32, #tpu.memory_space<vmem_shared>>) target_semaphore(%arg10 : memref<!tpu.dma_semaphore, #tpu.memory_space<semaphore_mem>>)
    %mul3A_73 = arith.constant 640 : i32
    %mul3A_74 = arith.muli %arg1, %mul3A_73 : i32
    %add3A_75 = arith.constant 512 : i32
    %add3A_76 = arith.addi %mul3A_74, %add3A_75 : i32
    %dma_start3A_77 = arith.constant 0 : i32
    %dma_start3A_78 = tpu.memref_slice %arg8[%add3A_76, %dma_start3A_77] : memref<10240x128xf32, #tpu.memory_space<vmem_shared>> -> memref<128x128xf32, #tpu.memory_space<vmem_shared>>
    %dma_start3A_79 = arith.constant 0 : i32
    %dma_start3A_80 = tpu.memref_slice %arg8[%add3A_76, %dma_start3A_79] : memref<10240x128xf32, #tpu.memory_space<vmem_shared>> -> memref<128x128xf32, #tpu.memory_space<vmem_shared>>
    tpu.enqueue_dma source(%arg6 : memref<128x128xf32, #tpu.memory_space<vmem>>) target(%dma_start3A_80 : memref<128x128xf32, #tpu.memory_space<vmem_shared>>) target_semaphore(%arg10 : memref<!tpu.dma_semaphore, #tpu.memory_space<semaphore_mem>>)
    %mul3A_81 = arith.constant 640 : i32
    %mul3A_82 = arith.muli %arg1, %mul3A_81 : i32
    %dma_wait3A = arith.constant 0 : i32
    %dma_wait3A_83 = tpu.memref_slice %arg8[%mul3A_82, %dma_wait3A] : memref<10240x128xf32, #tpu.memory_space<vmem_shared>> -> memref<128x128xf32, #tpu.memory_space<vmem_shared>>
    %dma_wait3A_84 = arith.constant 0 : i32
    %dma_wait3A_85 = tpu.memref_slice %arg8[%mul3A_82, %dma_wait3A_84] : memref<10240x128xf32, #tpu.memory_space<vmem_shared>> -> memref<128x128xf32, #tpu.memory_space<vmem_shared>>
    tpu.wait_dma2 semaphore(%arg10 : memref<!tpu.dma_semaphore, #tpu.memory_space<semaphore_mem>>) src(%arg6 : memref<128x128xf32, #tpu.memory_space<vmem>>) dst(%dma_wait3A_85 : memref<128x128xf32, #tpu.memory_space<vmem_shared>>)
    %mul3A_86 = arith.constant 640 : i32
    %mul3A_87 = arith.muli %arg1, %mul3A_86 : i32
    %dma_wait3A_88 = arith.constant 0 : i32
    %dma_wait3A_89 = tpu.memref_slice %arg8[%mul3A_87, %dma_wait3A_88] : memref<10240x128xf32, #tpu.memory_space<vmem_shared>> -> memref<128x128xf32, #tpu.memory_space<vmem_shared>>
    %dma_wait3A_90 = arith.constant 0 : i32
    %dma_wait3A_91 = tpu.memref_slice %arg8[%mul3A_87, %dma_wait3A_90] : memref<10240x128xf32, #tpu.memory_space<vmem_shared>> -> memref<128x128xf32, #tpu.memory_space<vmem_shared>>
    tpu.wait_dma2 semaphore(%arg10 : memref<!tpu.dma_semaphore, #tpu.memory_space<semaphore_mem>>) src(%arg6 : memref<128x128xf32, #tpu.memory_space<vmem>>) dst(%dma_wait3A_91 : memref<128x128xf32, #tpu.memory_space<vmem_shared>>)
    %mul3A_92 = arith.constant 640 : i32
    %mul3A_93 = arith.muli %arg1, %mul3A_92 : i32
    %dma_wait3A_94 = arith.constant 0 : i32
    %dma_wait3A_95 = tpu.memref_slice %arg8[%mul3A_93, %dma_wait3A_94] : memref<10240x128xf32, #tpu.memory_space<vmem_shared>> -> memref<128x128xf32, #tpu.memory_space<vmem_shared>>
    %dma_wait3A_96 = arith.constant 0 : i32
    %dma_wait3A_97 = tpu.memref_slice %arg8[%mul3A_93, %dma_wait3A_96] : memref<10240x128xf32, #tpu.memory_space<vmem_shared>> -> memref<128x128xf32, #tpu.memory_space<vmem_shared>>
    tpu.wait_dma2 semaphore(%arg10 : memref<!tpu.dma_semaphore, #tpu.memory_space<semaphore_mem>>) src(%arg6 : memref<128x128xf32, #tpu.memory_space<vmem>>) dst(%dma_wait3A_97 : memref<128x128xf32, #tpu.memory_space<vmem_shared>>)
    %mul3A_98 = arith.constant 640 : i32
    %mul3A_99 = arith.muli %arg1, %mul3A_98 : i32
    %dma_wait3A_100 = arith.constant 0 : i32
    %dma_wait3A_101 = tpu.memref_slice %arg8[%mul3A_99, %dma_wait3A_100] : memref<10240x128xf32, #tpu.memory_space<vmem_shared>> -> memref<128x128xf32, #tpu.memory_space<vmem_shared>>
    %dma_wait3A_102 = arith.constant 0 : i32
    %dma_wait3A_103 = tpu.memref_slice %arg8[%mul3A_99, %dma_wait3A_102] : memref<10240x128xf32, #tpu.memory_space<vmem_shared>> -> memref<128x128xf32, #tpu.memory_space<vmem_shared>>
    tpu.wait_dma2 semaphore(%arg10 : memref<!tpu.dma_semaphore, #tpu.memory_space<semaphore_mem>>) src(%arg6 : memref<128x128xf32, #tpu.memory_space<vmem>>) dst(%dma_wait3A_103 : memref<128x128xf32, #tpu.memory_space<vmem_shared>>)
    %mul3A_104 = arith.constant 640 : i32
    %mul3A_105 = arith.muli %arg1, %mul3A_104 : i32
    %dma_wait3A_106 = arith.constant 0 : i32
    %dma_wait3A_107 = tpu.memref_slice %arg8[%mul3A_105, %dma_wait3A_106] : memref<10240x128xf32, #tpu.memory_space<vmem_shared>> -> memref<128x128xf32, #tpu.memory_space<vmem_shared>>
    %dma_wait3A_108 = arith.constant 0 : i32
    %dma_wait3A_109 = tpu.memref_slice %arg8[%mul3A_105, %dma_wait3A_108] : memref<10240x128xf32, #tpu.memory_space<vmem_shared>> -> memref<128x128xf32, #tpu.memory_space<vmem_shared>>
    tpu.wait_dma2 semaphore(%arg10 : memref<!tpu.dma_semaphore, #tpu.memory_space<semaphore_mem>>) src(%arg6 : memref<128x128xf32, #tpu.memory_space<vmem>>) dst(%dma_wait3A_109 : memref<128x128xf32, #tpu.memory_space<vmem_shared>>)
    %barrier3A = arith.constant 0 : index
    tpu.barrier barrier_id(%barrier3A)
    %add3A_110 = arith.constant 0 : i32
    %add3A_111 = arith.addi %mul3A_2, %add3A_110 : i32
    %mul3A_112 = arith.constant 128 : i32
    %mul3A_113 = arith.muli %add3A_111, %mul3A_112 : i32
    %dma_wait3A_114 = tpu.memref_slice %arg3[%mul3A_113] : memref<327680xi32, #tpu.memory_space<hbm>> -> memref<128xi32, #tpu.memory_space<hbm>>
    %dma_wait3A_115 = tpu.memref_slice %arg3[%mul3A_113] : memref<327680xi32, #tpu.memory_space<hbm>> -> memref<128xi32, #tpu.memory_space<hbm>>
    tpu.wait_dma2 semaphore(%arg13 : memref<!tpu.dma_semaphore, #tpu.memory_space<semaphore_mem>>) src(%dma_wait3A_115 : memref<128xi32, #tpu.memory_space<hbm>>) dst(%arg17 : memref<128xi32, #tpu.memory_space<vmem>>)
    %dma_wait3A_116 = tpu.memref_slice %arg4[%mul3A_113] : memref<327680xi32, #tpu.memory_space<hbm>> -> memref<128xi32, #tpu.memory_space<hbm>>
    %dma_wait3A_117 = tpu.memref_slice %arg4[%mul3A_113] : memref<327680xi32, #tpu.memory_space<hbm>> -> memref<128xi32, #tpu.memory_space<hbm>>
    tpu.wait_dma2 semaphore(%arg13 : memref<!tpu.dma_semaphore, #tpu.memory_space<semaphore_mem>>) src(%dma_wait3A_117 : memref<128xi32, #tpu.memory_space<hbm>>) dst(%arg21 : memref<128xi32, #tpu.memory_space<vmem>>)
    %dma_start3A_118 = arith.constant 0 : i32
    %dma_start3A_119 = arith.constant 0 : i32
    %dma_start3A_120 = tpu.memref_slice %arg2[%dma_start3A_118, %dma_start3A_119] : memref<10240x128xf32, #tpu.memory_space<hbm>> -> memref<10240x128xf32, #tpu.memory_space<hbm>>
    tpu.enqueue_indirect_dma source(%dma_start3A_120 : memref<10240x128xf32, #tpu.memory_space<hbm>>) target(%arg6 : memref<128x128xf32, #tpu.memory_space<vmem>>) offsets(%arg17 : memref<128xi32, #tpu.memory_space<vmem>>) semaphore(%arg9 : memref<!tpu.dma_semaphore, #tpu.memory_space<semaphore_mem>>)
    %scan3A_121 = arith.constant 0 : i32
    %scan3A_122 = arith.constant 0 : i32
    %scan3A_123 = arith.constant 20 : i32
    %scan3A_124 = arith.addi %scan3A_122, %scan3A_123 : i32
    %scan3A_125 = arith.constant 1 : i32
    %scan3A_126 = scf.for %scan3A_312 = %scan3A_122 to %scan3A_124 step %scan3A_125 iter_args(%scan3A_313 = %scan3A_121) -> (i32)  : i32 {
      %mul3A_314 = arith.constant 4 : i32
      %mul3A_315 = arith.muli %scan3A_312, %mul3A_314 : i32
      %add3A_316 = arith.constant 0 : i32
      %add3A_317 = arith.addi %mul3A_315, %add3A_316 : i32
      %dma_wait3A_318 = arith.constant 0 : i32
      %dma_wait3A_319 = arith.constant 0 : i32
      %dma_wait3A_320 = tpu.memref_slice %arg2[%dma_wait3A_318, %dma_wait3A_319] : memref<10240x128xf32, #tpu.memory_space<hbm>> -> memref<10240x128xf32, #tpu.memory_space<hbm>>
      tpu.wait_indirect_dma semaphore(%arg9 : memref<!tpu.dma_semaphore, #tpu.memory_space<semaphore_mem>>) src(%dma_wait3A_320 : memref<10240x128xf32, #tpu.memory_space<hbm>>) dst(%arg6 : memref<128x128xf32, #tpu.memory_space<vmem>>)
      %add3A_321 = arith.constant 1 : i32
      %add3A_322 = arith.addi %add3A_317, %add3A_321 : i32
      %ge3A = arith.constant 1 : i32
      %ge3A_323 = arith.cmpi sge, %add3A_317, %ge3A : i32
      %convert_element_type3A = arith.extui %ge3A_323 : i1 to i32
      %cond3A = arith.constant 0 : i32
      %cond3A_324 = arith.cmpi ne, %convert_element_type3A, %cond3A : i32
      scf.if %cond3A_324 {
        %dma_wait3A_399 = arith.constant 0 : i32
        %dma_wait3A_400 = arith.constant 0 : i32
        %dma_wait3A_401 = tpu.memref_slice %arg8[%dma_wait3A_399, %dma_wait3A_400] : memref<10240x128xf32, #tpu.memory_space<vmem_shared>> -> memref<10240x128xf32, #tpu.memory_space<vmem_shared>>
        tpu.wait_indirect_dma semaphore(%arg12 : memref<!tpu.dma_semaphore, #tpu.memory_space<semaphore_mem>>) src(%arg7 : memref<128x128xf32, #tpu.memory_space<vmem>>) dst(%dma_wait3A_401 : memref<10240x128xf32, #tpu.memory_space<vmem_shared>>)
        %add3A_402 = arith.constant 3 : i32
        %add3A_403 = arith.addi %add3A_317, %add3A_402 : i32
        %lt3A_404 = arith.constant 80 : i32
        %lt3A_405 = arith.cmpi slt, %add3A_403, %lt3A_404 : i32
        %convert_element_type3A_406 = arith.extui %lt3A_405 : i1 to i32
        %cond3A_407 = arith.constant 0 : i32
        %cond3A_408 = arith.cmpi ne, %convert_element_type3A_406, %cond3A_407 : i32
        scf.if %cond3A_408 {
          %add3A_409 = arith.constant 3 : i32
          %add3A_410 = arith.addi %add3A_317, %add3A_409 : i32
          %add3A_411 = arith.addi %mul3A_2, %add3A_410 : i32
          %mul3A_412 = arith.constant 128 : i32
          %mul3A_413 = arith.muli %add3A_411, %mul3A_412 : i32
          %dma_start3A_414 = tpu.memref_slice %arg3[%mul3A_413] : memref<327680xi32, #tpu.memory_space<hbm>> -> memref<128xi32, #tpu.memory_space<hbm>>
          %dma_start3A_415 = tpu.memref_slice %arg3[%mul3A_413] : memref<327680xi32, #tpu.memory_space<hbm>> -> memref<128xi32, #tpu.memory_space<hbm>>
          tpu.enqueue_dma source(%dma_start3A_415 : memref<128xi32, #tpu.memory_space<hbm>>) target(%arg20 : memref<128xi32, #tpu.memory_space<vmem>>) target_semaphore(%arg16 : memref<!tpu.dma_semaphore, #tpu.memory_space<semaphore_mem>>)
          %dma_start3A_416 = tpu.memref_slice %arg4[%mul3A_413] : memref<327680xi32, #tpu.memory_space<hbm>> -> memref<128xi32, #tpu.memory_space<hbm>>
          %dma_start3A_417 = tpu.memref_slice %arg4[%mul3A_413] : memref<327680xi32, #tpu.memory_space<hbm>> -> memref<128xi32, #tpu.memory_space<hbm>>
          tpu.enqueue_dma source(%dma_start3A_417 : memref<128xi32, #tpu.memory_space<hbm>>) target(%arg24 : memref<128xi32, #tpu.memory_space<vmem>>) target_semaphore(%arg16 : memref<!tpu.dma_semaphore, #tpu.memory_space<semaphore_mem>>)
        } else {
        }
      } else {
      }
      %lt3A = arith.constant 80 : i32
      %lt3A_325 = arith.cmpi slt, %add3A_322, %lt3A : i32
      %convert_element_type3A_326 = arith.extui %lt3A_325 : i1 to i32
      %cond3A_327 = arith.constant 0 : i32
      %cond3A_328 = arith.cmpi ne, %convert_element_type3A_326, %cond3A_327 : i32
      scf.if %cond3A_328 {
        %add3A_399 = arith.addi %mul3A_2, %add3A_322 : i32
        %mul3A_400 = arith.constant 128 : i32
        %mul3A_401 = arith.muli %add3A_399, %mul3A_400 : i32
        %dma_wait3A_402 = tpu.memref_slice %arg3[%mul3A_401] : memref<327680xi32, #tpu.memory_space<hbm>> -> memref<128xi32, #tpu.memory_space<hbm>>
        %dma_wait3A_403 = tpu.memref_slice %arg3[%mul3A_401] : memref<327680xi32, #tpu.memory_space<hbm>> -> memref<128xi32, #tpu.memory_space<hbm>>
        tpu.wait_dma2 semaphore(%arg14 : memref<!tpu.dma_semaphore, #tpu.memory_space<semaphore_mem>>) src(%dma_wait3A_403 : memref<128xi32, #tpu.memory_space<hbm>>) dst(%arg18 : memref<128xi32, #tpu.memory_space<vmem>>)
        %dma_wait3A_404 = tpu.memref_slice %arg4[%mul3A_401] : memref<327680xi32, #tpu.memory_space<hbm>> -> memref<128xi32, #tpu.memory_space<hbm>>
        %dma_wait3A_405 = tpu.memref_slice %arg4[%mul3A_401] : memref<327680xi32, #tpu.memory_space<hbm>> -> memref<128xi32, #tpu.memory_space<hbm>>
        tpu.wait_dma2 semaphore(%arg14 : memref<!tpu.dma_semaphore, #tpu.memory_space<semaphore_mem>>) src(%dma_wait3A_405 : memref<128xi32, #tpu.memory_space<hbm>>) dst(%arg22 : memref<128xi32, #tpu.memory_space<vmem>>)
        %dma_start3A_406 = arith.constant 0 : i32
        %dma_start3A_407 = arith.constant 0 : i32
        %dma_start3A_408 = tpu.memref_slice %arg2[%dma_start3A_406, %dma_start3A_407] : memref<10240x128xf32, #tpu.memory_space<hbm>> -> memref<10240x128xf32, #tpu.memory_space<hbm>>
        tpu.enqueue_indirect_dma source(%dma_start3A_408 : memref<10240x128xf32, #tpu.memory_space<hbm>>) target(%arg7 : memref<128x128xf32, #tpu.memory_space<vmem>>) offsets(%arg18 : memref<128xi32, #tpu.memory_space<vmem>>) semaphore(%arg10 : memref<!tpu.dma_semaphore, #tpu.memory_space<semaphore_mem>>)
      } else {
      }
      %dma_start3A_329 = arith.constant 0 : i32
      %dma_start3A_330 = arith.constant 0 : i32
      %dma_start3A_331 = tpu.memref_slice %arg8[%dma_start3A_329, %dma_start3A_330] : memref<10240x128xf32, #tpu.memory_space<vmem_shared>> -> memref<10240x128xf32, #tpu.memory_space<vmem_shared>>
      tpu.enqueue_indirect_dma source(%arg6 : memref<128x128xf32, #tpu.memory_space<vmem>>) target(%dma_start3A_331 : memref<10240x128xf32, #tpu.memory_space<vmem_shared>>) offsets(%arg21 : memref<128xi32, #tpu.memory_space<vmem>>) semaphore(%arg11 : memref<!tpu.dma_semaphore, #tpu.memory_space<semaphore_mem>>) {add = true}
      %mul3A_332 = arith.constant 4 : i32
      %mul3A_333 = arith.muli %scan3A_312, %mul3A_332 : i32
      %add3A_334 = arith.constant 1 : i32
      %add3A_335 = arith.addi %mul3A_333, %add3A_334 : i32
      %dma_wait3A_336 = arith.constant 0 : i32
      %dma_wait3A_337 = arith.constant 0 : i32
      %dma_wait3A_338 = tpu.memref_slice %arg2[%dma_wait3A_336, %dma_wait3A_337] : memref<10240x128xf32, #tpu.memory_space<hbm>> -> memref<10240x128xf32, #tpu.memory_space<hbm>>
      tpu.wait_indirect_dma semaphore(%arg10 : memref<!tpu.dma_semaphore, #tpu.memory_space<semaphore_mem>>) src(%dma_wait3A_338 : memref<10240x128xf32, #tpu.memory_space<hbm>>) dst(%arg7 : memref<128x128xf32, #tpu.memory_space<vmem>>)
      %add3A_339 = arith.constant 1 : i32
      %add3A_340 = arith.addi %add3A_335, %add3A_339 : i32
      %ge3A_341 = arith.constant 1 : i32
      %ge3A_342 = arith.cmpi sge, %add3A_335, %ge3A_341 : i32
      %convert_element_type3A_343 = arith.extui %ge3A_342 : i1 to i32
      %cond3A_344 = arith.constant 0 : i32
      %cond3A_345 = arith.cmpi ne, %convert_element_type3A_343, %cond3A_344 : i32
      scf.if %cond3A_345 {
        %dma_wait3A_399 = arith.constant 0 : i32
        %dma_wait3A_400 = arith.constant 0 : i32
        %dma_wait3A_401 = tpu.memref_slice %arg8[%dma_wait3A_399, %dma_wait3A_400] : memref<10240x128xf32, #tpu.memory_space<vmem_shared>> -> memref<10240x128xf32, #tpu.memory_space<vmem_shared>>
        tpu.wait_indirect_dma semaphore(%arg11 : memref<!tpu.dma_semaphore, #tpu.memory_space<semaphore_mem>>) src(%arg6 : memref<128x128xf32, #tpu.memory_space<vmem>>) dst(%dma_wait3A_401 : memref<10240x128xf32, #tpu.memory_space<vmem_shared>>)
        %add3A_402 = arith.constant 3 : i32
        %add3A_403 = arith.addi %add3A_335, %add3A_402 : i32
        %lt3A_404 = arith.constant 80 : i32
        %lt3A_405 = arith.cmpi slt, %add3A_403, %lt3A_404 : i32
        %convert_element_type3A_406 = arith.extui %lt3A_405 : i1 to i32
        %cond3A_407 = arith.constant 0 : i32
        %cond3A_408 = arith.cmpi ne, %convert_element_type3A_406, %cond3A_407 : i32
        scf.if %cond3A_408 {
          %add3A_409 = arith.constant 3 : i32
          %add3A_410 = arith.addi %add3A_335, %add3A_409 : i32
          %add3A_411 = arith.addi %mul3A_2, %add3A_410 : i32
          %mul3A_412 = arith.constant 128 : i32
          %mul3A_413 = arith.muli %add3A_411, %mul3A_412 : i32
          %dma_start3A_414 = tpu.memref_slice %arg3[%mul3A_413] : memref<327680xi32, #tpu.memory_space<hbm>> -> memref<128xi32, #tpu.memory_space<hbm>>
          %dma_start3A_415 = tpu.memref_slice %arg3[%mul3A_413] : memref<327680xi32, #tpu.memory_space<hbm>> -> memref<128xi32, #tpu.memory_space<hbm>>
          tpu.enqueue_dma source(%dma_start3A_415 : memref<128xi32, #tpu.memory_space<hbm>>) target(%arg17 : memref<128xi32, #tpu.memory_space<vmem>>) target_semaphore(%arg13 : memref<!tpu.dma_semaphore, #tpu.memory_space<semaphore_mem>>)
          %dma_start3A_416 = tpu.memref_slice %arg4[%mul3A_413] : memref<327680xi32, #tpu.memory_space<hbm>> -> memref<128xi32, #tpu.memory_space<hbm>>
          %dma_start3A_417 = tpu.memref_slice %arg4[%mul3A_413] : memref<327680xi32, #tpu.memory_space<hbm>> -> memref<128xi32, #tpu.memory_space<hbm>>
          tpu.enqueue_dma source(%dma_start3A_417 : memref<128xi32, #tpu.memory_space<hbm>>) target(%arg21 : memref<128xi32, #tpu.memory_space<vmem>>) target_semaphore(%arg13 : memref<!tpu.dma_semaphore, #tpu.memory_space<semaphore_mem>>)
        } else {
        }
      } else {
      }
      %lt3A_346 = arith.constant 80 : i32
      %lt3A_347 = arith.cmpi slt, %add3A_340, %lt3A_346 : i32
      %convert_element_type3A_348 = arith.extui %lt3A_347 : i1 to i32
      %cond3A_349 = arith.constant 0 : i32
      %cond3A_350 = arith.cmpi ne, %convert_element_type3A_348, %cond3A_349 : i32
      scf.if %cond3A_350 {
        %add3A_399 = arith.addi %mul3A_2, %add3A_340 : i32
        %mul3A_400 = arith.constant 128 : i32
        %mul3A_401 = arith.muli %add3A_399, %mul3A_400 : i32
        %dma_wait3A_402 = tpu.memref_slice %arg3[%mul3A_401] : memref<327680xi32, #tpu.memory_space<hbm>> -> memref<128xi32, #tpu.memory_space<hbm>>
        %dma_wait3A_403 = tpu.memref_slice %arg3[%mul3A_401] : memref<327680xi32, #tpu.memory_space<hbm>> -> memref<128xi32, #tpu.memory_space<hbm>>
        tpu.wait_dma2 semaphore(%arg15 : memref<!tpu.dma_semaphore, #tpu.memory_space<semaphore_mem>>) src(%dma_wait3A_403 : memref<128xi32, #tpu.memory_space<hbm>>) dst(%arg19 : memref<128xi32, #tpu.memory_space<vmem>>)
        %dma_wait3A_404 = tpu.memref_slice %arg4[%mul3A_401] : memref<327680xi32, #tpu.memory_space<hbm>> -> memref<128xi32, #tpu.memory_space<hbm>>
        %dma_wait3A_405 = tpu.memref_slice %arg4[%mul3A_401] : memref<327680xi32, #tpu.memory_space<hbm>> -> memref<128xi32, #tpu.memory_space<hbm>>
        tpu.wait_dma2 semaphore(%arg15 : memref<!tpu.dma_semaphore, #tpu.memory_space<semaphore_mem>>) src(%dma_wait3A_405 : memref<128xi32, #tpu.memory_space<hbm>>) dst(%arg23 : memref<128xi32, #tpu.memory_space<vmem>>)
        %dma_start3A_406 = arith.constant 0 : i32
        %dma_start3A_407 = arith.constant 0 : i32
        %dma_start3A_408 = tpu.memref_slice %arg2[%dma_start3A_406, %dma_start3A_407] : memref<10240x128xf32, #tpu.memory_space<hbm>> -> memref<10240x128xf32, #tpu.memory_space<hbm>>
        tpu.enqueue_indirect_dma source(%dma_start3A_408 : memref<10240x128xf32, #tpu.memory_space<hbm>>) target(%arg6 : memref<128x128xf32, #tpu.memory_space<vmem>>) offsets(%arg19 : memref<128xi32, #tpu.memory_space<vmem>>) semaphore(%arg9 : memref<!tpu.dma_semaphore, #tpu.memory_space<semaphore_mem>>)
      } else {
      }
      %dma_start3A_351 = arith.constant 0 : i32
      %dma_start3A_352 = arith.constant 0 : i32
      %dma_start3A_353 = tpu.memref_slice %arg8[%dma_start3A_351, %dma_start3A_352] : memref<10240x128xf32, #tpu.memory_space<vmem_shared>> -> memref<10240x128xf32, #tpu.memory_space<vmem_shared>>
      tpu.enqueue_indirect_dma source(%arg7 : memref<128x128xf32, #tpu.memory_space<vmem>>) target(%dma_start3A_353 : memref<10240x128xf32, #tpu.memory_space<vmem_shared>>) offsets(%arg22 : memref<128xi32, #tpu.memory_space<vmem>>) semaphore(%arg12 : memref<!tpu.dma_semaphore, #tpu.memory_space<semaphore_mem>>) {add = true}
      %mul3A_354 = arith.constant 4 : i32
      %mul3A_355 = arith.muli %scan3A_312, %mul3A_354 : i32
      %add3A_356 = arith.constant 2 : i32
      %add3A_357 = arith.addi %mul3A_355, %add3A_356 : i32
      %dma_wait3A_358 = arith.constant 0 : i32
      %dma_wait3A_359 = arith.constant 0 : i32
      %dma_wait3A_360 = tpu.memref_slice %arg2[%dma_wait3A_358, %dma_wait3A_359] : memref<10240x128xf32, #tpu.memory_space<hbm>> -> memref<10240x128xf32, #tpu.memory_space<hbm>>
      tpu.wait_indirect_dma semaphore(%arg9 : memref<!tpu.dma_semaphore, #tpu.memory_space<semaphore_mem>>) src(%dma_wait3A_360 : memref<10240x128xf32, #tpu.memory_space<hbm>>) dst(%arg6 : memref<128x128xf32, #tpu.memory_space<vmem>>)
      %add3A_361 = arith.constant 1 : i32
      %add3A_362 = arith.addi %add3A_357, %add3A_361 : i32
      %ge3A_363 = arith.constant 1 : i32
      %ge3A_364 = arith.cmpi sge, %add3A_357, %ge3A_363 : i32
      %convert_element_type3A_365 = arith.extui %ge3A_364 : i1 to i32
      %cond3A_366 = arith.constant 0 : i32
      %cond3A_367 = arith.cmpi ne, %convert_element_type3A_365, %cond3A_366 : i32
      scf.if %cond3A_367 {
        %dma_wait3A_399 = arith.constant 0 : i32
        %dma_wait3A_400 = arith.constant 0 : i32
        %dma_wait3A_401 = tpu.memref_slice %arg8[%dma_wait3A_399, %dma_wait3A_400] : memref<10240x128xf32, #tpu.memory_space<vmem_shared>> -> memref<10240x128xf32, #tpu.memory_space<vmem_shared>>
        tpu.wait_indirect_dma semaphore(%arg12 : memref<!tpu.dma_semaphore, #tpu.memory_space<semaphore_mem>>) src(%arg7 : memref<128x128xf32, #tpu.memory_space<vmem>>) dst(%dma_wait3A_401 : memref<10240x128xf32, #tpu.memory_space<vmem_shared>>)
        %add3A_402 = arith.constant 3 : i32
        %add3A_403 = arith.addi %add3A_357, %add3A_402 : i32
        %lt3A_404 = arith.constant 80 : i32
        %lt3A_405 = arith.cmpi slt, %add3A_403, %lt3A_404 : i32
        %convert_element_type3A_406 = arith.extui %lt3A_405 : i1 to i32
        %cond3A_407 = arith.constant 0 : i32
        %cond3A_408 = arith.cmpi ne, %convert_element_type3A_406, %cond3A_407 : i32
        scf.if %cond3A_408 {
          %add3A_409 = arith.constant 3 : i32
          %add3A_410 = arith.addi %add3A_357, %add3A_409 : i32
          %add3A_411 = arith.addi %mul3A_2, %add3A_410 : i32
          %mul3A_412 = arith.constant 128 : i32
          %mul3A_413 = arith.muli %add3A_411, %mul3A_412 : i32
          %dma_start3A_414 = tpu.memref_slice %arg3[%mul3A_413] : memref<327680xi32, #tpu.memory_space<hbm>> -> memref<128xi32, #tpu.memory_space<hbm>>
          %dma_start3A_415 = tpu.memref_slice %arg3[%mul3A_413] : memref<327680xi32, #tpu.memory_space<hbm>> -> memref<128xi32, #tpu.memory_space<hbm>>
          tpu.enqueue_dma source(%dma_start3A_415 : memref<128xi32, #tpu.memory_space<hbm>>) target(%arg18 : memref<128xi32, #tpu.memory_space<vmem>>) target_semaphore(%arg14 : memref<!tpu.dma_semaphore, #tpu.memory_space<semaphore_mem>>)
          %dma_start3A_416 = tpu.memref_slice %arg4[%mul3A_413] : memref<327680xi32, #tpu.memory_space<hbm>> -> memref<128xi32, #tpu.memory_space<hbm>>
          %dma_start3A_417 = tpu.memref_slice %arg4[%mul3A_413] : memref<327680xi32, #tpu.memory_space<hbm>> -> memref<128xi32, #tpu.memory_space<hbm>>
          tpu.enqueue_dma source(%dma_start3A_417 : memref<128xi32, #tpu.memory_space<hbm>>) target(%arg22 : memref<128xi32, #tpu.memory_space<vmem>>) target_semaphore(%arg14 : memref<!tpu.dma_semaphore, #tpu.memory_space<semaphore_mem>>)
        } else {
        }
      } else {
      }
      %lt3A_368 = arith.constant 80 : i32
      %lt3A_369 = arith.cmpi slt, %add3A_362, %lt3A_368 : i32
      %convert_element_type3A_370 = arith.extui %lt3A_369 : i1 to i32
      %cond3A_371 = arith.constant 0 : i32
      %cond3A_372 = arith.cmpi ne, %convert_element_type3A_370, %cond3A_371 : i32
      scf.if %cond3A_372 {
        %add3A_399 = arith.addi %mul3A_2, %add3A_362 : i32
        %mul3A_400 = arith.constant 128 : i32
        %mul3A_401 = arith.muli %add3A_399, %mul3A_400 : i32
        %dma_wait3A_402 = tpu.memref_slice %arg3[%mul3A_401] : memref<327680xi32, #tpu.memory_space<hbm>> -> memref<128xi32, #tpu.memory_space<hbm>>
        %dma_wait3A_403 = tpu.memref_slice %arg3[%mul3A_401] : memref<327680xi32, #tpu.memory_space<hbm>> -> memref<128xi32, #tpu.memory_space<hbm>>
        tpu.wait_dma2 semaphore(%arg16 : memref<!tpu.dma_semaphore, #tpu.memory_space<semaphore_mem>>) src(%dma_wait3A_403 : memref<128xi32, #tpu.memory_space<hbm>>) dst(%arg20 : memref<128xi32, #tpu.memory_space<vmem>>)
        %dma_wait3A_404 = tpu.memref_slice %arg4[%mul3A_401] : memref<327680xi32, #tpu.memory_space<hbm>> -> memref<128xi32, #tpu.memory_space<hbm>>
        %dma_wait3A_405 = tpu.memref_slice %arg4[%mul3A_401] : memref<327680xi32, #tpu.memory_space<hbm>> -> memref<128xi32, #tpu.memory_space<hbm>>
        tpu.wait_dma2 semaphore(%arg16 : memref<!tpu.dma_semaphore, #tpu.memory_space<semaphore_mem>>) src(%dma_wait3A_405 : memref<128xi32, #tpu.memory_space<hbm>>) dst(%arg24 : memref<128xi32, #tpu.memory_space<vmem>>)
        %dma_start3A_406 = arith.constant 0 : i32
        %dma_start3A_407 = arith.constant 0 : i32
        %dma_start3A_408 = tpu.memref_slice %arg2[%dma_start3A_406, %dma_start3A_407] : memref<10240x128xf32, #tpu.memory_space<hbm>> -> memref<10240x128xf32, #tpu.memory_space<hbm>>
        tpu.enqueue_indirect_dma source(%dma_start3A_408 : memref<10240x128xf32, #tpu.memory_space<hbm>>) target(%arg7 : memref<128x128xf32, #tpu.memory_space<vmem>>) offsets(%arg20 : memref<128xi32, #tpu.memory_space<vmem>>) semaphore(%arg10 : memref<!tpu.dma_semaphore, #tpu.memory_space<semaphore_mem>>)
      } else {
      }
      %dma_start3A_373 = arith.constant 0 : i32
      %dma_start3A_374 = arith.constant 0 : i32
      %dma_start3A_375 = tpu.memref_slice %arg8[%dma_start3A_373, %dma_start3A_374] : memref<10240x128xf32, #tpu.memory_space<vmem_shared>> -> memref<10240x128xf32, #tpu.memory_space<vmem_shared>>
      tpu.enqueue_indirect_dma source(%arg6 : memref<128x128xf32, #tpu.memory_space<vmem>>) target(%dma_start3A_375 : memref<10240x128xf32, #tpu.memory_space<vmem_shared>>) offsets(%arg23 : memref<128xi32, #tpu.memory_space<vmem>>) semaphore(%arg11 : memref<!tpu.dma_semaphore, #tpu.memory_space<semaphore_mem>>) {add = true}
      %mul3A_376 = arith.constant 4 : i32
      %mul3A_377 = arith.muli %scan3A_312, %mul3A_376 : i32
      %add3A_378 = arith.constant 3 : i32
      %add3A_379 = arith.addi %mul3A_377, %add3A_378 : i32
      %dma_wait3A_380 = arith.constant 0 : i32
      %dma_wait3A_381 = arith.constant 0 : i32
      %dma_wait3A_382 = tpu.memref_slice %arg2[%dma_wait3A_380, %dma_wait3A_381] : memref<10240x128xf32, #tpu.memory_space<hbm>> -> memref<10240x128xf32, #tpu.memory_space<hbm>>
      tpu.wait_indirect_dma semaphore(%arg10 : memref<!tpu.dma_semaphore, #tpu.memory_space<semaphore_mem>>) src(%dma_wait3A_382 : memref<10240x128xf32, #tpu.memory_space<hbm>>) dst(%arg7 : memref<128x128xf32, #tpu.memory_space<vmem>>)
      %add3A_383 = arith.constant 1 : i32
      %add3A_384 = arith.addi %add3A_379, %add3A_383 : i32
      %ge3A_385 = arith.constant 1 : i32
      %ge3A_386 = arith.cmpi sge, %add3A_379, %ge3A_385 : i32
      %convert_element_type3A_387 = arith.extui %ge3A_386 : i1 to i32
      %cond3A_388 = arith.constant 0 : i32
      %cond3A_389 = arith.cmpi ne, %convert_element_type3A_387, %cond3A_388 : i32
      scf.if %cond3A_389 {
        %dma_wait3A_399 = arith.constant 0 : i32
        %dma_wait3A_400 = arith.constant 0 : i32
        %dma_wait3A_401 = tpu.memref_slice %arg8[%dma_wait3A_399, %dma_wait3A_400] : memref<10240x128xf32, #tpu.memory_space<vmem_shared>> -> memref<10240x128xf32, #tpu.memory_space<vmem_shared>>
        tpu.wait_indirect_dma semaphore(%arg11 : memref<!tpu.dma_semaphore, #tpu.memory_space<semaphore_mem>>) src(%arg6 : memref<128x128xf32, #tpu.memory_space<vmem>>) dst(%dma_wait3A_401 : memref<10240x128xf32, #tpu.memory_space<vmem_shared>>)
        %add3A_402 = arith.constant 3 : i32
        %add3A_403 = arith.addi %add3A_379, %add3A_402 : i32
        %lt3A_404 = arith.constant 80 : i32
        %lt3A_405 = arith.cmpi slt, %add3A_403, %lt3A_404 : i32
        %convert_element_type3A_406 = arith.extui %lt3A_405 : i1 to i32
        %cond3A_407 = arith.constant 0 : i32
        %cond3A_408 = arith.cmpi ne, %convert_element_type3A_406, %cond3A_407 : i32
        scf.if %cond3A_408 {
          %add3A_409 = arith.constant 3 : i32
          %add3A_410 = arith.addi %add3A_379, %add3A_409 : i32
          %add3A_411 = arith.addi %mul3A_2, %add3A_410 : i32
          %mul3A_412 = arith.constant 128 : i32
          %mul3A_413 = arith.muli %add3A_411, %mul3A_412 : i32
          %dma_start3A_414 = tpu.memref_slice %arg3[%mul3A_413] : memref<327680xi32, #tpu.memory_space<hbm>> -> memref<128xi32, #tpu.memory_space<hbm>>
          %dma_start3A_415 = tpu.memref_slice %arg3[%mul3A_413] : memref<327680xi32, #tpu.memory_space<hbm>> -> memref<128xi32, #tpu.memory_space<hbm>>
          tpu.enqueue_dma source(%dma_start3A_415 : memref<128xi32, #tpu.memory_space<hbm>>) target(%arg19 : memref<128xi32, #tpu.memory_space<vmem>>) target_semaphore(%arg15 : memref<!tpu.dma_semaphore, #tpu.memory_space<semaphore_mem>>)
          %dma_start3A_416 = tpu.memref_slice %arg4[%mul3A_413] : memref<327680xi32, #tpu.memory_space<hbm>> -> memref<128xi32, #tpu.memory_space<hbm>>
          %dma_start3A_417 = tpu.memref_slice %arg4[%mul3A_413] : memref<327680xi32, #tpu.memory_space<hbm>> -> memref<128xi32, #tpu.memory_space<hbm>>
          tpu.enqueue_dma source(%dma_start3A_417 : memref<128xi32, #tpu.memory_space<hbm>>) target(%arg23 : memref<128xi32, #tpu.memory_space<vmem>>) target_semaphore(%arg15 : memref<!tpu.dma_semaphore, #tpu.memory_space<semaphore_mem>>)
        } else {
        }
      } else {
      }
      %lt3A_390 = arith.constant 80 : i32
      %lt3A_391 = arith.cmpi slt, %add3A_384, %lt3A_390 : i32
      %convert_element_type3A_392 = arith.extui %lt3A_391 : i1 to i32
      %cond3A_393 = arith.constant 0 : i32
      %cond3A_394 = arith.cmpi ne, %convert_element_type3A_392, %cond3A_393 : i32
      scf.if %cond3A_394 {
        %add3A_399 = arith.addi %mul3A_2, %add3A_384 : i32
        %mul3A_400 = arith.constant 128 : i32
        %mul3A_401 = arith.muli %add3A_399, %mul3A_400 : i32
        %dma_wait3A_402 = tpu.memref_slice %arg3[%mul3A_401] : memref<327680xi32, #tpu.memory_space<hbm>> -> memref<128xi32, #tpu.memory_space<hbm>>
        %dma_wait3A_403 = tpu.memref_slice %arg3[%mul3A_401] : memref<327680xi32, #tpu.memory_space<hbm>> -> memref<128xi32, #tpu.memory_space<hbm>>
        tpu.wait_dma2 semaphore(%arg13 : memref<!tpu.dma_semaphore, #tpu.memory_space<semaphore_mem>>) src(%dma_wait3A_403 : memref<128xi32, #tpu.memory_space<hbm>>) dst(%arg17 : memref<128xi32, #tpu.memory_space<vmem>>)
        %dma_wait3A_404 = tpu.memref_slice %arg4[%mul3A_401] : memref<327680xi32, #tpu.memory_space<hbm>> -> memref<128xi32, #tpu.memory_space<hbm>>
        %dma_wait3A_405 = tpu.memref_slice %arg4[%mul3A_401] : memref<327680xi32, #tpu.memory_space<hbm>> -> memref<128xi32, #tpu.memory_space<hbm>>
        tpu.wait_dma2 semaphore(%arg13 : memref<!tpu.dma_semaphore, #tpu.memory_space<semaphore_mem>>) src(%dma_wait3A_405 : memref<128xi32, #tpu.memory_space<hbm>>) dst(%arg21 : memref<128xi32, #tpu.memory_space<vmem>>)
        %dma_start3A_406 = arith.constant 0 : i32
        %dma_start3A_407 = arith.constant 0 : i32
        %dma_start3A_408 = tpu.memref_slice %arg2[%dma_start3A_406, %dma_start3A_407] : memref<10240x128xf32, #tpu.memory_space<hbm>> -> memref<10240x128xf32, #tpu.memory_space<hbm>>
        tpu.enqueue_indirect_dma source(%dma_start3A_408 : memref<10240x128xf32, #tpu.memory_space<hbm>>) target(%arg6 : memref<128x128xf32, #tpu.memory_space<vmem>>) offsets(%arg17 : memref<128xi32, #tpu.memory_space<vmem>>) semaphore(%arg9 : memref<!tpu.dma_semaphore, #tpu.memory_space<semaphore_mem>>)
      } else {
      }
      %dma_start3A_395 = arith.constant 0 : i32
      %dma_start3A_396 = arith.constant 0 : i32
      %dma_start3A_397 = tpu.memref_slice %arg8[%dma_start3A_395, %dma_start3A_396] : memref<10240x128xf32, #tpu.memory_space<vmem_shared>> -> memref<10240x128xf32, #tpu.memory_space<vmem_shared>>
      tpu.enqueue_indirect_dma source(%arg7 : memref<128x128xf32, #tpu.memory_space<vmem>>) target(%dma_start3A_397 : memref<10240x128xf32, #tpu.memory_space<vmem_shared>>) offsets(%arg24 : memref<128xi32, #tpu.memory_space<vmem>>) semaphore(%arg12 : memref<!tpu.dma_semaphore, #tpu.memory_space<semaphore_mem>>) {add = true}
      %scan3A_398 = arith.constant 0 : i32
      scf.yield %scan3A_398 : i32
    }
    %scan3A_127 = arith.constant 20 : i32
    %dma_wait3A_128 = arith.constant 0 : i32
    %dma_wait3A_129 = arith.constant 0 : i32
    %dma_wait3A_130 = tpu.memref_slice %arg8[%dma_wait3A_128, %dma_wait3A_129] : memref<10240x128xf32, #tpu.memory_space<vmem_shared>> -> memref<10240x128xf32, #tpu.memory_space<vmem_shared>>
    tpu.wait_indirect_dma semaphore(%arg12 : memref<!tpu.dma_semaphore, #tpu.memory_space<semaphore_mem>>) src(%arg7 : memref<128x128xf32, #tpu.memory_space<vmem>>) dst(%dma_wait3A_130 : memref<10240x128xf32, #tpu.memory_space<vmem_shared>>)
    %barrier3A_131 = arith.constant 0 : index
    tpu.barrier barrier_id(%barrier3A_131)
    %mul3A_132 = arith.constant 640 : i32
    %mul3A_133 = arith.muli %arg1, %mul3A_132 : i32
    %add3A_134 = arith.constant 0 : i32
    %add3A_135 = arith.addi %mul3A_133, %add3A_134 : i32
    %dma_start3A_136 = arith.constant 0 : i32
    %dma_start3A_137 = tpu.memref_slice %arg8[%add3A_135, %dma_start3A_136] : memref<10240x128xf32, #tpu.memory_space<vmem_shared>> -> memref<128x128xf32, #tpu.memory_space<vmem_shared>>
    %dma_start3A_138 = arith.constant 0 : i32
    %dma_start3A_139 = tpu.memref_slice %arg8[%add3A_135, %dma_start3A_138] : memref<10240x128xf32, #tpu.memory_space<vmem_shared>> -> memref<128x128xf32, #tpu.memory_space<vmem_shared>>
    tpu.enqueue_dma source(%dma_start3A_139 : memref<128x128xf32, #tpu.memory_space<vmem_shared>>) target(%arg6 : memref<128x128xf32, #tpu.memory_space<vmem>>) target_semaphore(%arg9 : memref<!tpu.dma_semaphore, #tpu.memory_space<semaphore_mem>>)
    %mul3A_140 = arith.constant 640 : i32
    %mul3A_141 = arith.muli %arg1, %mul3A_140 : i32
    %add3A_142 = arith.constant 0 : i32
    %add3A_143 = arith.addi %mul3A_141, %add3A_142 : i32
    %dma_wait3A_144 = arith.constant 0 : i32
    %dma_wait3A_145 = tpu.memref_slice %arg8[%add3A_143, %dma_wait3A_144] : memref<10240x128xf32, #tpu.memory_space<vmem_shared>> -> memref<128x128xf32, #tpu.memory_space<vmem_shared>>
    %dma_wait3A_146 = arith.constant 0 : i32
    %dma_wait3A_147 = tpu.memref_slice %arg8[%add3A_143, %dma_wait3A_146] : memref<10240x128xf32, #tpu.memory_space<vmem_shared>> -> memref<128x128xf32, #tpu.memory_space<vmem_shared>>
    tpu.wait_dma2 semaphore(%arg9 : memref<!tpu.dma_semaphore, #tpu.memory_space<semaphore_mem>>) src(%dma_wait3A_147 : memref<128x128xf32, #tpu.memory_space<vmem_shared>>) dst(%arg6 : memref<128x128xf32, #tpu.memory_space<vmem>>)
    %mul3A_148 = arith.constant 640 : i32
    %mul3A_149 = arith.muli %arg1, %mul3A_148 : i32
    %add3A_150 = arith.constant 128 : i32
    %add3A_151 = arith.addi %mul3A_149, %add3A_150 : i32
    %dma_start3A_152 = arith.constant 0 : i32
    %dma_start3A_153 = tpu.memref_slice %arg8[%add3A_151, %dma_start3A_152] : memref<10240x128xf32, #tpu.memory_space<vmem_shared>> -> memref<128x128xf32, #tpu.memory_space<vmem_shared>>
    %dma_start3A_154 = arith.constant 0 : i32
    %dma_start3A_155 = tpu.memref_slice %arg8[%add3A_151, %dma_start3A_154] : memref<10240x128xf32, #tpu.memory_space<vmem_shared>> -> memref<128x128xf32, #tpu.memory_space<vmem_shared>>
    tpu.enqueue_dma source(%dma_start3A_155 : memref<128x128xf32, #tpu.memory_space<vmem_shared>>) target(%arg7 : memref<128x128xf32, #tpu.memory_space<vmem>>) target_semaphore(%arg10 : memref<!tpu.dma_semaphore, #tpu.memory_space<semaphore_mem>>)
    %mul3A_156 = arith.constant 640 : i32
    %mul3A_157 = arith.muli %arg1, %mul3A_156 : i32
    %add3A_158 = arith.constant 0 : i32
    %add3A_159 = arith.addi %mul3A_157, %add3A_158 : i32
    %dma_start3A_160 = arith.constant 0 : i32
    %dma_start3A_161 = tpu.memref_slice %arg5[%arg0, %add3A_159, %dma_start3A_160] : memref<2x10240x128xf32, #tpu.memory_space<hbm>> -> memref<1x128x128xf32, #tpu.memory_space<hbm>>
    %dma_start3A_162 = tpu.memref_squeeze %dma_start3A_161 : memref<1x128x128xf32, #tpu.memory_space<hbm>> -> memref<128x128xf32, #tpu.memory_space<hbm>>
    %dma_start3A_163 = arith.constant 0 : i32
    %dma_start3A_164 = tpu.memref_slice %arg5[%arg0, %add3A_159, %dma_start3A_163] : memref<2x10240x128xf32, #tpu.memory_space<hbm>> -> memref<1x128x128xf32, #tpu.memory_space<hbm>>
    %dma_start3A_165 = tpu.memref_squeeze %dma_start3A_164 : memref<1x128x128xf32, #tpu.memory_space<hbm>> -> memref<128x128xf32, #tpu.memory_space<hbm>>
    tpu.enqueue_dma source(%arg6 : memref<128x128xf32, #tpu.memory_space<vmem>>) target(%dma_start3A_165 : memref<128x128xf32, #tpu.memory_space<hbm>>) target_semaphore(%arg9 : memref<!tpu.dma_semaphore, #tpu.memory_space<semaphore_mem>>)
    %mul3A_166 = arith.constant 640 : i32
    %mul3A_167 = arith.muli %arg1, %mul3A_166 : i32
    %add3A_168 = arith.constant 0 : i32
    %add3A_169 = arith.addi %mul3A_167, %add3A_168 : i32
    %dma_wait3A_170 = arith.constant 0 : i32
    %dma_wait3A_171 = tpu.memref_slice %arg5[%arg0, %add3A_169, %dma_wait3A_170] : memref<2x10240x128xf32, #tpu.memory_space<hbm>> -> memref<1x128x128xf32, #tpu.memory_space<hbm>>
    %dma_wait3A_172 = tpu.memref_squeeze %dma_wait3A_171 : memref<1x128x128xf32, #tpu.memory_space<hbm>> -> memref<128x128xf32, #tpu.memory_space<hbm>>
    %dma_wait3A_173 = arith.constant 0 : i32
    %dma_wait3A_174 = tpu.memref_slice %arg5[%arg0, %add3A_169, %dma_wait3A_173] : memref<2x10240x128xf32, #tpu.memory_space<hbm>> -> memref<1x128x128xf32, #tpu.memory_space<hbm>>
    %dma_wait3A_175 = tpu.memref_squeeze %dma_wait3A_174 : memref<1x128x128xf32, #tpu.memory_space<hbm>> -> memref<128x128xf32, #tpu.memory_space<hbm>>
    tpu.wait_dma2 semaphore(%arg9 : memref<!tpu.dma_semaphore, #tpu.memory_space<semaphore_mem>>) src(%arg6 : memref<128x128xf32, #tpu.memory_space<vmem>>) dst(%dma_wait3A_175 : memref<128x128xf32, #tpu.memory_space<hbm>>)
    %mul3A_176 = arith.constant 640 : i32
    %mul3A_177 = arith.muli %arg1, %mul3A_176 : i32
    %add3A_178 = arith.constant 128 : i32
    %add3A_179 = arith.addi %mul3A_177, %add3A_178 : i32
    %dma_wait3A_180 = arith.constant 0 : i32
    %dma_wait3A_181 = tpu.memref_slice %arg8[%add3A_179, %dma_wait3A_180] : memref<10240x128xf32, #tpu.memory_space<vmem_shared>> -> memref<128x128xf32, #tpu.memory_space<vmem_shared>>
    %dma_wait3A_182 = arith.constant 0 : i32
    %dma_wait3A_183 = tpu.memref_slice %arg8[%add3A_179, %dma_wait3A_182] : memref<10240x128xf32, #tpu.memory_space<vmem_shared>> -> memref<128x128xf32, #tpu.memory_space<vmem_shared>>
    tpu.wait_dma2 semaphore(%arg10 : memref<!tpu.dma_semaphore, #tpu.memory_space<semaphore_mem>>) src(%dma_wait3A_183 : memref<128x128xf32, #tpu.memory_space<vmem_shared>>) dst(%arg7 : memref<128x128xf32, #tpu.memory_space<vmem>>)
    %mul3A_184 = arith.constant 640 : i32
    %mul3A_185 = arith.muli %arg1, %mul3A_184 : i32
    %add3A_186 = arith.constant 256 : i32
    %add3A_187 = arith.addi %mul3A_185, %add3A_186 : i32
    %dma_start3A_188 = arith.constant 0 : i32
    %dma_start3A_189 = tpu.memref_slice %arg8[%add3A_187, %dma_start3A_188] : memref<10240x128xf32, #tpu.memory_space<vmem_shared>> -> memref<128x128xf32, #tpu.memory_space<vmem_shared>>
    %dma_start3A_190 = arith.constant 0 : i32
    %dma_start3A_191 = tpu.memref_slice %arg8[%add3A_187, %dma_start3A_190] : memref<10240x128xf32, #tpu.memory_space<vmem_shared>> -> memref<128x128xf32, #tpu.memory_space<vmem_shared>>
    tpu.enqueue_dma source(%dma_start3A_191 : memref<128x128xf32, #tpu.memory_space<vmem_shared>>) target(%arg6 : memref<128x128xf32, #tpu.memory_space<vmem>>) target_semaphore(%arg9 : memref<!tpu.dma_semaphore, #tpu.memory_space<semaphore_mem>>)
    %mul3A_192 = arith.constant 640 : i32
    %mul3A_193 = arith.muli %arg1, %mul3A_192 : i32
    %add3A_194 = arith.constant 128 : i32
    %add3A_195 = arith.addi %mul3A_193, %add3A_194 : i32
    %dma_start3A_196 = arith.constant 0 : i32
    %dma_start3A_197 = tpu.memref_slice %arg5[%arg0, %add3A_195, %dma_start3A_196] : memref<2x10240x128xf32, #tpu.memory_space<hbm>> -> memref<1x128x128xf32, #tpu.memory_space<hbm>>
    %dma_start3A_198 = tpu.memref_squeeze %dma_start3A_197 : memref<1x128x128xf32, #tpu.memory_space<hbm>> -> memref<128x128xf32, #tpu.memory_space<hbm>>
    %dma_start3A_199 = arith.constant 0 : i32
    %dma_start3A_200 = tpu.memref_slice %arg5[%arg0, %add3A_195, %dma_start3A_199] : memref<2x10240x128xf32, #tpu.memory_space<hbm>> -> memref<1x128x128xf32, #tpu.memory_space<hbm>>
    %dma_start3A_201 = tpu.memref_squeeze %dma_start3A_200 : memref<1x128x128xf32, #tpu.memory_space<hbm>> -> memref<128x128xf32, #tpu.memory_space<hbm>>
    tpu.enqueue_dma source(%arg7 : memref<128x128xf32, #tpu.memory_space<vmem>>) target(%dma_start3A_201 : memref<128x128xf32, #tpu.memory_space<hbm>>) target_semaphore(%arg10 : memref<!tpu.dma_semaphore, #tpu.memory_space<semaphore_mem>>)
    %mul3A_202 = arith.constant 640 : i32
    %mul3A_203 = arith.muli %arg1, %mul3A_202 : i32
    %add3A_204 = arith.constant 128 : i32
    %add3A_205 = arith.addi %mul3A_203, %add3A_204 : i32
    %dma_wait3A_206 = arith.constant 0 : i32
    %dma_wait3A_207 = tpu.memref_slice %arg5[%arg0, %add3A_205, %dma_wait3A_206] : memref<2x10240x128xf32, #tpu.memory_space<hbm>> -> memref<1x128x128xf32, #tpu.memory_space<hbm>>
    %dma_wait3A_208 = tpu.memref_squeeze %dma_wait3A_207 : memref<1x128x128xf32, #tpu.memory_space<hbm>> -> memref<128x128xf32, #tpu.memory_space<hbm>>
    %dma_wait3A_209 = arith.constant 0 : i32
    %dma_wait3A_210 = tpu.memref_slice %arg5[%arg0, %add3A_205, %dma_wait3A_209] : memref<2x10240x128xf32, #tpu.memory_space<hbm>> -> memref<1x128x128xf32, #tpu.memory_space<hbm>>
    %dma_wait3A_211 = tpu.memref_squeeze %dma_wait3A_210 : memref<1x128x128xf32, #tpu.memory_space<hbm>> -> memref<128x128xf32, #tpu.memory_space<hbm>>
    tpu.wait_dma2 semaphore(%arg10 : memref<!tpu.dma_semaphore, #tpu.memory_space<semaphore_mem>>) src(%arg7 : memref<128x128xf32, #tpu.memory_space<vmem>>) dst(%dma_wait3A_211 : memref<128x128xf32, #tpu.memory_space<hbm>>)
    %mul3A_212 = arith.constant 640 : i32
    %mul3A_213 = arith.muli %arg1, %mul3A_212 : i32
    %add3A_214 = arith.constant 256 : i32
    %add3A_215 = arith.addi %mul3A_213, %add3A_214 : i32
    %dma_wait3A_216 = arith.constant 0 : i32
    %dma_wait3A_217 = tpu.memref_slice %arg8[%add3A_215, %dma_wait3A_216] : memref<10240x128xf32, #tpu.memory_space<vmem_shared>> -> memref<128x128xf32, #tpu.memory_space<vmem_shared>>
    %dma_wait3A_218 = arith.constant 0 : i32
    %dma_wait3A_219 = tpu.memref_slice %arg8[%add3A_215, %dma_wait3A_218] : memref<10240x128xf32, #tpu.memory_space<vmem_shared>> -> memref<128x128xf32, #tpu.memory_space<vmem_shared>>
    tpu.wait_dma2 semaphore(%arg9 : memref<!tpu.dma_semaphore, #tpu.memory_space<semaphore_mem>>) src(%dma_wait3A_219 : memref<128x128xf32, #tpu.memory_space<vmem_shared>>) dst(%arg6 : memref<128x128xf32, #tpu.memory_space<vmem>>)
    %mul3A_220 = arith.constant 640 : i32
    %mul3A_221 = arith.muli %arg1, %mul3A_220 : i32
    %add3A_222 = arith.constant 384 : i32
    %add3A_223 = arith.addi %mul3A_221, %add3A_222 : i32
    %dma_start3A_224 = arith.constant 0 : i32
    %dma_start3A_225 = tpu.memref_slice %arg8[%add3A_223, %dma_start3A_224] : memref<10240x128xf32, #tpu.memory_space<vmem_shared>> -> memref<128x128xf32, #tpu.memory_space<vmem_shared>>
    %dma_start3A_226 = arith.constant 0 : i32
    %dma_start3A_227 = tpu.memref_slice %arg8[%add3A_223, %dma_start3A_226] : memref<10240x128xf32, #tpu.memory_space<vmem_shared>> -> memref<128x128xf32, #tpu.memory_space<vmem_shared>>
    tpu.enqueue_dma source(%dma_start3A_227 : memref<128x128xf32, #tpu.memory_space<vmem_shared>>) target(%arg7 : memref<128x128xf32, #tpu.memory_space<vmem>>) target_semaphore(%arg10 : memref<!tpu.dma_semaphore, #tpu.memory_space<semaphore_mem>>)
    %mul3A_228 = arith.constant 640 : i32
    %mul3A_229 = arith.muli %arg1, %mul3A_228 : i32
    %add3A_230 = arith.constant 256 : i32
    %add3A_231 = arith.addi %mul3A_229, %add3A_230 : i32
    %dma_start3A_232 = arith.constant 0 : i32
    %dma_start3A_233 = tpu.memref_slice %arg5[%arg0, %add3A_231, %dma_start3A_232] : memref<2x10240x128xf32, #tpu.memory_space<hbm>> -> memref<1x128x128xf32, #tpu.memory_space<hbm>>
    %dma_start3A_234 = tpu.memref_squeeze %dma_start3A_233 : memref<1x128x128xf32, #tpu.memory_space<hbm>> -> memref<128x128xf32, #tpu.memory_space<hbm>>
    %dma_start3A_235 = arith.constant 0 : i32
    %dma_start3A_236 = tpu.memref_slice %arg5[%arg0, %add3A_231, %dma_start3A_235] : memref<2x10240x128xf32, #tpu.memory_space<hbm>> -> memref<1x128x128xf32, #tpu.memory_space<hbm>>
    %dma_start3A_237 = tpu.memref_squeeze %dma_start3A_236 : memref<1x128x128xf32, #tpu.memory_space<hbm>> -> memref<128x128xf32, #tpu.memory_space<hbm>>
    tpu.enqueue_dma source(%arg6 : memref<128x128xf32, #tpu.memory_space<vmem>>) target(%dma_start3A_237 : memref<128x128xf32, #tpu.memory_space<hbm>>) target_semaphore(%arg9 : memref<!tpu.dma_semaphore, #tpu.memory_space<semaphore_mem>>)
    %mul3A_238 = arith.constant 640 : i32
    %mul3A_239 = arith.muli %arg1, %mul3A_238 : i32
    %add3A_240 = arith.constant 256 : i32
    %add3A_241 = arith.addi %mul3A_239, %add3A_240 : i32
    %dma_wait3A_242 = arith.constant 0 : i32
    %dma_wait3A_243 = tpu.memref_slice %arg5[%arg0, %add3A_241, %dma_wait3A_242] : memref<2x10240x128xf32, #tpu.memory_space<hbm>> -> memref<1x128x128xf32, #tpu.memory_space<hbm>>
    %dma_wait3A_244 = tpu.memref_squeeze %dma_wait3A_243 : memref<1x128x128xf32, #tpu.memory_space<hbm>> -> memref<128x128xf32, #tpu.memory_space<hbm>>
    %dma_wait3A_245 = arith.constant 0 : i32
    %dma_wait3A_246 = tpu.memref_slice %arg5[%arg0, %add3A_241, %dma_wait3A_245] : memref<2x10240x128xf32, #tpu.memory_space<hbm>> -> memref<1x128x128xf32, #tpu.memory_space<hbm>>
    %dma_wait3A_247 = tpu.memref_squeeze %dma_wait3A_246 : memref<1x128x128xf32, #tpu.memory_space<hbm>> -> memref<128x128xf32, #tpu.memory_space<hbm>>
    tpu.wait_dma2 semaphore(%arg9 : memref<!tpu.dma_semaphore, #tpu.memory_space<semaphore_mem>>) src(%arg6 : memref<128x128xf32, #tpu.memory_space<vmem>>) dst(%dma_wait3A_247 : memref<128x128xf32, #tpu.memory_space<hbm>>)
    %mul3A_248 = arith.constant 640 : i32
    %mul3A_249 = arith.muli %arg1, %mul3A_248 : i32
    %add3A_250 = arith.constant 384 : i32
    %add3A_251 = arith.addi %mul3A_249, %add3A_250 : i32
    %dma_wait3A_252 = arith.constant 0 : i32
    %dma_wait3A_253 = tpu.memref_slice %arg8[%add3A_251, %dma_wait3A_252] : memref<10240x128xf32, #tpu.memory_space<vmem_shared>> -> memref<128x128xf32, #tpu.memory_space<vmem_shared>>
    %dma_wait3A_254 = arith.constant 0 : i32
    %dma_wait3A_255 = tpu.memref_slice %arg8[%add3A_251, %dma_wait3A_254] : memref<10240x128xf32, #tpu.memory_space<vmem_shared>> -> memref<128x128xf32, #tpu.memory_space<vmem_shared>>
    tpu.wait_dma2 semaphore(%arg10 : memref<!tpu.dma_semaphore, #tpu.memory_space<semaphore_mem>>) src(%dma_wait3A_255 : memref<128x128xf32, #tpu.memory_space<vmem_shared>>) dst(%arg7 : memref<128x128xf32, #tpu.memory_space<vmem>>)
    %mul3A_256 = arith.constant 640 : i32
    %mul3A_257 = arith.muli %arg1, %mul3A_256 : i32
    %add3A_258 = arith.constant 512 : i32
    %add3A_259 = arith.addi %mul3A_257, %add3A_258 : i32
    %dma_start3A_260 = arith.constant 0 : i32
    %dma_start3A_261 = tpu.memref_slice %arg8[%add3A_259, %dma_start3A_260] : memref<10240x128xf32, #tpu.memory_space<vmem_shared>> -> memref<128x128xf32, #tpu.memory_space<vmem_shared>>
    %dma_start3A_262 = arith.constant 0 : i32
    %dma_start3A_263 = tpu.memref_slice %arg8[%add3A_259, %dma_start3A_262] : memref<10240x128xf32, #tpu.memory_space<vmem_shared>> -> memref<128x128xf32, #tpu.memory_space<vmem_shared>>
    tpu.enqueue_dma source(%dma_start3A_263 : memref<128x128xf32, #tpu.memory_space<vmem_shared>>) target(%arg6 : memref<128x128xf32, #tpu.memory_space<vmem>>) target_semaphore(%arg9 : memref<!tpu.dma_semaphore, #tpu.memory_space<semaphore_mem>>)
    %mul3A_264 = arith.constant 640 : i32
    %mul3A_265 = arith.muli %arg1, %mul3A_264 : i32
    %add3A_266 = arith.constant 384 : i32
    %add3A_267 = arith.addi %mul3A_265, %add3A_266 : i32
    %dma_start3A_268 = arith.constant 0 : i32
    %dma_start3A_269 = tpu.memref_slice %arg5[%arg0, %add3A_267, %dma_start3A_268] : memref<2x10240x128xf32, #tpu.memory_space<hbm>> -> memref<1x128x128xf32, #tpu.memory_space<hbm>>
    %dma_start3A_270 = tpu.memref_squeeze %dma_start3A_269 : memref<1x128x128xf32, #tpu.memory_space<hbm>> -> memref<128x128xf32, #tpu.memory_space<hbm>>
    %dma_start3A_271 = arith.constant 0 : i32
    %dma_start3A_272 = tpu.memref_slice %arg5[%arg0, %add3A_267, %dma_start3A_271] : memref<2x10240x128xf32, #tpu.memory_space<hbm>> -> memref<1x128x128xf32, #tpu.memory_space<hbm>>
    %dma_start3A_273 = tpu.memref_squeeze %dma_start3A_272 : memref<1x128x128xf32, #tpu.memory_space<hbm>> -> memref<128x128xf32, #tpu.memory_space<hbm>>
    tpu.enqueue_dma source(%arg7 : memref<128x128xf32, #tpu.memory_space<vmem>>) target(%dma_start3A_273 : memref<128x128xf32, #tpu.memory_space<hbm>>) target_semaphore(%arg10 : memref<!tpu.dma_semaphore, #tpu.memory_space<semaphore_mem>>)
    %mul3A_274 = arith.constant 640 : i32
    %mul3A_275 = arith.muli %arg1, %mul3A_274 : i32
    %add3A_276 = arith.constant 384 : i32
    %add3A_277 = arith.addi %mul3A_275, %add3A_276 : i32
    %dma_wait3A_278 = arith.constant 0 : i32
    %dma_wait3A_279 = tpu.memref_slice %arg5[%arg0, %add3A_277, %dma_wait3A_278] : memref<2x10240x128xf32, #tpu.memory_space<hbm>> -> memref<1x128x128xf32, #tpu.memory_space<hbm>>
    %dma_wait3A_280 = tpu.memref_squeeze %dma_wait3A_279 : memref<1x128x128xf32, #tpu.memory_space<hbm>> -> memref<128x128xf32, #tpu.memory_space<hbm>>
    %dma_wait3A_281 = arith.constant 0 : i32
    %dma_wait3A_282 = tpu.memref_slice %arg5[%arg0, %add3A_277, %dma_wait3A_281] : memref<2x10240x128xf32, #tpu.memory_space<hbm>> -> memref<1x128x128xf32, #tpu.memory_space<hbm>>
    %dma_wait3A_283 = tpu.memref_squeeze %dma_wait3A_282 : memref<1x128x128xf32, #tpu.memory_space<hbm>> -> memref<128x128xf32, #tpu.memory_space<hbm>>
    tpu.wait_dma2 semaphore(%arg10 : memref<!tpu.dma_semaphore, #tpu.memory_space<semaphore_mem>>) src(%arg7 : memref<128x128xf32, #tpu.memory_space<vmem>>) dst(%dma_wait3A_283 : memref<128x128xf32, #tpu.memory_space<hbm>>)
    %mul3A_284 = arith.constant 640 : i32
    %mul3A_285 = arith.muli %arg1, %mul3A_284 : i32
    %add3A_286 = arith.constant 512 : i32
    %add3A_287 = arith.addi %mul3A_285, %add3A_286 : i32
    %dma_wait3A_288 = arith.constant 0 : i32
    %dma_wait3A_289 = tpu.memref_slice %arg8[%add3A_287, %dma_wait3A_288] : memref<10240x128xf32, #tpu.memory_space<vmem_shared>> -> memref<128x128xf32, #tpu.memory_space<vmem_shared>>
    %dma_wait3A_290 = arith.constant 0 : i32
    %dma_wait3A_291 = tpu.memref_slice %arg8[%add3A_287, %dma_wait3A_290] : memref<10240x128xf32, #tpu.memory_space<vmem_shared>> -> memref<128x128xf32, #tpu.memory_space<vmem_shared>>
    tpu.wait_dma2 semaphore(%arg9 : memref<!tpu.dma_semaphore, #tpu.memory_space<semaphore_mem>>) src(%dma_wait3A_291 : memref<128x128xf32, #tpu.memory_space<vmem_shared>>) dst(%arg6 : memref<128x128xf32, #tpu.memory_space<vmem>>)
    %mul3A_292 = arith.constant 640 : i32
    %mul3A_293 = arith.muli %arg1, %mul3A_292 : i32
    %add3A_294 = arith.constant 512 : i32
    %add3A_295 = arith.addi %mul3A_293, %add3A_294 : i32
    %dma_start3A_296 = arith.constant 0 : i32
    %dma_start3A_297 = tpu.memref_slice %arg5[%arg0, %add3A_295, %dma_start3A_296] : memref<2x10240x128xf32, #tpu.memory_space<hbm>> -> memref<1x128x128xf32, #tpu.memory_space<hbm>>
    %dma_start3A_298 = tpu.memref_squeeze %dma_start3A_297 : memref<1x128x128xf32, #tpu.memory_space<hbm>> -> memref<128x128xf32, #tpu.memory_space<hbm>>
    %dma_start3A_299 = arith.constant 0 : i32
    %dma_start3A_300 = tpu.memref_slice %arg5[%arg0, %add3A_295, %dma_start3A_299] : memref<2x10240x128xf32, #tpu.memory_space<hbm>> -> memref<1x128x128xf32, #tpu.memory_space<hbm>>
    %dma_start3A_301 = tpu.memref_squeeze %dma_start3A_300 : memref<1x128x128xf32, #tpu.memory_space<hbm>> -> memref<128x128xf32, #tpu.memory_space<hbm>>
    tpu.enqueue_dma source(%arg6 : memref<128x128xf32, #tpu.memory_space<vmem>>) target(%dma_start3A_301 : memref<128x128xf32, #tpu.memory_space<hbm>>) target_semaphore(%arg9 : memref<!tpu.dma_semaphore, #tpu.memory_space<semaphore_mem>>)
    %mul3A_302 = arith.constant 640 : i32
    %mul3A_303 = arith.muli %arg1, %mul3A_302 : i32
    %add3A_304 = arith.constant 512 : i32
    %add3A_305 = arith.addi %mul3A_303, %add3A_304 : i32
    %dma_wait3A_306 = arith.constant 0 : i32
    %dma_wait3A_307 = tpu.memref_slice %arg5[%arg0, %add3A_305, %dma_wait3A_306] : memref<2x10240x128xf32, #tpu.memory_space<hbm>> -> memref<1x128x128xf32, #tpu.memory_space<hbm>>
    %dma_wait3A_308 = tpu.memref_squeeze %dma_wait3A_307 : memref<1x128x128xf32, #tpu.memory_space<hbm>> -> memref<128x128xf32, #tpu.memory_space<hbm>>
    %dma_wait3A_309 = arith.constant 0 : i32
    %dma_wait3A_310 = tpu.memref_slice %arg5[%arg0, %add3A_305, %dma_wait3A_309] : memref<2x10240x128xf32, #tpu.memory_space<hbm>> -> memref<1x128x128xf32, #tpu.memory_space<hbm>>
    %dma_wait3A_311 = tpu.memref_squeeze %dma_wait3A_310 : memref<1x128x128xf32, #tpu.memory_space<hbm>> -> memref<128x128xf32, #tpu.memory_space<hbm>>
    tpu.wait_dma2 semaphore(%arg9 : memref<!tpu.dma_semaphore, #tpu.memory_space<semaphore_mem>>) src(%arg6 : memref<128x128xf32, #tpu.memory_space<vmem>>) dst(%dma_wait3A_311 : memref<128x128xf32, #tpu.memory_space<hbm>>)
    return
  }
}

module attributes {stable_mosaic.version = 14 : i64} {
  func.func @body(%arg0: i32, %arg1: memref<2x1024x128xf32, #tpu.memory_space<vmem>>, %arg2: memref<1024x128xf32, #tpu.memory_space<vmem>>, %arg3: memref<1024x128xf32, #tpu.memory_space<vmem>>, %arg4: memref<1024x128xf32, #tpu.memory_space<vmem>>) attributes {dimension_semantics = [#tpu.dimension_semantics<arbitrary>], iteration_bounds = array<i64: 10>, scalar_prefetch = 0 : i64, scratch_operands = 0 : i64, tpu.core_type = #tpu.core_type<tc>, window_params = [{transform_indices = @transform_0, window_bounds = array<i64: 2, 1024, 128>}, {transform_indices = @transform_1, window_bounds = array<i64: 1024, 128>}, {transform_indices = @transform_2, window_bounds = array<i64: 1024, 128>}, {transform_indices = @transform_3, window_bounds = array<i64: 1024, 128>}]} {
    %get3A = arith.constant 0 : index
    %get3A_0 = arith.constant 0 : index
    %get3A_1 = vector.load %arg2[%get3A, %get3A_0] : memref<1024x128xf32, #tpu.memory_space<vmem>>, vector<1024x128xf32>
    %get3A_2 = arith.constant 0 : index
    %get3A_3 = arith.constant 0 : index
    %get3A_4 = arith.constant 0 : index
    %get3A_5 = vector.load %arg1[%get3A_2, %get3A_3, %get3A_4] : memref<2x1024x128xf32, #tpu.memory_space<vmem>>, vector<1x1024x128xf32>
    %get3A_6 = vector.shape_cast %get3A_5 : vector<1x1024x128xf32> to vector<1024x128xf32>
    %get3A_7 = arith.constant 1 : index
    %get3A_8 = arith.constant 0 : index
    %get3A_9 = arith.constant 0 : index
    %get3A_10 = vector.load %arg1[%get3A_7, %get3A_8, %get3A_9] : memref<2x1024x128xf32, #tpu.memory_space<vmem>>, vector<1x1024x128xf32>
    %get3A_11 = vector.shape_cast %get3A_10 : vector<1x1024x128xf32> to vector<1024x128xf32>
    %add3A = arith.addf %get3A_6, %get3A_11 : vector<1024x128xf32>
    %mul3A = arith.mulf %get3A_1, %add3A : vector<1024x128xf32>
    %neg3A = arith.constant 0.000000e+00 : f32
    %neg3A_12 = vector.broadcast %neg3A : f32 to vector<1024x128xf32>
    %neg3A_13 = arith.subf %neg3A_12, %mul3A : vector<1024x128xf32>
    %swap3A = arith.constant 0 : index
    %swap3A_14 = arith.constant 0 : index
    %swap3A_15 = vector.load %arg3[%swap3A, %swap3A_14] : memref<1024x128xf32, #tpu.memory_space<vmem>>, vector<1024x128xf32>
    tpu.vector_store %arg3[%swap3A, %swap3A_14], %neg3A_13 {strides = array<i32>} : memref<1024x128xf32, #tpu.memory_space<vmem>>, vector<1024x128xf32>,
    %mul3A_16 = arith.mulf %get3A_1, %neg3A_13 : vector<1024x128xf32>
    %swap3A_17 = arith.constant 0 : index
    %swap3A_18 = arith.constant 0 : index
    %swap3A_19 = vector.load %arg4[%swap3A_17, %swap3A_18] : memref<1024x128xf32, #tpu.memory_space<vmem>>, vector<1024x128xf32>
    tpu.vector_store %arg4[%swap3A_17, %swap3A_18], %mul3A_16 {strides = array<i32>} : memref<1024x128xf32, #tpu.memory_space<vmem>>, vector<1024x128xf32>,
    return
  }
  func.func @transform_0(%arg0: i32) -> (i32, i32, i32) {
    %c0_i32 = arith.constant 0 : i32
    %c0_i32_0 = arith.constant 0 : i32
    %c0_i32_1 = arith.constant 0 : i32
    return %c0_i32, %arg0, %c0_i32_0 : i32, i32, i32
  }
  func.func @transform_1(%arg0: i32) -> (i32, i32) {
    %c0_i32 = arith.constant 0 : i32
    %c0_i32_0 = arith.constant 0 : i32
    return %arg0, %c0_i32 : i32, i32
  }
  func.func @transform_2(%arg0: i32) -> (i32, i32) {
    %c0_i32 = arith.constant 0 : i32
    %c0_i32_0 = arith.constant 0 : i32
    return %arg0, %c0_i32 : i32, i32
  }
  func.func @transform_3(%arg0: i32) -> (i32, i32) {
    %c0_i32 = arith.constant 0 : i32
    %c0_i32_0 = arith.constant 0 : i32
    return %arg0, %c0_i32 : i32, i32
  }
}

module attributes {stable_mosaic.version = 14 : i64} {
  func.func @body(%arg0: i32, %arg1: memref<2x8x1x128xf32, #tpu.memory_space<vmem>>, %arg2: memref<1024x128xf32, #tpu.memory_space<vmem>>, %arg3: memref<1024x128xf32, #tpu.memory_space<vmem>>, %arg4: memref<1024x128xf32, #tpu.memory_space<vmem>>) attributes {dimension_semantics = [#tpu.dimension_semantics<arbitrary>], iteration_bounds = array<i64: 10>, scalar_prefetch = 0 : i64, scratch_operands = 0 : i64, tpu.core_type = #tpu.core_type<tc>, window_params = [{transform_indices = @transform_0, window_bounds = array<i64: 2, 8, 1, 128>}, {transform_indices = @transform_1, window_bounds = array<i64: 1024, 128>}, {transform_indices = @transform_2, window_bounds = array<i64: 1024, 128>}, {transform_indices = @transform_3, window_bounds = array<i64: 1024, 128>}]} {
    %iota3A = tpu.iota {dimensions = array<i32: 0>} : vector<128x128xi32>
    %iota3A_0 = tpu.iota {dimensions = array<i32: 1>} : vector<128x128xi32>
    %broadcast_in_dim3A = arith.constant 1.000000e+00 : f32
    %broadcast_in_dim3A_1 = vector.broadcast %broadcast_in_dim3A : f32 to vector<128x128xf32>
    %get3A = arith.constant 0 : index
    %get3A_2 = arith.constant 0 : index
    %get3A_3 = arith.constant 0 : index
    %get3A_4 = arith.constant 0 : index
    %get3A_5 = vector.load %arg1[%get3A, %get3A_2, %get3A_3, %get3A_4] : memref<2x8x1x128xf32, #tpu.memory_space<vmem>>, vector<1x1x1x128xf32>
    %get3A_6 = vector.shape_cast %get3A_5 : vector<1x1x1x128xf32> to vector<1x128xf32>
    %get3A_7 = arith.constant 1 : index
    %get3A_8 = arith.constant 0 : index
    %get3A_9 = arith.constant 0 : index
    %get3A_10 = arith.constant 0 : index
    %get3A_11 = vector.load %arg1[%get3A_7, %get3A_8, %get3A_9, %get3A_10] : memref<2x8x1x128xf32, #tpu.memory_space<vmem>>, vector<1x1x1x128xf32>
    %get3A_12 = vector.shape_cast %get3A_11 : vector<1x1x1x128xf32> to vector<1x128xf32>
    %add3A = arith.addf %get3A_6, %get3A_12 : vector<1x128xf32>
    %gt3A = arith.constant 0.000000e+00 : f32
    %gt3A_13 = vector.broadcast %gt3A : f32 to vector<1x128xf32>
    %gt3A_14 = arith.cmpf ogt, %add3A, %gt3A_13 : vector<1x128xf32>
    %jit3A = arith.constant 1.000000e+00 : f32
    %broadcast_in_dim3A_15 = vector.broadcast %jit3A : f32 to vector<1x128xf32>
    %select_n3A = arith.select %gt3A_14, %add3A, %broadcast_in_dim3A_15 : vector<1x128xi1>, vector<1x128xf32>
    %rsqrt3A = math.rsqrt %select_n3A : vector<1x128xf32>
    %jit3A_16 = arith.constant 0.000000e+00 : f32
    %broadcast_in_dim3A_17 = vector.broadcast %jit3A_16 : f32 to vector<1x128xf32>
    %select_n3A_18 = arith.select %gt3A_14, %rsqrt3A, %broadcast_in_dim3A_17 : vector<1x128xi1>, vector<1x128xf32>
    %eq3A = arith.cmpi eq, %iota3A, %iota3A_0 : vector<128x128xi32>
    %broadcast_in_dim3A_19 = vector.shape_cast %select_n3A_18 : vector<1x128xf32> to vector<1x128xf32>
    %broadcast_in_dim3A_20 = vector.broadcast %broadcast_in_dim3A_19 : vector<1x128xf32> to vector<128x128xf32>
    %jit3A_21 = arith.constant 0.000000e+00 : f32
    %broadcast_in_dim3A_22 = vector.broadcast %jit3A_21 : f32 to vector<128x128xf32>
    %select_n3A_23 = arith.select %eq3A, %broadcast_in_dim3A_20, %broadcast_in_dim3A_22 : vector<128x128xi1>, vector<128x128xf32>
    %dot_general3A = arith.constant dense<0.000000e+00> : vector<128x128xf32>
    %dot_general3A_24 = tpu.matmul %select_n3A_23, %broadcast_in_dim3A_1, %dot_general3A {dimension_numbers = #tpu.dot_dimension_numbers<[1], [0], [0], [1], [0, 0, 1, 1], [], []>, transpose_lhs_hint = false} : vector<128x128xf32>, vector<128x128xf32>, vector<128x128xf32> -> vector<128x128xf32>
    %swap3A = arith.constant 0 : index
    %swap3A_25 = arith.constant 0 : index
    %swap3A_26 = vector.load %arg3[%swap3A, %swap3A_25] : memref<1024x128xf32, #tpu.memory_space<vmem>>, vector<128x128xf32>
    tpu.vector_store %arg3[%swap3A, %swap3A_25], %dot_general3A_24 {strides = array<i32>} : memref<1024x128xf32, #tpu.memory_space<vmem>>, vector<128x128xf32>,
    %get3A_27 = arith.constant 0 : index
    %get3A_28 = arith.constant 0 : index
    %get3A_29 = vector.load %arg2[%get3A_27, %get3A_28] : memref<1024x128xf32, #tpu.memory_space<vmem>>, vector<128x128xf32>
    %mul3A = arith.mulf %dot_general3A_24, %get3A_29 : vector<128x128xf32>
    %swap3A_30 = arith.constant 0 : index
    %swap3A_31 = arith.constant 0 : index
    %swap3A_32 = vector.load %arg4[%swap3A_30, %swap3A_31] : memref<1024x128xf32, #tpu.memory_space<vmem>>, vector<128x128xf32>
    tpu.vector_store %arg4[%swap3A_30, %swap3A_31], %mul3A {strides = array<i32>} : memref<1024x128xf32, #tpu.memory_space<vmem>>, vector<128x128xf32>,
    %get3A_33 = arith.constant 0 : index
    %get3A_34 = arith.constant 1 : index
    %get3A_35 = arith.constant 0 : index
    %get3A_36 = arith.constant 0 : index
    %get3A_37 = vector.load %arg1[%get3A_33, %get3A_34, %get3A_35, %get3A_36] : memref<2x8x1x128xf32, #tpu.memory_space<vmem>>, vector<1x1x1x128xf32>
    %get3A_38 = vector.shape_cast %get3A_37 : vector<1x1x1x128xf32> to vector<1x128xf32>
    %get3A_39 = arith.constant 1 : index
    %get3A_40 = arith.constant 1 : index
    %get3A_41 = arith.constant 0 : index
    %get3A_42 = arith.constant 0 : index
    %get3A_43 = vector.load %arg1[%get3A_39, %get3A_40, %get3A_41, %get3A_42] : memref<2x8x1x128xf32, #tpu.memory_space<vmem>>, vector<1x1x1x128xf32>
    %get3A_44 = vector.shape_cast %get3A_43 : vector<1x1x1x128xf32> to vector<1x128xf32>
    %add3A_45 = arith.addf %get3A_38, %get3A_44 : vector<1x128xf32>
    %gt3A_46 = arith.constant 0.000000e+00 : f32
    %gt3A_47 = vector.broadcast %gt3A_46 : f32 to vector<1x128xf32>
    %gt3A_48 = arith.cmpf ogt, %add3A_45, %gt3A_47 : vector<1x128xf32>
    %jit3A_49 = arith.constant 1.000000e+00 : f32
    %broadcast_in_dim3A_50 = vector.broadcast %jit3A_49 : f32 to vector<1x128xf32>
    %select_n3A_51 = arith.select %gt3A_48, %add3A_45, %broadcast_in_dim3A_50 : vector<1x128xi1>, vector<1x128xf32>
    %rsqrt3A_52 = math.rsqrt %select_n3A_51 : vector<1x128xf32>
    %jit3A_53 = arith.constant 0.000000e+00 : f32
    %broadcast_in_dim3A_54 = vector.broadcast %jit3A_53 : f32 to vector<1x128xf32>
    %select_n3A_55 = arith.select %gt3A_48, %rsqrt3A_52, %broadcast_in_dim3A_54 : vector<1x128xi1>, vector<1x128xf32>
    %eq3A_56 = arith.cmpi eq, %iota3A, %iota3A_0 : vector<128x128xi32>
    %broadcast_in_dim3A_57 = vector.shape_cast %select_n3A_55 : vector<1x128xf32> to vector<1x128xf32>
    %broadcast_in_dim3A_58 = vector.broadcast %broadcast_in_dim3A_57 : vector<1x128xf32> to vector<128x128xf32>
    %jit3A_59 = arith.constant 0.000000e+00 : f32
    %broadcast_in_dim3A_60 = vector.broadcast %jit3A_59 : f32 to vector<128x128xf32>
    %select_n3A_61 = arith.select %eq3A_56, %broadcast_in_dim3A_58, %broadcast_in_dim3A_60 : vector<128x128xi1>, vector<128x128xf32>
    %dot_general3A_62 = arith.constant dense<0.000000e+00> : vector<128x128xf32>
    %dot_general3A_63 = tpu.matmul %select_n3A_61, %broadcast_in_dim3A_1, %dot_general3A_62 {dimension_numbers = #tpu.dot_dimension_numbers<[1], [0], [0], [1], [0, 0, 1, 1], [], []>, transpose_lhs_hint = false} : vector<128x128xf32>, vector<128x128xf32>, vector<128x128xf32> -> vector<128x128xf32>
    %swap3A_64 = arith.constant 128 : index
    %swap3A_65 = arith.constant 0 : index
    %swap3A_66 = vector.load %arg3[%swap3A_64, %swap3A_65] : memref<1024x128xf32, #tpu.memory_space<vmem>>, vector<128x128xf32>
    tpu.vector_store %arg3[%swap3A_64, %swap3A_65], %dot_general3A_63 {strides = array<i32>} : memref<1024x128xf32, #tpu.memory_space<vmem>>, vector<128x128xf32>,
    %get3A_67 = arith.constant 128 : index
    %get3A_68 = arith.constant 0 : index
    %get3A_69 = vector.load %arg2[%get3A_67, %get3A_68] : memref<1024x128xf32, #tpu.memory_space<vmem>>, vector<128x128xf32>
    %mul3A_70 = arith.mulf %dot_general3A_63, %get3A_69 : vector<128x128xf32>
    %swap3A_71 = arith.constant 128 : index
    %swap3A_72 = arith.constant 0 : index
    %swap3A_73 = vector.load %arg4[%swap3A_71, %swap3A_72] : memref<1024x128xf32, #tpu.memory_space<vmem>>, vector<128x128xf32>
    tpu.vector_store %arg4[%swap3A_71, %swap3A_72], %mul3A_70 {strides = array<i32>} : memref<1024x128xf32, #tpu.memory_space<vmem>>, vector<128x128xf32>,
    %get3A_74 = arith.constant 0 : index
    %get3A_75 = arith.constant 2 : index
    %get3A_76 = arith.constant 0 : index
    %get3A_77 = arith.constant 0 : index
    %get3A_78 = vector.load %arg1[%get3A_74, %get3A_75, %get3A_76, %get3A_77] : memref<2x8x1x128xf32, #tpu.memory_space<vmem>>, vector<1x1x1x128xf32>
    %get3A_79 = vector.shape_cast %get3A_78 : vector<1x1x1x128xf32> to vector<1x128xf32>
    %get3A_80 = arith.constant 1 : index
    %get3A_81 = arith.constant 2 : index
    %get3A_82 = arith.constant 0 : index
    %get3A_83 = arith.constant 0 : index
    %get3A_84 = vector.load %arg1[%get3A_80, %get3A_81, %get3A_82, %get3A_83] : memref<2x8x1x128xf32, #tpu.memory_space<vmem>>, vector<1x1x1x128xf32>
    %get3A_85 = vector.shape_cast %get3A_84 : vector<1x1x1x128xf32> to vector<1x128xf32>
    %add3A_86 = arith.addf %get3A_79, %get3A_85 : vector<1x128xf32>
    %gt3A_87 = arith.constant 0.000000e+00 : f32
    %gt3A_88 = vector.broadcast %gt3A_87 : f32 to vector<1x128xf32>
    %gt3A_89 = arith.cmpf ogt, %add3A_86, %gt3A_88 : vector<1x128xf32>
    %jit3A_90 = arith.constant 1.000000e+00 : f32
    %broadcast_in_dim3A_91 = vector.broadcast %jit3A_90 : f32 to vector<1x128xf32>
    %select_n3A_92 = arith.select %gt3A_89, %add3A_86, %broadcast_in_dim3A_91 : vector<1x128xi1>, vector<1x128xf32>
    %rsqrt3A_93 = math.rsqrt %select_n3A_92 : vector<1x128xf32>
    %jit3A_94 = arith.constant 0.000000e+00 : f32
    %broadcast_in_dim3A_95 = vector.broadcast %jit3A_94 : f32 to vector<1x128xf32>
    %select_n3A_96 = arith.select %gt3A_89, %rsqrt3A_93, %broadcast_in_dim3A_95 : vector<1x128xi1>, vector<1x128xf32>
    %eq3A_97 = arith.cmpi eq, %iota3A, %iota3A_0 : vector<128x128xi32>
    %broadcast_in_dim3A_98 = vector.shape_cast %select_n3A_96 : vector<1x128xf32> to vector<1x128xf32>
    %broadcast_in_dim3A_99 = vector.broadcast %broadcast_in_dim3A_98 : vector<1x128xf32> to vector<128x128xf32>
    %jit3A_100 = arith.constant 0.000000e+00 : f32
    %broadcast_in_dim3A_101 = vector.broadcast %jit3A_100 : f32 to vector<128x128xf32>
    %select_n3A_102 = arith.select %eq3A_97, %broadcast_in_dim3A_99, %broadcast_in_dim3A_101 : vector<128x128xi1>, vector<128x128xf32>
    %dot_general3A_103 = arith.constant dense<0.000000e+00> : vector<128x128xf32>
    %dot_general3A_104 = tpu.matmul %select_n3A_102, %broadcast_in_dim3A_1, %dot_general3A_103 {dimension_numbers = #tpu.dot_dimension_numbers<[1], [0], [0], [1], [0, 0, 1, 1], [], []>, transpose_lhs_hint = false} : vector<128x128xf32>, vector<128x128xf32>, vector<128x128xf32> -> vector<128x128xf32>
    %swap3A_105 = arith.constant 256 : index
    %swap3A_106 = arith.constant 0 : index
    %swap3A_107 = vector.load %arg3[%swap3A_105, %swap3A_106] : memref<1024x128xf32, #tpu.memory_space<vmem>>, vector<128x128xf32>
    tpu.vector_store %arg3[%swap3A_105, %swap3A_106], %dot_general3A_104 {strides = array<i32>} : memref<1024x128xf32, #tpu.memory_space<vmem>>, vector<128x128xf32>,
    %get3A_108 = arith.constant 256 : index
    %get3A_109 = arith.constant 0 : index
    %get3A_110 = vector.load %arg2[%get3A_108, %get3A_109] : memref<1024x128xf32, #tpu.memory_space<vmem>>, vector<128x128xf32>
    %mul3A_111 = arith.mulf %dot_general3A_104, %get3A_110 : vector<128x128xf32>
    %swap3A_112 = arith.constant 256 : index
    %swap3A_113 = arith.constant 0 : index
    %swap3A_114 = vector.load %arg4[%swap3A_112, %swap3A_113] : memref<1024x128xf32, #tpu.memory_space<vmem>>, vector<128x128xf32>
    tpu.vector_store %arg4[%swap3A_112, %swap3A_113], %mul3A_111 {strides = array<i32>} : memref<1024x128xf32, #tpu.memory_space<vmem>>, vector<128x128xf32>,
    %get3A_115 = arith.constant 0 : index
    %get3A_116 = arith.constant 3 : index
    %get3A_117 = arith.constant 0 : index
    %get3A_118 = arith.constant 0 : index
    %get3A_119 = vector.load %arg1[%get3A_115, %get3A_116, %get3A_117, %get3A_118] : memref<2x8x1x128xf32, #tpu.memory_space<vmem>>, vector<1x1x1x128xf32>
    %get3A_120 = vector.shape_cast %get3A_119 : vector<1x1x1x128xf32> to vector<1x128xf32>
    %get3A_121 = arith.constant 1 : index
    %get3A_122 = arith.constant 3 : index
    %get3A_123 = arith.constant 0 : index
    %get3A_124 = arith.constant 0 : index
    %get3A_125 = vector.load %arg1[%get3A_121, %get3A_122, %get3A_123, %get3A_124] : memref<2x8x1x128xf32, #tpu.memory_space<vmem>>, vector<1x1x1x128xf32>
    %get3A_126 = vector.shape_cast %get3A_125 : vector<1x1x1x128xf32> to vector<1x128xf32>
    %add3A_127 = arith.addf %get3A_120, %get3A_126 : vector<1x128xf32>
    %gt3A_128 = arith.constant 0.000000e+00 : f32
    %gt3A_129 = vector.broadcast %gt3A_128 : f32 to vector<1x128xf32>
    %gt3A_130 = arith.cmpf ogt, %add3A_127, %gt3A_129 : vector<1x128xf32>
    %jit3A_131 = arith.constant 1.000000e+00 : f32
    %broadcast_in_dim3A_132 = vector.broadcast %jit3A_131 : f32 to vector<1x128xf32>
    %select_n3A_133 = arith.select %gt3A_130, %add3A_127, %broadcast_in_dim3A_132 : vector<1x128xi1>, vector<1x128xf32>
    %rsqrt3A_134 = math.rsqrt %select_n3A_133 : vector<1x128xf32>
    %jit3A_135 = arith.constant 0.000000e+00 : f32
    %broadcast_in_dim3A_136 = vector.broadcast %jit3A_135 : f32 to vector<1x128xf32>
    %select_n3A_137 = arith.select %gt3A_130, %rsqrt3A_134, %broadcast_in_dim3A_136 : vector<1x128xi1>, vector<1x128xf32>
    %eq3A_138 = arith.cmpi eq, %iota3A, %iota3A_0 : vector<128x128xi32>
    %broadcast_in_dim3A_139 = vector.shape_cast %select_n3A_137 : vector<1x128xf32> to vector<1x128xf32>
    %broadcast_in_dim3A_140 = vector.broadcast %broadcast_in_dim3A_139 : vector<1x128xf32> to vector<128x128xf32>
    %jit3A_141 = arith.constant 0.000000e+00 : f32
    %broadcast_in_dim3A_142 = vector.broadcast %jit3A_141 : f32 to vector<128x128xf32>
    %select_n3A_143 = arith.select %eq3A_138, %broadcast_in_dim3A_140, %broadcast_in_dim3A_142 : vector<128x128xi1>, vector<128x128xf32>
    %dot_general3A_144 = arith.constant dense<0.000000e+00> : vector<128x128xf32>
    %dot_general3A_145 = tpu.matmul %select_n3A_143, %broadcast_in_dim3A_1, %dot_general3A_144 {dimension_numbers = #tpu.dot_dimension_numbers<[1], [0], [0], [1], [0, 0, 1, 1], [], []>, transpose_lhs_hint = false} : vector<128x128xf32>, vector<128x128xf32>, vector<128x128xf32> -> vector<128x128xf32>
    %swap3A_146 = arith.constant 384 : index
    %swap3A_147 = arith.constant 0 : index
    %swap3A_148 = vector.load %arg3[%swap3A_146, %swap3A_147] : memref<1024x128xf32, #tpu.memory_space<vmem>>, vector<128x128xf32>
    tpu.vector_store %arg3[%swap3A_146, %swap3A_147], %dot_general3A_145 {strides = array<i32>} : memref<1024x128xf32, #tpu.memory_space<vmem>>, vector<128x128xf32>,
    %get3A_149 = arith.constant 384 : index
    %get3A_150 = arith.constant 0 : index
    %get3A_151 = vector.load %arg2[%get3A_149, %get3A_150] : memref<1024x128xf32, #tpu.memory_space<vmem>>, vector<128x128xf32>
    %mul3A_152 = arith.mulf %dot_general3A_145, %get3A_151 : vector<128x128xf32>
    %swap3A_153 = arith.constant 384 : index
    %swap3A_154 = arith.constant 0 : index
    %swap3A_155 = vector.load %arg4[%swap3A_153, %swap3A_154] : memref<1024x128xf32, #tpu.memory_space<vmem>>, vector<128x128xf32>
    tpu.vector_store %arg4[%swap3A_153, %swap3A_154], %mul3A_152 {strides = array<i32>} : memref<1024x128xf32, #tpu.memory_space<vmem>>, vector<128x128xf32>,
    %get3A_156 = arith.constant 0 : index
    %get3A_157 = arith.constant 4 : index
    %get3A_158 = arith.constant 0 : index
    %get3A_159 = arith.constant 0 : index
    %get3A_160 = vector.load %arg1[%get3A_156, %get3A_157, %get3A_158, %get3A_159] : memref<2x8x1x128xf32, #tpu.memory_space<vmem>>, vector<1x1x1x128xf32>
    %get3A_161 = vector.shape_cast %get3A_160 : vector<1x1x1x128xf32> to vector<1x128xf32>
    %get3A_162 = arith.constant 1 : index
    %get3A_163 = arith.constant 4 : index
    %get3A_164 = arith.constant 0 : index
    %get3A_165 = arith.constant 0 : index
    %get3A_166 = vector.load %arg1[%get3A_162, %get3A_163, %get3A_164, %get3A_165] : memref<2x8x1x128xf32, #tpu.memory_space<vmem>>, vector<1x1x1x128xf32>
    %get3A_167 = vector.shape_cast %get3A_166 : vector<1x1x1x128xf32> to vector<1x128xf32>
    %add3A_168 = arith.addf %get3A_161, %get3A_167 : vector<1x128xf32>
    %gt3A_169 = arith.constant 0.000000e+00 : f32
    %gt3A_170 = vector.broadcast %gt3A_169 : f32 to vector<1x128xf32>
    %gt3A_171 = arith.cmpf ogt, %add3A_168, %gt3A_170 : vector<1x128xf32>
    %jit3A_172 = arith.constant 1.000000e+00 : f32
    %broadcast_in_dim3A_173 = vector.broadcast %jit3A_172 : f32 to vector<1x128xf32>
    %select_n3A_174 = arith.select %gt3A_171, %add3A_168, %broadcast_in_dim3A_173 : vector<1x128xi1>, vector<1x128xf32>
    %rsqrt3A_175 = math.rsqrt %select_n3A_174 : vector<1x128xf32>
    %jit3A_176 = arith.constant 0.000000e+00 : f32
    %broadcast_in_dim3A_177 = vector.broadcast %jit3A_176 : f32 to vector<1x128xf32>
    %select_n3A_178 = arith.select %gt3A_171, %rsqrt3A_175, %broadcast_in_dim3A_177 : vector<1x128xi1>, vector<1x128xf32>
    %eq3A_179 = arith.cmpi eq, %iota3A, %iota3A_0 : vector<128x128xi32>
    %broadcast_in_dim3A_180 = vector.shape_cast %select_n3A_178 : vector<1x128xf32> to vector<1x128xf32>
    %broadcast_in_dim3A_181 = vector.broadcast %broadcast_in_dim3A_180 : vector<1x128xf32> to vector<128x128xf32>
    %jit3A_182 = arith.constant 0.000000e+00 : f32
    %broadcast_in_dim3A_183 = vector.broadcast %jit3A_182 : f32 to vector<128x128xf32>
    %select_n3A_184 = arith.select %eq3A_179, %broadcast_in_dim3A_181, %broadcast_in_dim3A_183 : vector<128x128xi1>, vector<128x128xf32>
    %dot_general3A_185 = arith.constant dense<0.000000e+00> : vector<128x128xf32>
    %dot_general3A_186 = tpu.matmul %select_n3A_184, %broadcast_in_dim3A_1, %dot_general3A_185 {dimension_numbers = #tpu.dot_dimension_numbers<[1], [0], [0], [1], [0, 0, 1, 1], [], []>, transpose_lhs_hint = false} : vector<128x128xf32>, vector<128x128xf32>, vector<128x128xf32> -> vector<128x128xf32>
    %swap3A_187 = arith.constant 512 : index
    %swap3A_188 = arith.constant 0 : index
    %swap3A_189 = vector.load %arg3[%swap3A_187, %swap3A_188] : memref<1024x128xf32, #tpu.memory_space<vmem>>, vector<128x128xf32>
    tpu.vector_store %arg3[%swap3A_187, %swap3A_188], %dot_general3A_186 {strides = array<i32>} : memref<1024x128xf32, #tpu.memory_space<vmem>>, vector<128x128xf32>,
    %get3A_190 = arith.constant 512 : index
    %get3A_191 = arith.constant 0 : index
    %get3A_192 = vector.load %arg2[%get3A_190, %get3A_191] : memref<1024x128xf32, #tpu.memory_space<vmem>>, vector<128x128xf32>
    %mul3A_193 = arith.mulf %dot_general3A_186, %get3A_192 : vector<128x128xf32>
    %swap3A_194 = arith.constant 512 : index
    %swap3A_195 = arith.constant 0 : index
    %swap3A_196 = vector.load %arg4[%swap3A_194, %swap3A_195] : memref<1024x128xf32, #tpu.memory_space<vmem>>, vector<128x128xf32>
    tpu.vector_store %arg4[%swap3A_194, %swap3A_195], %mul3A_193 {strides = array<i32>} : memref<1024x128xf32, #tpu.memory_space<vmem>>, vector<128x128xf32>,
    %get3A_197 = arith.constant 0 : index
    %get3A_198 = arith.constant 5 : index
    %get3A_199 = arith.constant 0 : index
    %get3A_200 = arith.constant 0 : index
    %get3A_201 = vector.load %arg1[%get3A_197, %get3A_198, %get3A_199, %get3A_200] : memref<2x8x1x128xf32, #tpu.memory_space<vmem>>, vector<1x1x1x128xf32>
    %get3A_202 = vector.shape_cast %get3A_201 : vector<1x1x1x128xf32> to vector<1x128xf32>
    %get3A_203 = arith.constant 1 : index
    %get3A_204 = arith.constant 5 : index
    %get3A_205 = arith.constant 0 : index
    %get3A_206 = arith.constant 0 : index
    %get3A_207 = vector.load %arg1[%get3A_203, %get3A_204, %get3A_205, %get3A_206] : memref<2x8x1x128xf32, #tpu.memory_space<vmem>>, vector<1x1x1x128xf32>
    %get3A_208 = vector.shape_cast %get3A_207 : vector<1x1x1x128xf32> to vector<1x128xf32>
    %add3A_209 = arith.addf %get3A_202, %get3A_208 : vector<1x128xf32>
    %gt3A_210 = arith.constant 0.000000e+00 : f32
    %gt3A_211 = vector.broadcast %gt3A_210 : f32 to vector<1x128xf32>
    %gt3A_212 = arith.cmpf ogt, %add3A_209, %gt3A_211 : vector<1x128xf32>
    %jit3A_213 = arith.constant 1.000000e+00 : f32
    %broadcast_in_dim3A_214 = vector.broadcast %jit3A_213 : f32 to vector<1x128xf32>
    %select_n3A_215 = arith.select %gt3A_212, %add3A_209, %broadcast_in_dim3A_214 : vector<1x128xi1>, vector<1x128xf32>
    %rsqrt3A_216 = math.rsqrt %select_n3A_215 : vector<1x128xf32>
    %jit3A_217 = arith.constant 0.000000e+00 : f32
    %broadcast_in_dim3A_218 = vector.broadcast %jit3A_217 : f32 to vector<1x128xf32>
    %select_n3A_219 = arith.select %gt3A_212, %rsqrt3A_216, %broadcast_in_dim3A_218 : vector<1x128xi1>, vector<1x128xf32>
    %eq3A_220 = arith.cmpi eq, %iota3A, %iota3A_0 : vector<128x128xi32>
    %broadcast_in_dim3A_221 = vector.shape_cast %select_n3A_219 : vector<1x128xf32> to vector<1x128xf32>
    %broadcast_in_dim3A_222 = vector.broadcast %broadcast_in_dim3A_221 : vector<1x128xf32> to vector<128x128xf32>
    %jit3A_223 = arith.constant 0.000000e+00 : f32
    %broadcast_in_dim3A_224 = vector.broadcast %jit3A_223 : f32 to vector<128x128xf32>
    %select_n3A_225 = arith.select %eq3A_220, %broadcast_in_dim3A_222, %broadcast_in_dim3A_224 : vector<128x128xi1>, vector<128x128xf32>
    %dot_general3A_226 = arith.constant dense<0.000000e+00> : vector<128x128xf32>
    %dot_general3A_227 = tpu.matmul %select_n3A_225, %broadcast_in_dim3A_1, %dot_general3A_226 {dimension_numbers = #tpu.dot_dimension_numbers<[1], [0], [0], [1], [0, 0, 1, 1], [], []>, transpose_lhs_hint = false} : vector<128x128xf32>, vector<128x128xf32>, vector<128x128xf32> -> vector<128x128xf32>
    %swap3A_228 = arith.constant 640 : index
    %swap3A_229 = arith.constant 0 : index
    %swap3A_230 = vector.load %arg3[%swap3A_228, %swap3A_229] : memref<1024x128xf32, #tpu.memory_space<vmem>>, vector<128x128xf32>
    tpu.vector_store %arg3[%swap3A_228, %swap3A_229], %dot_general3A_227 {strides = array<i32>} : memref<1024x128xf32, #tpu.memory_space<vmem>>, vector<128x128xf32>,
    %get3A_231 = arith.constant 640 : index
    %get3A_232 = arith.constant 0 : index
    %get3A_233 = vector.load %arg2[%get3A_231, %get3A_232] : memref<1024x128xf32, #tpu.memory_space<vmem>>, vector<128x128xf32>
    %mul3A_234 = arith.mulf %dot_general3A_227, %get3A_233 : vector<128x128xf32>
    %swap3A_235 = arith.constant 640 : index
    %swap3A_236 = arith.constant 0 : index
    %swap3A_237 = vector.load %arg4[%swap3A_235, %swap3A_236] : memref<1024x128xf32, #tpu.memory_space<vmem>>, vector<128x128xf32>
    tpu.vector_store %arg4[%swap3A_235, %swap3A_236], %mul3A_234 {strides = array<i32>} : memref<1024x128xf32, #tpu.memory_space<vmem>>, vector<128x128xf32>,
    %get3A_238 = arith.constant 0 : index
    %get3A_239 = arith.constant 6 : index
    %get3A_240 = arith.constant 0 : index
    %get3A_241 = arith.constant 0 : index
    %get3A_242 = vector.load %arg1[%get3A_238, %get3A_239, %get3A_240, %get3A_241] : memref<2x8x1x128xf32, #tpu.memory_space<vmem>>, vector<1x1x1x128xf32>
    %get3A_243 = vector.shape_cast %get3A_242 : vector<1x1x1x128xf32> to vector<1x128xf32>
    %get3A_244 = arith.constant 1 : index
    %get3A_245 = arith.constant 6 : index
    %get3A_246 = arith.constant 0 : index
    %get3A_247 = arith.constant 0 : index
    %get3A_248 = vector.load %arg1[%get3A_244, %get3A_245, %get3A_246, %get3A_247] : memref<2x8x1x128xf32, #tpu.memory_space<vmem>>, vector<1x1x1x128xf32>
    %get3A_249 = vector.shape_cast %get3A_248 : vector<1x1x1x128xf32> to vector<1x128xf32>
    %add3A_250 = arith.addf %get3A_243, %get3A_249 : vector<1x128xf32>
    %gt3A_251 = arith.constant 0.000000e+00 : f32
    %gt3A_252 = vector.broadcast %gt3A_251 : f32 to vector<1x128xf32>
    %gt3A_253 = arith.cmpf ogt, %add3A_250, %gt3A_252 : vector<1x128xf32>
    %jit3A_254 = arith.constant 1.000000e+00 : f32
    %broadcast_in_dim3A_255 = vector.broadcast %jit3A_254 : f32 to vector<1x128xf32>
    %select_n3A_256 = arith.select %gt3A_253, %add3A_250, %broadcast_in_dim3A_255 : vector<1x128xi1>, vector<1x128xf32>
    %rsqrt3A_257 = math.rsqrt %select_n3A_256 : vector<1x128xf32>
    %jit3A_258 = arith.constant 0.000000e+00 : f32
    %broadcast_in_dim3A_259 = vector.broadcast %jit3A_258 : f32 to vector<1x128xf32>
    %select_n3A_260 = arith.select %gt3A_253, %rsqrt3A_257, %broadcast_in_dim3A_259 : vector<1x128xi1>, vector<1x128xf32>
    %eq3A_261 = arith.cmpi eq, %iota3A, %iota3A_0 : vector<128x128xi32>
    %broadcast_in_dim3A_262 = vector.shape_cast %select_n3A_260 : vector<1x128xf32> to vector<1x128xf32>
    %broadcast_in_dim3A_263 = vector.broadcast %broadcast_in_dim3A_262 : vector<1x128xf32> to vector<128x128xf32>
    %jit3A_264 = arith.constant 0.000000e+00 : f32
    %broadcast_in_dim3A_265 = vector.broadcast %jit3A_264 : f32 to vector<128x128xf32>
    %select_n3A_266 = arith.select %eq3A_261, %broadcast_in_dim3A_263, %broadcast_in_dim3A_265 : vector<128x128xi1>, vector<128x128xf32>
    %dot_general3A_267 = arith.constant dense<0.000000e+00> : vector<128x128xf32>
    %dot_general3A_268 = tpu.matmul %select_n3A_266, %broadcast_in_dim3A_1, %dot_general3A_267 {dimension_numbers = #tpu.dot_dimension_numbers<[1], [0], [0], [1], [0, 0, 1, 1], [], []>, transpose_lhs_hint = false} : vector<128x128xf32>, vector<128x128xf32>, vector<128x128xf32> -> vector<128x128xf32>
    %swap3A_269 = arith.constant 768 : index
    %swap3A_270 = arith.constant 0 : index
    %swap3A_271 = vector.load %arg3[%swap3A_269, %swap3A_270] : memref<1024x128xf32, #tpu.memory_space<vmem>>, vector<128x128xf32>
    tpu.vector_store %arg3[%swap3A_269, %swap3A_270], %dot_general3A_268 {strides = array<i32>} : memref<1024x128xf32, #tpu.memory_space<vmem>>, vector<128x128xf32>,
    %get3A_272 = arith.constant 768 : index
    %get3A_273 = arith.constant 0 : index
    %get3A_274 = vector.load %arg2[%get3A_272, %get3A_273] : memref<1024x128xf32, #tpu.memory_space<vmem>>, vector<128x128xf32>
    %mul3A_275 = arith.mulf %dot_general3A_268, %get3A_274 : vector<128x128xf32>
    %swap3A_276 = arith.constant 768 : index
    %swap3A_277 = arith.constant 0 : index
    %swap3A_278 = vector.load %arg4[%swap3A_276, %swap3A_277] : memref<1024x128xf32, #tpu.memory_space<vmem>>, vector<128x128xf32>
    tpu.vector_store %arg4[%swap3A_276, %swap3A_277], %mul3A_275 {strides = array<i32>} : memref<1024x128xf32, #tpu.memory_space<vmem>>, vector<128x128xf32>,
    %get3A_279 = arith.constant 0 : index
    %get3A_280 = arith.constant 7 : index
    %get3A_281 = arith.constant 0 : index
    %get3A_282 = arith.constant 0 : index
    %get3A_283 = vector.load %arg1[%get3A_279, %get3A_280, %get3A_281, %get3A_282] : memref<2x8x1x128xf32, #tpu.memory_space<vmem>>, vector<1x1x1x128xf32>
    %get3A_284 = vector.shape_cast %get3A_283 : vector<1x1x1x128xf32> to vector<1x128xf32>
    %get3A_285 = arith.constant 1 : index
    %get3A_286 = arith.constant 7 : index
    %get3A_287 = arith.constant 0 : index
    %get3A_288 = arith.constant 0 : index
    %get3A_289 = vector.load %arg1[%get3A_285, %get3A_286, %get3A_287, %get3A_288] : memref<2x8x1x128xf32, #tpu.memory_space<vmem>>, vector<1x1x1x128xf32>
    %get3A_290 = vector.shape_cast %get3A_289 : vector<1x1x1x128xf32> to vector<1x128xf32>
    %add3A_291 = arith.addf %get3A_284, %get3A_290 : vector<1x128xf32>
    %gt3A_292 = arith.constant 0.000000e+00 : f32
    %gt3A_293 = vector.broadcast %gt3A_292 : f32 to vector<1x128xf32>
    %gt3A_294 = arith.cmpf ogt, %add3A_291, %gt3A_293 : vector<1x128xf32>
    %jit3A_295 = arith.constant 1.000000e+00 : f32
    %broadcast_in_dim3A_296 = vector.broadcast %jit3A_295 : f32 to vector<1x128xf32>
    %select_n3A_297 = arith.select %gt3A_294, %add3A_291, %broadcast_in_dim3A_296 : vector<1x128xi1>, vector<1x128xf32>
    %rsqrt3A_298 = math.rsqrt %select_n3A_297 : vector<1x128xf32>
    %jit3A_299 = arith.constant 0.000000e+00 : f32
    %broadcast_in_dim3A_300 = vector.broadcast %jit3A_299 : f32 to vector<1x128xf32>
    %select_n3A_301 = arith.select %gt3A_294, %rsqrt3A_298, %broadcast_in_dim3A_300 : vector<1x128xi1>, vector<1x128xf32>
    %eq3A_302 = arith.cmpi eq, %iota3A, %iota3A_0 : vector<128x128xi32>
    %broadcast_in_dim3A_303 = vector.shape_cast %select_n3A_301 : vector<1x128xf32> to vector<1x128xf32>
    %broadcast_in_dim3A_304 = vector.broadcast %broadcast_in_dim3A_303 : vector<1x128xf32> to vector<128x128xf32>
    %jit3A_305 = arith.constant 0.000000e+00 : f32
    %broadcast_in_dim3A_306 = vector.broadcast %jit3A_305 : f32 to vector<128x128xf32>
    %select_n3A_307 = arith.select %eq3A_302, %broadcast_in_dim3A_304, %broadcast_in_dim3A_306 : vector<128x128xi1>, vector<128x128xf32>
    %dot_general3A_308 = arith.constant dense<0.000000e+00> : vector<128x128xf32>
    %dot_general3A_309 = tpu.matmul %select_n3A_307, %broadcast_in_dim3A_1, %dot_general3A_308 {dimension_numbers = #tpu.dot_dimension_numbers<[1], [0], [0], [1], [0, 0, 1, 1], [], []>, transpose_lhs_hint = false} : vector<128x128xf32>, vector<128x128xf32>, vector<128x128xf32> -> vector<128x128xf32>
    %swap3A_310 = arith.constant 896 : index
    %swap3A_311 = arith.constant 0 : index
    %swap3A_312 = vector.load %arg3[%swap3A_310, %swap3A_311] : memref<1024x128xf32, #tpu.memory_space<vmem>>, vector<128x128xf32>
    tpu.vector_store %arg3[%swap3A_310, %swap3A_311], %dot_general3A_309 {strides = array<i32>} : memref<1024x128xf32, #tpu.memory_space<vmem>>, vector<128x128xf32>,
    %get3A_313 = arith.constant 896 : index
    %get3A_314 = arith.constant 0 : index
    %get3A_315 = vector.load %arg2[%get3A_313, %get3A_314] : memref<1024x128xf32, #tpu.memory_space<vmem>>, vector<128x128xf32>
    %mul3A_316 = arith.mulf %dot_general3A_309, %get3A_315 : vector<128x128xf32>
    %swap3A_317 = arith.constant 896 : index
    %swap3A_318 = arith.constant 0 : index
    %swap3A_319 = vector.load %arg4[%swap3A_317, %swap3A_318] : memref<1024x128xf32, #tpu.memory_space<vmem>>, vector<128x128xf32>
    tpu.vector_store %arg4[%swap3A_317, %swap3A_318], %mul3A_316 {strides = array<i32>} : memref<1024x128xf32, #tpu.memory_space<vmem>>, vector<128x128xf32>,
    return
  }
  func.func @transform_0(%arg0: i32) -> (i32, i32, i32, i32) {
    %c0_i32 = arith.constant 0 : i32
    %c0_i32_0 = arith.constant 0 : i32
    %c0_i32_1 = arith.constant 0 : i32
    %c0_i32_2 = arith.constant 0 : i32
    return %c0_i32, %arg0, %c0_i32_0, %c0_i32_1 : i32, i32, i32, i32
  }
  func.func @transform_1(%arg0: i32) -> (i32, i32) {
    %c0_i32 = arith.constant 0 : i32
    %c0_i32_0 = arith.constant 0 : i32
    return %arg0, %c0_i32 : i32, i32
  }
  func.func @transform_2(%arg0: i32) -> (i32, i32) {
    %c0_i32 = arith.constant 0 : i32
    %c0_i32_0 = arith.constant 0 : i32
    return %arg0, %c0_i32 : i32, i32
  }
  func.func @transform_3(%arg0: i32) -> (i32, i32) {
    %c0_i32 = arith.constant 0 : i32
    %c0_i32_0 = arith.constant 0 : i32
    return %arg0, %c0_i32 : i32, i32
  }
}

module attributes {stable_mosaic.version = 14 : i64} {
  func.func @body(%arg0: i32, %arg1: memref<1000x128xf32, #tpu.memory_space<vmem>>, %arg2: memref<1000x128xf32, #tpu.memory_space<vmem>>, %arg3: memref<2x1000x128xf32, #tpu.memory_space<vmem>>, %arg4: memref<1000x128xf32, #tpu.memory_space<vmem>>, %arg5: memref<128x128xf32, #tpu.memory_space<vmem>>, %arg6: memref<128x128xf32, #tpu.memory_space<vmem>>, %arg7: memref<128x128xf32, #tpu.memory_space<vmem>>, %arg8: memref<8x128xf32, #tpu.memory_space<vmem>>, %arg9: memref<1000x128xf32, #tpu.memory_space<vmem>>) attributes {dimension_semantics = [#tpu.dimension_semantics<arbitrary>], iteration_bounds = array<i64: 10>, scalar_prefetch = 0 : i64, scratch_operands = 0 : i64, tpu.core_type = #tpu.core_type<tc>, window_params = [{transform_indices = @transform_0, window_bounds = array<i64: 1000, 128>}, {transform_indices = @transform_1, window_bounds = array<i64: 1000, 128>}, {transform_indices = @transform_2, window_bounds = array<i64: 2, 1000, 128>}, {transform_indices = @transform_3, window_bounds = array<i64: 1000, 128>}, {pipeline_mode = #tpu.pipeline_mode<synchronous>, transform_indices = @transform_4, window_bounds = array<i64: 128, 128>}, {pipeline_mode = #tpu.pipeline_mode<synchronous>, transform_indices = @transform_5, window_bounds = array<i64: 128, 128>}, {pipeline_mode = #tpu.pipeline_mode<synchronous>, transform_indices = @transform_6, window_bounds = array<i64: 128, 128>}, {pipeline_mode = #tpu.pipeline_mode<synchronous>, transform_indices = @transform_7, window_bounds = array<i64: 8, 128>}, {transform_indices = @transform_8, window_bounds = array<i64: 1000, 128>}]} {
    %get3A = arith.constant 0 : index
    %get3A_0 = arith.constant 0 : index
    %get3A_1 = vector.load %arg4[%get3A, %get3A_0] : memref<1000x128xf32, #tpu.memory_space<vmem>>, vector<1000x128xf32>
    %get3A_2 = arith.constant 0 : index
    %get3A_3 = arith.constant 0 : index
    %get3A_4 = arith.constant 0 : index
    %get3A_5 = vector.load %arg3[%get3A_2, %get3A_3, %get3A_4] : memref<2x1000x128xf32, #tpu.memory_space<vmem>>, vector<1x1000x128xf32>
    %get3A_6 = vector.shape_cast %get3A_5 : vector<1x1000x128xf32> to vector<1000x128xf32>
    %get3A_7 = arith.constant 1 : index
    %get3A_8 = arith.constant 0 : index
    %get3A_9 = arith.constant 0 : index
    %get3A_10 = vector.load %arg3[%get3A_7, %get3A_8, %get3A_9] : memref<2x1000x128xf32, #tpu.memory_space<vmem>>, vector<1x1000x128xf32>
    %get3A_11 = vector.shape_cast %get3A_10 : vector<1x1000x128xf32> to vector<1000x128xf32>
    %add3A = arith.addf %get3A_6, %get3A_11 : vector<1000x128xf32>
    %mul3A = arith.mulf %get3A_1, %add3A : vector<1000x128xf32>
    %get3A_12 = arith.constant 0 : index
    %get3A_13 = arith.constant 0 : index
    %get3A_14 = vector.load %arg1[%get3A_12, %get3A_13] : memref<1000x128xf32, #tpu.memory_space<vmem>>, vector<1000x128xf32>
    %get3A_15 = arith.constant 0 : index
    %get3A_16 = arith.constant 0 : index
    %get3A_17 = vector.load %arg5[%get3A_15, %get3A_16] : memref<128x128xf32, #tpu.memory_space<vmem>>, vector<128x128xf32>
    %dot_general3A = arith.constant dense<0.000000e+00> : vector<1000x128xf32>
    %dot_general3A_18 = tpu.matmul %get3A_14, %get3A_17, %dot_general3A {dimension_numbers = #tpu.dot_dimension_numbers<[1], [0], [0], [1], [0, 0, 1, 1], [], []>, transpose_lhs_hint = false} : vector<1000x128xf32>, vector<128x128xf32>, vector<1000x128xf32> -> vector<1000x128xf32>
    %get3A_19 = arith.constant 0 : index
    %get3A_20 = arith.constant 0 : index
    %get3A_21 = vector.load %arg2[%get3A_19, %get3A_20] : memref<1000x128xf32, #tpu.memory_space<vmem>>, vector<1000x128xf32>
    %get3A_22 = arith.constant 0 : index
    %get3A_23 = arith.constant 0 : index
    %get3A_24 = vector.load %arg6[%get3A_22, %get3A_23] : memref<128x128xf32, #tpu.memory_space<vmem>>, vector<128x128xf32>
    %dot_general3A_25 = arith.constant dense<0.000000e+00> : vector<1000x128xf32>
    %dot_general3A_26 = tpu.matmul %get3A_21, %get3A_24, %dot_general3A_25 {dimension_numbers = #tpu.dot_dimension_numbers<[1], [0], [0], [1], [0, 0, 1, 1], [], []>, transpose_lhs_hint = false} : vector<1000x128xf32>, vector<128x128xf32>, vector<1000x128xf32> -> vector<1000x128xf32>
    %add3A_27 = arith.addf %dot_general3A_18, %dot_general3A_26 : vector<1000x128xf32>
    %get3A_28 = arith.constant 0 : index
    %get3A_29 = arith.constant 0 : index
    %get3A_30 = vector.load %arg7[%get3A_28, %get3A_29] : memref<128x128xf32, #tpu.memory_space<vmem>>, vector<128x128xf32>
    %dot_general3A_31 = arith.constant dense<0.000000e+00> : vector<1000x128xf32>
    %dot_general3A_32 = tpu.matmul %mul3A, %get3A_30, %dot_general3A_31 {dimension_numbers = #tpu.dot_dimension_numbers<[1], [0], [0], [1], [0, 0, 1, 1], [], []>, transpose_lhs_hint = false} : vector<1000x128xf32>, vector<128x128xf32>, vector<1000x128xf32> -> vector<1000x128xf32>
    %add3A_33 = arith.addf %add3A_27, %dot_general3A_32 : vector<1000x128xf32>
    %get3A_34 = arith.constant 0 : index
    %get3A_35 = arith.constant 0 : index
    %get3A_36 = vector.load %arg8[%get3A_34, %get3A_35] : memref<8x128xf32, #tpu.memory_space<vmem>>, vector<1x128xf32>
    %add3A_37 = vector.broadcast %get3A_36 : vector<1x128xf32> to vector<1000x128xf32>
    %add3A_38 = arith.addf %add3A_33, %add3A_37 : vector<1000x128xf32>
    %reduce_sum3A = arith.constant dense<0.000000e+00> : vector<1000xf32>
    %reduce_sum3A_39 = vector.multi_reduction <add>, %add3A_38, %reduce_sum3A [1] : vector<1000x128xf32> to vector<1000xf32>
    %broadcast_in_dim3A = vector.shape_cast %reduce_sum3A_39 : vector<1000xf32> to vector<1000x1xf32>
    %div3A = arith.constant 1.280000e+02 : f32
    %div3A_40 = vector.broadcast %div3A : f32 to vector<1000x1xf32>
    %div3A_41 = arith.divf %broadcast_in_dim3A, %div3A_40 : vector<1000x1xf32>
    %sub3A = vector.broadcast %div3A_41 : vector<1000x1xf32> to vector<1000x128xf32>
    %sub3A_42 = arith.subf %add3A_38, %sub3A : vector<1000x128xf32>
    %integer_pow3A = arith.mulf %sub3A_42, %sub3A_42 : vector<1000x128xf32>
    %reduce_sum3A_43 = arith.constant dense<0.000000e+00> : vector<1000xf32>
    %reduce_sum3A_44 = vector.multi_reduction <add>, %integer_pow3A, %reduce_sum3A_43 [1] : vector<1000x128xf32> to vector<1000xf32>
    %broadcast_in_dim3A_45 = vector.shape_cast %reduce_sum3A_44 : vector<1000xf32> to vector<1000x1xf32>
    %div3A_46 = arith.constant 1.280000e+02 : f32
    %div3A_47 = vector.broadcast %div3A_46 : f32 to vector<1000x1xf32>
    %div3A_48 = arith.divf %broadcast_in_dim3A_45, %div3A_47 : vector<1000x1xf32>
    %sub3A_49 = vector.broadcast %div3A_41 : vector<1000x1xf32> to vector<1000x128xf32>
    %sub3A_50 = arith.subf %add3A_38, %sub3A_49 : vector<1000x128xf32>
    %add3A_51 = arith.constant 9.99999974E-6 : f32
    %add3A_52 = vector.broadcast %add3A_51 : f32 to vector<1000x1xf32>
    %add3A_53 = arith.addf %div3A_48, %add3A_52 : vector<1000x1xf32>
    %sqrt3A = math.sqrt %add3A_53 : vector<1000x1xf32>
    %div3A_54 = vector.broadcast %sqrt3A : vector<1000x1xf32> to vector<1000x128xf32>
    %div3A_55 = arith.divf %sub3A_50, %div3A_54 : vector<1000x128xf32>
    %get3A_56 = arith.constant 1 : index
    %get3A_57 = arith.constant 0 : index
    %get3A_58 = vector.load %arg8[%get3A_56, %get3A_57] : memref<8x128xf32, #tpu.memory_space<vmem>>, vector<1x128xf32>
    %mul3A_59 = vector.broadcast %get3A_58 : vector<1x128xf32> to vector<1000x128xf32>
    %mul3A_60 = arith.mulf %div3A_55, %mul3A_59 : vector<1000x128xf32>
    %get3A_61 = arith.constant 2 : index
    %get3A_62 = arith.constant 0 : index
    %get3A_63 = vector.load %arg8[%get3A_61, %get3A_62] : memref<8x128xf32, #tpu.memory_space<vmem>>, vector<1x128xf32>
    %add3A_64 = vector.broadcast %get3A_63 : vector<1x128xf32> to vector<1000x128xf32>
    %add3A_65 = arith.addf %mul3A_60, %add3A_64 : vector<1000x128xf32>
    %swap3A = arith.constant 0 : index
    %swap3A_66 = arith.constant 0 : index
    %swap3A_67 = vector.load %arg9[%swap3A, %swap3A_66] : memref<1000x128xf32, #tpu.memory_space<vmem>>, vector<1000x128xf32>
    tpu.vector_store %arg9[%swap3A, %swap3A_66], %add3A_65 {strides = array<i32>} : memref<1000x128xf32, #tpu.memory_space<vmem>>, vector<1000x128xf32>,
    return
  }
  func.func @transform_0(%arg0: i32) -> (i32, i32) {
    %c0_i32 = arith.constant 0 : i32
    %c0_i32_0 = arith.constant 0 : i32
    return %arg0, %c0_i32 : i32, i32
  }
  func.func @transform_1(%arg0: i32) -> (i32, i32) {
    %c0_i32 = arith.constant 0 : i32
    %c0_i32_0 = arith.constant 0 : i32
    return %arg0, %c0_i32 : i32, i32
  }
  func.func @transform_2(%arg0: i32) -> (i32, i32, i32) {
    %c0_i32 = arith.constant 0 : i32
    %c0_i32_0 = arith.constant 0 : i32
    %c0_i32_1 = arith.constant 0 : i32
    return %c0_i32, %arg0, %c0_i32_0 : i32, i32, i32
  }
  func.func @transform_3(%arg0: i32) -> (i32, i32) {
    %c0_i32 = arith.constant 0 : i32
    %c0_i32_0 = arith.constant 0 : i32
    return %arg0, %c0_i32 : i32, i32
  }
  func.func @transform_4(%arg0: i32) -> (i32, i32) {
    %c0_i32 = arith.constant 0 : i32
    %c0_i32_0 = arith.constant 0 : i32
    %c0_i32_1 = arith.constant 0 : i32
    return %c0_i32, %c0_i32_0 : i32, i32
  }
  func.func @transform_5(%arg0: i32) -> (i32, i32) {
    %c0_i32 = arith.constant 0 : i32
    %c0_i32_0 = arith.constant 0 : i32
    %c0_i32_1 = arith.constant 0 : i32
    return %c0_i32, %c0_i32_0 : i32, i32
  }
  func.func @transform_6(%arg0: i32) -> (i32, i32) {
    %c0_i32 = arith.constant 0 : i32
    %c0_i32_0 = arith.constant 0 : i32
    %c0_i32_1 = arith.constant 0 : i32
    return %c0_i32, %c0_i32_0 : i32, i32
  }
  func.func @transform_7(%arg0: i32) -> (i32, i32) {
    %c0_i32 = arith.constant 0 : i32
    %c0_i32_0 = arith.constant 0 : i32
    %c0_i32_1 = arith.constant 0 : i32
    return %c0_i32, %c0_i32_0 : i32, i32
  }
  func.func @transform_8(%arg0: i32) -> (i32, i32) {
    %c0_i32 = arith.constant 0 : i32
    %c0_i32_0 = arith.constant 0 : i32
    return %arg0, %c0_i32 : i32, i32
  }
}

</mosaic_0001>

<sc_bundles>
// kernel: kernel.11.cloned.1.call-start
scs
__scs_entry_jumppad:
0x0: {  	(pc) =	sbr.rel $0x88, $3  }
0x1: {  	(tag) =	ssettag $0x0;
	lr =	simm.s32 $0x1  }
0x2: {  	[smem:$0x3F9B] =	sst lr;
	_ =	strace $0xD0000000  }
0x3: {  	_ = 	snop  }
0x4: {  	_ = 	snop  }
0x5: {  	_ = 	snop  }
0x6: {  	_ = 	snop  }
0x7: {  	_ = 	snop  }
__scs_overlays_trampoline_lowered:
0x8: {  	[smem:$0x3FAA] =	sst s0  }
0x9: {  	[smem:$0x3FAB] =	sst s1  }
0xa: {  	[smem:$0x3FAC] =	sst s2  }
0xb: {  	[smem:$0x3FAD] =	sst s3  }
0xc: {  	[smem:$0x3FAE] =	sst s4  }
0xd: {  	[smem:$0x3FAF] =	sst s5  }
0xe: {  	[smem:$0x3FB0] =	sst s6  }
0xf: {  	[smem:$0x3FB1] =	sst s7  }
0x10: {  	[smem:$0x3FB2] =	sst s8  }
0x11: {  	[smem:$0x3FB3] =	sst s9;
	s0 =	simm.s32 @!p0 $0x0  }
0x12: {  	s1 =	sld [smem:$0x3F99];
	s0 =	simm.s32 @p0 $0x1  }
0x13: {  	[smem:$0x3FB4] =	sst s0;
	s0 =	simm.s32 @!p1 $0x0  }
0x14: {  	s2 =	sld [smem:$0x3F98];
	s0 =	simm.s32 @p1 $0x1  }
0x15: {  	[smem:$0x3FB5] =	sst s0;
	s0 =	simm.s32 @!p2 $0x0  }
0x16: {  	s3 =	sld [smem:$0x3FDB];
	s0 =	simm.s32 @p2 $0x1  }
0x17: {  	s4 =	simm.s32 $0x1BF5;
	[smem:$0x3FB7] =	sst s0  }
0x18: {  	s0 =	sld [smem:$0x3F9A];
	_ =	swait.ge [sflag:s4], $0x0  }
0x19: {  	s7 =	sld [smem:$0x3F9B]  }
0x1a: {  	s8 =	sadd.s32 $0xFFFFE003, lr  }
0x1b: {  	s9 =	sadd.s32 $0xFFFFFEF7, lr;
	s5 =	simm.s32 $0xFFFFFFFF;
	p2 =	slt.u32 s8, $0xFFFFF086  }
0x1c: {  	p1 =	slt.u32 s9, $0xF7A;
	s5 =	simm.s32 @!p2 $0x0  }
0x1d: {  	s5 =	simm.s32 @p1 $0x1;
	p0 =	seq.s32 s7, s2  }
0x1e: {  	s7 =	smul.u32 @!p0 $0xF7A, s2;
	p2 =	seq.s32 @!p0 s5, $0x0  }
0x1f: {  	s9 =	smul.u32 $0xF7A, s1;
	s8 =	simm.s32 @!p0 $0x1BF5;
	p2 =	por !p2, p0  }
0x20: {  	[sflag:s8] =	ssyncset.s32 @!p0 $0xFFFFF086;
	s6 =	sadd.s32 @!p0 s3, s7;
	s7 =	simm.s32 @!p0 $0x108  }
0x21: {  	s3 =	sadd.s32 s3, s9;
	s6 =	sadd.s32 @!p0 $0x88, s6;
	s7 =	simm.s32 @p2 $0x1082  }
0x22: {  	[simem:s7], [sflag:s8] =	dma.local @!p0 [hbm:s6], $0xF7A  }
0x23: {  	s9 =	sor.u32 $0xD0000000, s2;
	s6 =	simm.s32 $0x108;
	_ =	swait.ge @!p0 [sflag:s8], $0x0  }
0x24: {  	s3 =	sadd.s32 $0x88, s3;
	s6 =	simm.s32 @!p1 $0x1082;
	[sflag:s4] =	ssyncset.s32 $0xFFFFF086  }
0x25: {  	[simem:s6], [sflag:s4] =	dma.local [hbm:s3], $0xF7A  }
0x26: {  	[smem:$0x3F9B] =	sst s1;
	(tag) =	ssettag s2;
	_ =	strace s9  }
0x27: {  	s1 =	sld [smem:$0x3FAB]  }
0x28: {  	s2 =	sld [smem:$0x3FAC]  }
0x29: {  	s4 =	sld [smem:$0x3FAE]  }
0x2a: {  	p0 =	seq.s32 s5, $0x0;
	s5 =	sld [smem:$0x3FAF]  }
0x2b: {  	s6 =	sld [smem:$0x3FB0]  }
0x2c: {  	s7 =	sld [smem:$0x3FB1]  }
0x2d: {  	s3 =	simm.s32 $0x108;
	s8 =	sld [smem:$0x3FB2]  }
0x2e: {  	s3 =	simm.s32 @!p0 $0x1082;
	s9 =	sld [smem:$0x3FB3]  }
0x2f: {  	lr =	sadd.s32 s0, s3;
	s0 =	sld [smem:$0x3FAA]  }
0x30: {  	s3 =	sld [smem:$0x3FAD]  }
0x31: {  	[smem:$0x3FB6] =	sst s10  }
0x32: {  	s10 =	sld [smem:$0x3FB4];
	_ =	sdelay $0x3  }
0x33: {  	p0 =	seq.s32 s10, $0x1;
	s10 =	sld [smem:$0x3FB6];
	_ =	sdelay $0x3  }
0x34: {  	[smem:$0x3FB6] =	sst s10  }
0x35: {  	s10 =	sld [smem:$0x3FB5];
	_ =	sdelay $0x3  }
0x36: {  	p1 =	seq.s32 s10, $0x1;
	s10 =	sld [smem:$0x3FB6];
	_ =	sdelay $0x3  }
0x37: {  	[smem:$0x3FB6] =	sst s10  }
0x38: {  	s10 =	sld [smem:$0x3FB7]  }
0x39: {  	_ = 	snop;
	(pc) =	sbr.ind lr, $3  }
0x3a: {  	_ = 	snop  }
0x3b: {  	_ = 	snop  }
0x3c: {  	p2 =	seq.s32 s10, $0x1;
	s10 =	sld [smem:$0x3FB6]  }
0x3d: {  	_ =	shalt  }
0x3e: {  	_ =	shalt  }
0x3f: {  	_ =	shalt  }
0x40: {  	_ =	shalt  }
0x41: {  	_ =	shalt  }
0x42: {  	_ =	shalt  }
0x43: {  	_ =	shalt  }
0x44: {  	_ =	shalt  }
0x45: {  	_ =	shalt  }
0x46: {  	_ =	shalt  }
0x47: {  	_ =	shalt  }
0x48: {  	_ =	shalt  }
0x49: {  	_ =	shalt  }
0x4a: {  	_ =	shalt  }
0x4b: {  	_ =	shalt  }
0x4c: {  	_ =	shalt  }
0x4d: {  	_ =	shalt  }
0x4e: {  	_ =	shalt  }
0x4f: {  	_ =	shalt  }
0x50: {  	_ =	shalt  }
0x51: {  	_ =	shalt  }
0x52: {  	_ =	shalt  }
0x53: {  	_ =	shalt  }
0x54: {  	_ =	shalt  }
0x55: {  	_ =	shalt  }
0x56: {  	_ =	shalt  }
0x57: {  	_ =	shalt  }
0x58: {  	_ =	shalt  }
0x59: {  	_ =	shalt  }
0x5a: {  	_ =	shalt  }
0x5b: {  	_ =	shalt  }
0x5c: {  	_ =	shalt  }
0x5d: {  	_ =	shalt  }
0x5e: {  	_ =	shalt  }
0x5f: {  	_ =	shalt  }
0x60: {  	_ =	shalt  }
0x61: {  	_ =	shalt  }
0x62: {  	_ =	shalt  }
0x63: {  	_ =	shalt  }
0x64: {  	_ =	shalt  }
0x65: {  	_ =	shalt  }
0x66: {  	_ =	shalt  }
0x67: {  	_ =	shalt  }
0x68: {  	_ =	shalt  }
0x69: {  	_ =	shalt  }
0x6a: {  	_ =	shalt  }
0x6b: {  	_ =	shalt  }
0x6c: {  	_ =	shalt  }
0x6d: {  	_ =	shalt  }
0x6e: {  	_ =	shalt  }
0x6f: {  	_ =	shalt  }
0x70: {  	_ =	shalt  }
0x71: {  	_ =	shalt  }
0x72: {  	_ =	shalt  }
0x73: {  	_ =	shalt  }
0x74: {  	_ =	shalt  }
0x75: {  	_ =	shalt  }
0x76: {  	_ =	shalt  }
0x77: {  	_ =	shalt  }
0x78: {  	_ =	shalt  }
0x79: {  	_ =	shalt  }
0x7a: {  	_ =	shalt  }
0x7b: {  	_ =	shalt  }
0x7c: {  	_ =	shalt  }
0x7d: {  	_ =	shalt  }
0x7e: {  	_ =	shalt  }
0x7f: {  	_ =	shalt  }
0x80: {  	_ =	shalt  }
0x81: {  	_ =	shalt  }
0x82: {  	_ =	shalt  }
0x83: {  	_ =	shalt  }
0x84: {  	_ =	shalt  }
0x85: {  	_ =	shalt  }
0x86: {  	_ =	shalt  }
0x87: {  	_ =	shalt  }
.Lfunc_end0:
.L_simem_size_0:
called_computation.1_lowered:
.L_overlay_start_0:
0x88: {  	s2 =	sld [smem:$0x3FD9]  }
0x89: {  	s3 =	sld [smem:$0x3FFE];
	_ =	sdelay $0x1  }
0x8a: {  	s1 =	srdreg.scid  }
0x8b: {  	s0 =	sand.u32 $0x1, s1  }
0x8c: {  	s16 =	sshll.u32 s0, $0xA;
	s2 =	sadd.s32 s3, s2  }
0x8d: {  	s2 =	sadd.s32 s2, s16  }
0x8e: {  	[smem:$0x3FC2] =	sst s2  }
0x8f: {  	_ = 	snop  }
0x90: {  	(tm) =	ssettm $0x1  }
0x91: {  	s17 =	sld [smem:$0x3FFB];
	_ =	sdelay $0x3  }
0x92: {  	_ =	strace s17  }
0x93: {  	s2 =	sld [smem:$0x3FFC];
	_ =	sdelay $0x3  }
0x94: {  	_ =	strace s2  }
0x95: {  	s2 =	sld [smem:$0x3FFD];
	_ =	sdelay $0x3  }
0x96: {  	_ =	strace s2  }
0x97: {  	_ =	strace $0x8FFFFFFF  }
0x98: {  	s18 =	sld [smem:$0x3FDB];
	_ =	sdelay $0x1  }
0x99: {  	s19 =	simm.s32 $_scs_section_size  }
0x9a: {  	s4 =	simm.s32 $_size__tile_overlayer_lowered;
	s5 =	simm.s32 $_tile_overlayer_lowered  }
0x9b: {  	s22 =	simm.s32 $0x1BFF;
	s21 =	sshll.u32 s5, $0x1;
	s2 =	sadd.s32 s19, s18  }
0x9c: {  	s6 =	simm.s32 $0x0;
	s20 =	sshll.u32 s4, $0x1;
	s4 =	sadd.s32 s21, s2  }
0x9d: {  	[timem:s6], [sflag:s22] =	dma.local [hbm:s4], s20  }
0x9e: {  	_ =	swait.ge [sflag:s22], s20  }
0x9f: {  	s3 =	ssub.s32 $0x0, s20;
	[sflag:s22] =	ssyncset.done $0x0  }
0xa0: {  	[sflag:s22] =	ssyncadd.s32 s3;
	_ =	sdelay $0x1  }
0xa1: {  	s23 =	simm.s32 $0x1B8B  }
0xa2: {  	_ =	swait.ge [sflag:s23], $0x1  }
0xa3: {  	[sflag:s23] =	ssyncset.done $0x0  }
0xa4: {  	s25 =	simm.s32 $0x1B8E;
	s24 =	sld [smem:$0x3FFE];
	[sflag:s23] =	ssyncadd.s32 $0xFFFFFFFF  }
0xa5: {  	s26 =	simm.s32 $execute0_lowered;
	[smem:$0x3FD2] =	sst s25  }
0xa6: {  	s4 =	sshll.u32 s26, $0x1;
	_ =	strace $0x80000049;
	[dreg:$0x1] =	wrdreg $0xFFFFFFFF  }
0xa7: {  	s28 =	simm.s32 $_size_execute0_lowered;
	s2 =	sadd.s32 s2, s4;
	[dreg:$0x0] =	wrdreg $0x0  }
0xa8: {  	s4 =	sshll.u32 s28, $0x1;
	[dreg:$0x2] =	wrdreg s2  }
0xa9: {  	[dreg:$0x3] =	wrdreg s4  }
0xaa: {  	[dreg:$0x4] =	wrdreg $0xC0  }
0xab: {  	_ =	task [dreg:s6], $0x5FFFF  }
0xac: {  	[dreg:$0x1] =	wrdreg $0xFFFFFFFF  }
0xad: {  	[dreg:$0x0] =	wrdreg $0x60  }
0xae: {  	[dreg:$0x2] =	wrdreg s24  }
0xaf: {  	[dreg:$0x3] =	wrdreg $0x80000  }
0xb0: {  	[dreg:$0x4] =	wrdreg $0x9  }
0xb1: {  	_ =	task.clear_ibuf [dreg:s6], $0x5FFFF;
	_ =	strace $0x90000049  }
0xb2: {  	s29 =	simm.s32 $0x9;
	_ =	strace $0x8000004B  }
0xb3: {  	_ =	swait.ge [sflag:s29], $0x1  }
0xb4: {  	[sflag:s29] =	ssyncadd.s32 $0xFFFFFFFF  }
0xb5: {  	_ =	strace $0x9000004B  }
0xb6: {  	_ =	sfence  }
0xb7: {  	s30 =	sld [smem:$0x0];
	_ =	sdelay $0x2  }
0xb8: {  	s31 =	sshll.u32 s1, $0xD;
	s1 =	sshrl.u32 s1, $0x2  }
0xb9: {  	s3 =	sand.u32 $0x4000, s31;
	s1 =	sadd.s32 s1, s30  }
0xba: {  	s0 =	sor.u32 s3, s0;
	s1 =	sshll.u32 s1, $0x11  }
0xbb: {  	s0 =	sor.u32 s1, s0  }
0xbc: {  	s0 =	sadd.s32 $0x8F2B, s0  }
0xbd: {  	[sflag:s0] =	ssyncadd.remote.s32 $0x1  }
0xbe: {  	_ =	sfence.sel $0xFFFF  }
0xbf: {  	[dreg:$0x0] =	wrdreg $0xFFFFFFFF;
	(pc) =	sbr.abs _section_cstart, $3  }
0xc0: {  	[dreg:$0x1] =	wrdreg $0xFFFFFFFF  }
0xc1: {  	_ =	task.clear_ibuf [dreg:s6], $0x2FFFF;
	_ =	strace $0x9FFFFFFF  }
0xc2: {  	(tm) =	ssettm $0x7FFFFFFF  }
0xc3: {  	_ =	shalt  }
tec
execute0_lowered:
.L_overlay_start_1:
0x0: {  	(tag) =	ssettag $0x1  }
0x1: {  	s1 =	srdreg.scid;
	s0 =	rddreg [dreg:$0x0]  }
0x2: {  	s17 =	stileid.u32;
	s21 =	rddreg [dreg:$0x1]  }
0x3: {  	s31 =	simm.s32 $0x1C000;
	s30 =	simm.s32 $0x4;
	s2 =	sand.u32 $0x1, s1  }
0x4: {  	s1 =	simm.s32 $0x0;
	s5 =	sadd.s32 $0xCC00, s0;
	s7 =	sadd.s32 $0x16C00, s0  }
0x5: {  	s8 =	sadd.s32 $0x48C00, s0;
	s14 =	smul.u32 $0x14000, s17;
	s3 =	sshll.u32 s2, $0x4  }
0x6: {  	s23 =	sadd.s32 $0x20C00, s0;
	s16 =	smul.u32 $0x140000, s2;
	s3 =	sor.u32 s17, s3  }
0x7: {  	s0 =	simm.s32 $0x1C080;
	s4 =	ssub.s32 $0x2, s2;
	s3 =	smul.u32 $0x500, s3  }
0x8: {  	[smem:$0x7FF] =	sst s1;
	s2 =	smul.u32 $0x500, s2;
	s6 =	sshrl.u32 s4, $0x1  }
0x9: {  	s18 =	sadd.s32 $0x4000, s14;
	s4 =	ssub.s32 s4, s6;
	s9 =	sadd.s32 s5, s3  }
0xa: {  	s10 =	sadd.s32 s7, s3;
	s11 =	sor.u32 $0x10, s3;
	[dreg:$0x3] =	wrdreg s9  }
0xb: {  	s12 =	sor.u32 $0x20, s3;
	[dreg:$0x4] =	wrdreg s10;
	s9 =	sadd.s32 s5, s11  }
0xc: {  	s3 =	sor.u32 $0x30, s3;
	s6 =	sadd.s32 s7, s11;
	[dreg:$0x5] =	wrdreg s9  }
0xd: {  	s13 =	sadd.s32 s5, s12;
	s15 =	sadd.s32 s5, s3;
	[dreg:$0x6] =	wrdreg s6  }
0xe: {  	s3 =	sadd.s32 s7, s3;
	s10 =	sadd.s32 $0x8000, s14;
	[dreg:$0x7] =	wrdreg s13  }
0xf: {  	s11 =	sadd.s32 $0xC000, s14;
	s6 =	sadd.s32 s7, s12;
	[dreg:$0x9] =	wrdreg s15  }
0x10: {  	[dreg:$0xa] =	wrdreg s3;
	s12 =	sadd.s32 $0x10000, s14;
	s9 =	sadd.s32 s14, s16  }
0x11: {  	s13 =	sadd.s32 s16, s18;
	s14 =	sadd.s32 s16, s10;
	s15 =	smul.u32 $0x50, s17  }
0x12: {  	s26 =	sadd.s32 s16, s11;
	s18 =	sadd.s32 s18, s21;
	s3 =	simm.s32 $0x1C100  }
0x13: {  	[dreg:$0x8] =	wrdreg s6;
	s9 =	sshrl.u32 s9, $0x3;
	s13 =	sshrl.u32 s13, $0x3  }
0x14: {  	s25 =	sshrl.u32 s14, $0x3;
	s6 =	sadd.s32 s16, s12;
	s9 =	sadd.s32 s8, s9  }
0x15: {  	s24 =	sadd.s32 s8, s13;
	s2 =	sadd.s32 s15, s2;
	[dreg:$0xb] =	wrdreg s9  }
0x16: {  	s6 =	sshrl.u32 s6, $0x3;
	[dreg:$0xc] =	wrdreg s24;
	s9 =	sadd.s32 s8, s25  }
0x17: {  	s2 =	sshll.u32 s2, $0x4;
	s6 =	sadd.s32 s8, s6;
	s24 =	sadd.s32 s10, s21  }
0x18: {  	s25 =	sadd.s32 s11, s21;
	s10 =	simm.s32 $0x1;
	s11 =	simm.s32 $0x6  }
0x19: {  	[dreg:$0xd] =	wrdreg s9;
	s9 =	sshrl.u32 s26, $0x3;
	s28 =	sor.u32 $0x60, s2  }
0x1a: {  	[dreg:$0xf] =	wrdreg s6;
	s13 =	sor.u32 $0x40, s2;
	s19 =	sadd.s32 s2, s7  }
0x1b: {  	s26 =	sadd.s32 s12, s21;
	s6 =	simm.s32 $0x1C380;
	s12 =	simm.s32 $0x4000  }
0x1c: {  	s9 =	sadd.s32 s8, s9;
	s15 =	sadd.s32 s28, s5;
	s16 =	sadd.s32 s28, s7  }
0x1d: {  	s20 =	sadd.s32 s13, s5;
	s22 =	sadd.s32 s13, s7;
	s28 =	smax.u32 s4, $0x1  }
0x1e: {  	s4 =	simm.s32 $0x1C300;
	s7 =	simm.s32 $0x2;
	[dreg:$0xe] =	wrdreg s9  }
0x1f: {  	s8 =	simm.s32 $0x5;
	_ =	strace $0x8000004A;
	[dreg:$0x11] =	wrdreg s18  }
0x20: {  	s13 =	simm.s32 $0x3;
	s9 =	smul.u32 $0x50000, s17;
	[dreg:$0x12] =	wrdreg s24  }
.Ltmp0:
0x21: {  	s17 =	sadd.s32 s2, s5;
	[dreg:$0x13] =	wrdreg s25;
	(pc) =	sbr.rel .LBB2_1-.Ltmp0, $4  }
0x22: {  	s2 =	simm.s32 $0x1C280;
	s5 =	simm.s32 $0x1C180;
	[dreg:$0x14] =	wrdreg s26  }
0x23: {  	[dreg:$0x15] =	wrdreg s28;
	s18 =	simm.s32 $0x1C200;
	s14 =	sshrl.u32 s9, $0x2  }
0x24: {  	s24 =	simm.s32 $0x8;
	s26 =	simm.s32 $0x0;
	s29 =	sadd.s32 s14, s21  }
0x25: {  	v0 =	vimm.f32 $0.0e+00;
	s9 =	simm.s32 $0x80;
	s14 =	simm.s32 $0x7;
	[dreg:$0x10] =	wrdreg s29  }
.LBB2_6:
0x26: {  	[spmem:s21] =	stream.indirect.scatter.add.f32 [tilespmem:s12], [sflag:$0x4], $0x80, s6, s9, $0xb8;
	[tilespmem:$0x1C400] =	vst v63  }
0x27: {  	_ =	swait.ge [sflag:s30], $0x4000  }
0x28: {  	[sflag:s30] =	ssyncset.done $0x0  }
0x29: {  	[sflag:s30] =	ssyncadd.s32 $0xFFFFC000  }
0x2a: {  	[bflag:$0x0] =	sbarrier.arrive $0xFFFF  }
0x2b: {  	s29 =	rddreg [dreg:$0x10]  }
0x2c: {  	[tilespmem:s1], [sflag:$0x1] =	stream.linear.gather [spmem:s29], $0x4000, $0x38;
	[tilespmem:$0x1C400] =	vst v63  }
0x2d: {  	_ =	swait.ge [sflag:s10], $0x4000  }
0x2e: {  	[sflag:s10] =	ssyncset.done $0x0  }
0x2f: {  	s25 =	rddreg [dreg:$0x11];
	[sflag:s10] =	ssyncadd.s32 $0xFFFFC000  }
0x30: {  	[tilespmem:s12], [sflag:$0x2] =	stream.linear.gather [spmem:s25], $0x4000, $0x38;
	[tilespmem:$0x1C400] =	vst v63  }
0x31: {  	s28 =	rddreg [dreg:$0xb]  }
0x32: {  	[hbm4b:s28+s1] =	stream.linear.scatter [tilespmem:s1], [sflag:$0x1], $0x4000, $0x38;
	[tilespmem:$0x1C400] =	vst v63  }
0x33: {  	_ =	swait.ge [sflag:s10], $0x4000  }
0x34: {  	[sflag:s10] =	ssyncset.done $0x0  }
0x35: {  	[sflag:s10] =	ssyncadd.s32 $0xFFFFC000  }
0x36: {  	_ =	swait.ge [sflag:s7], $0x4000  }
0x37: {  	[sflag:s7] =	ssyncset.done $0x0  }
0x38: {  	s26 =	rddreg [dreg:$0x12];
	[sflag:s7] =	ssyncadd.s32 $0xFFFFC000  }
0x39: {  	[tilespmem:s1], [sflag:$0x1] =	stream.linear.gather [spmem:s26], $0x4000, $0x38;
	[tilespmem:$0x1C400] =	vst v63  }
0x3a: {  	s28 =	rddreg [dreg:$0xc]  }
0x3b: {  	[hbm4b:s28+s1] =	stream.linear.scatter [tilespmem:s12], [sflag:$0x2], $0x4000, $0x38;
	[tilespmem:$0x1C400] =	vst v63  }
0x3c: {  	_ =	swait.ge [sflag:s7], $0x4000  }
0x3d: {  	[sflag:s7] =	ssyncset.done $0x0  }
0x3e: {  	[sflag:s7] =	ssyncadd.s32 $0xFFFFC000  }
0x3f: {  	_ =	swait.ge [sflag:s10], $0x4000  }
0x40: {  	[sflag:s10] =	ssyncset.done $0x0  }
0x41: {  	s26 =	rddreg [dreg:$0x13];
	[sflag:s10] =	ssyncadd.s32 $0xFFFFC000  }
0x42: {  	[tilespmem:s12], [sflag:$0x2] =	stream.linear.gather [spmem:s26], $0x4000, $0x38;
	[tilespmem:$0x1C400] =	vst v63  }
0x43: {  	s28 =	rddreg [dreg:$0xd]  }
0x44: {  	[hbm4b:s28+s1] =	stream.linear.scatter [tilespmem:s1], [sflag:$0x1], $0x4000, $0x38;
	[tilespmem:$0x1C400] =	vst v63  }
0x45: {  	_ =	swait.ge [sflag:s10], $0x4000  }
0x46: {  	[sflag:s10] =	ssyncset.done $0x0  }
0x47: {  	[sflag:s10] =	ssyncadd.s32 $0xFFFFC000  }
0x48: {  	_ =	swait.ge [sflag:s7], $0x4000  }
0x49: {  	[sflag:s7] =	ssyncset.done $0x0  }
0x4a: {  	s26 =	rddreg [dreg:$0x14];
	[sflag:s7] =	ssyncadd.s32 $0xFFFFC000  }
0x4b: {  	[tilespmem:s1], [sflag:$0x1] =	stream.linear.gather [spmem:s26], $0x4000, $0x38;
	[tilespmem:$0x1C400] =	vst v63  }
0x4c: {  	s28 =	rddreg [dreg:$0xe]  }
0x4d: {  	[hbm4b:s28+s1] =	stream.linear.scatter [tilespmem:s12], [sflag:$0x2], $0x4000, $0x38;
	[tilespmem:$0x1C400] =	vst v63  }
0x4e: {  	_ =	swait.ge [sflag:s7], $0x4000  }
0x4f: {  	[sflag:s7] =	ssyncset.done $0x0  }
0x50: {  	[sflag:s7] =	ssyncadd.s32 $0xFFFFC000  }
0x51: {  	_ =	swait.ge [sflag:s10], $0x4000  }
0x52: {  	[sflag:s10] =	ssyncset.done $0x0  }
0x53: {  	s26 =	rddreg [dreg:$0xf];
	[sflag:s10] =	ssyncadd.s32 $0xFFFFC000  }
0x54: {  	[hbm4b:s26+s1] =	stream.linear.scatter [tilespmem:s1], [sflag:$0x1], $0x4000, $0x38;
	[tilespmem:$0x1C400] =	vst v63  }
0x55: {  	_ =	swait.ge [sflag:s10], $0x4000  }
0x56: {  	s26 =	rddreg [dreg:$0x16]  }
0x57: {  	s28 =	rddreg [dreg:$0x15];
	s26 =	sadd.s32 $0x1, s26  }
0x58: {  	p0 =	sne.s32 s26, s28  }
.Ltmp1:
0x59: {  	_ = 	snop;
	(pc) =	sbr.rel @!p0 .LBB2_7-.Ltmp1, $3  }
0x5a: {  	_ =	sdelay $0x1  }
0x5b: {  	[sflag:s10] =	ssyncset.done $0x0  }
0x5c: {  	[sflag:s10] =	ssyncadd.s32 $0xFFFFC000  }
.LBB2_1:
0x5d: {  	[dreg:$0x16] =	wrdreg s26  }
0x5e: {  	s25 =	rddreg [dreg:$0x3]  }
0x5f: {  	[tilespmem:s31], [sflag:$0x5] =	stream.linear.gather [hbm4b:s25+s1], $0x80, $0x38;
	[tilespmem:$0x1C400] =	vst v63  }
0x60: {  	s26 =	rddreg [dreg:$0x4]  }
0x61: {  	[tilespmem:s18], [sflag:$0x5] =	stream.linear.gather [hbm4b:s26+s1], $0x80, $0x38;
	[tilespmem:$0x1C400] =	vst v63  }
0x62: {  	s26 =	rddreg [dreg:$0x5]  }
0x63: {  	[tilespmem:s0], [sflag:$0x6] =	stream.linear.gather [hbm4b:s26+s1], $0x80, $0x38;
	[tilespmem:$0x1C400] =	vst v63  }
0x64: {  	s26 =	rddreg [dreg:$0x6]  }
0x65: {  	[tilespmem:s2], [sflag:$0x6] =	stream.linear.gather [hbm4b:s26+s1], $0x80, $0x38;
	[tilespmem:$0x1C400] =	vst v63  }
0x66: {  	s26 =	rddreg [dreg:$0x7]  }
0x67: {  	[tilespmem:s3], [sflag:$0x7] =	stream.linear.gather [hbm4b:s26+s1], $0x80, $0x38;
	[tilespmem:$0x1C400] =	vst v63  }
0x68: {  	s26 =	rddreg [dreg:$0x8]  }
0x69: {  	[tilespmem:s4], [sflag:$0x7] =	stream.linear.gather [hbm4b:s26+s1], $0x80, $0x38;
	[tilespmem:$0x1C400] =	vst v63  }
0x6a: {  	s26 =	rddreg [dreg:$0x9]  }
0x6b: {  	[tilespmem:s5], [sflag:$0x8] =	stream.linear.gather [hbm4b:s26+s1], $0x80, $0x38;
	[tilespmem:$0x1C400] =	vst v63  }
0x6c: {  	s26 =	rddreg [dreg:$0xa]  }
0x6d: {  	[tilespmem:s6], [sflag:$0x8] =	stream.linear.gather [hbm4b:s26+s1], $0x80, $0x38;
	[tilespmem:$0x1C400] =	vst v63  }
0x6e: {  	s28 =	simm.s32 $0x200;
	s26 =	simm.s32 $0x0  }
.LBB2_2:
0x6f: {  	p0 =	sne.s32 s28, $0xFE00;
	[tilespmem:s26+$0x70] =	vst v0  }
0x70: {  	[tilespmem:s26+$0x0] =	vst v0  }
0x71: {  	[tilespmem:s26+$0x10] =	vst v0  }
.Ltmp2:
0x72: {  	[tilespmem:s26+$0x20] =	vst v0;
	(pc) =	sbr.rel @p0 .LBB2_2-.Ltmp2, $4  }
0x73: {  	[tilespmem:s26+$0x30] =	vst v0  }
0x74: {  	[tilespmem:s26+$0x40] =	vst v0  }
0x75: {  	[tilespmem:s26+$0x50] =	vst v0  }
0x76: {  	[tilespmem:s26+$0x60] =	vst v0;
	s26 =	sshra.s32 s28, $0x2;
	s28 =	sadd.s32 $0x200, s28  }
0x77: {  	[tilespmem:s26+$0x70] =	vst v0  }
0x78: {  	[tilespmem:s26+$0x0] =	vst v0  }
0x79: {  	[tilespmem:s26+$0x10] =	vst v0  }
0x7a: {  	[tilespmem:s26+$0x20] =	vst v0  }
0x7b: {  	[tilespmem:s26+$0x30] =	vst v0  }
0x7c: {  	[tilespmem:s26+$0x40] =	vst v0  }
0x7d: {  	[tilespmem:s26+$0x50] =	vst v0  }
0x7e: {  	[tilespmem:s26+$0x60] =	vst v0;
	s26 =	simm.s32 $0x0  }
0x7f: {  	[spmem:s29] =	stream.linear.scatter [tilespmem:s26], [sflag:$0x2], $0x4000, $0x38;
	[tilespmem:$0x1C400] =	vst v63  }
0x80: {  	s25 =	rddreg [dreg:$0x11]  }
0x81: {  	[spmem:s25] =	stream.linear.scatter [tilespmem:s26], [sflag:$0x2], $0x4000, $0x38;
	[tilespmem:$0x1C400] =	vst v63  }
0x82: {  	s29 =	rddreg [dreg:$0x12]  }
0x83: {  	[spmem:s29] =	stream.linear.scatter [tilespmem:s26], [sflag:$0x2], $0x4000, $0x38;
	[tilespmem:$0x1C400] =	vst v63  }
0x84: {  	s28 =	rddreg [dreg:$0x13]  }
0x85: {  	[spmem:s28] =	stream.linear.scatter [tilespmem:s26], [sflag:$0x2], $0x4000, $0x38;
	[tilespmem:$0x1C400] =	vst v63  }
0x86: {  	s29 =	rddreg [dreg:$0x14]  }
0x87: {  	[spmem:s29] =	stream.linear.scatter [tilespmem:s26], [sflag:$0x2], $0x4000, $0x38;
	[tilespmem:$0x1C400] =	vst v63  }
0x88: {  	_ =	swait.ge [sflag:s7], $0x4000  }
0x89: {  	[sflag:s7] =	ssyncset.done $0x0  }
0x8a: {  	[sflag:s7] =	ssyncadd.s32 $0xFFFFC000  }
0x8b: {  	_ =	swait.ge [sflag:s7], $0x4000  }
0x8c: {  	[sflag:s7] =	ssyncset.done $0x0  }
0x8d: {  	[sflag:s7] =	ssyncadd.s32 $0xFFFFC000  }
0x8e: {  	_ =	swait.ge [sflag:s7], $0x4000  }
0x8f: {  	[sflag:s7] =	ssyncset.done $0x0  }
0x90: {  	[sflag:s7] =	ssyncadd.s32 $0xFFFFC000  }
0x91: {  	_ =	swait.ge [sflag:s7], $0x4000  }
0x92: {  	[sflag:s7] =	ssyncset.done $0x0  }
0x93: {  	[sflag:s7] =	ssyncadd.s32 $0xFFFFC000  }
0x94: {  	_ =	swait.ge [sflag:s7], $0x4000  }
0x95: {  	[sflag:s7] =	ssyncset.done $0x0  }
0x96: {  	[sflag:s7] =	ssyncadd.s32 $0xFFFFC000  }
0x97: {  	[bflag:$0x0] =	sbarrier.arrive $0xFFFF  }
0x98: {  	_ =	swait.ge [sflag:s8], $0x80  }
0x99: {  	[sflag:s8] =	ssyncset.done $0x0  }
0x9a: {  	[sflag:s8] =	ssyncadd.s32 $0xFFFFFF80  }
0x9b: {  	_ =	swait.ge [sflag:s8], $0x80  }
0x9c: {  	[sflag:s8] =	ssyncset.done $0x0  }
0x9d: {  	[sflag:s8] =	ssyncadd.s32 $0xFFFFFF80  }
0x9e: {  	[tilespmem:s26], [sflag:$0x1] =	stream.indirect.gather [hbm4b:s23+s9], $0x80, s31, s9, $0xb8;
	[tilespmem:$0x1C400] =	vst v63  }
.LBB2_4:
0x9f: {  	_ =	swait.ge [sflag:s10], $0x4000  }
0xa0: {  	p0 =	seq.s32 s26, $0x0;
	[sflag:s10] =	ssyncset.done $0x0  }
0xa1: {  	s28 =	simm.s32 @!p0 $0x4;
	[sflag:s10] =	ssyncadd.s32 $0xFFFFC000  }
0xa2: {  	_ =	swait.ge @!p0 [sflag:s28], $0x4000  }
0xa3: {  	[sflag:s28] =	ssyncset.done @!p0 $0x0  }
0xa4: {  	[sflag:s28] =	ssyncadd.s32 @!p0 $0xFFFFC000;
	s28 =	sadd.s32 @!p0 s26, s17  }
0xa5: {  	s29 =	simm.s32 @!p0 $0x0;
	s25 =	simm.s32 @!p0 $0x1C180;
	s28 =	sadd.s32 @!p0 $0x30, s28  }
0xa6: {  	[tilespmem:s25], [sflag:$0x8] =	stream.linear.gather @!p0 [hbm4b:s28+s29], $0x80, $0x38;
	[tilespmem:$0x1C400] =	vst v63  }
0xa7: {  	s25 =	sadd.s32 @!p0 s26, s19  }
0xa8: {  	s28 =	simm.s32 @!p0 $0x1C380;
	s25 =	sadd.s32 @!p0 $0x30, s25  }
0xa9: {  	[tilespmem:s28], [sflag:$0x8] =	stream.linear.gather @!p0 [hbm4b:s25+s29], $0x80, $0x38;
	[tilespmem:$0x1C400] =	vst v63  }
0xaa: {  	_ =	swait.ge [sflag:s11], $0x80  }
0xab: {  	[sflag:s11] =	ssyncset.done $0x0  }
0xac: {  	[sflag:s11] =	ssyncadd.s32 $0xFFFFFF80  }
0xad: {  	_ =	swait.ge [sflag:s11], $0x80  }
0xae: {  	[sflag:s11] =	ssyncset.done $0x0  }
0xaf: {  	[sflag:s11] =	ssyncadd.s32 $0xFFFFFF80  }
0xb0: {  	[tilespmem:s12], [sflag:$0x2] =	stream.indirect.gather [hbm4b:s23+s9], $0x80, s0, s9, $0xb8;
	[tilespmem:$0x1C400] =	vst v63  }
0xb1: {  	_ = 	snop  }
0xb2: {  	[spmem:s21] =	stream.indirect.scatter.add.f32 [tilespmem:s1], [sflag:$0x3], $0x80, s18, s9, $0xb8;
	[tilespmem:$0x1C400] =	vst v63  }
0xb3: {  	_ =	swait.ge [sflag:s7], $0x4000  }
0xb4: {  	[sflag:s7] =	ssyncset.done $0x0  }
0xb5: {  	[sflag:s7] =	ssyncadd.s32 $0xFFFFC000  }
0xb6: {  	p0 =	seq.s32 s26, $0x4C0;
	_ =	swait.ge [sflag:s13], $0x4000  }
0xb7: {  	s25 =	sadd.s32 @!p0 s26, s20;
	[sflag:s13] =	ssyncset.done $0x0  }
0xb8: {  	s28 =	simm.s32 @!p0 $0x0;
	s29 =	simm.s32 @!p0 $0x1C000;
	[sflag:s13] =	ssyncadd.s32 $0xFFFFC000  }
0xb9: {  	[tilespmem:s29], [sflag:$0x5] =	stream.linear.gather @!p0 [hbm4b:s25+s28], $0x80, $0x38;
	[tilespmem:$0x1C400] =	vst v63  }
0xba: {  	s25 =	sadd.s32 @!p0 s26, s22;
	s29 =	simm.s32 @!p0 $0x1C200  }
0xbb: {  	[tilespmem:s29], [sflag:$0x5] =	stream.linear.gather @!p0 [hbm4b:s25+s28], $0x80, $0x38;
	[tilespmem:$0x1C400] =	vst v63  }
0xbc: {  	_ =	swait.ge [sflag:s14], $0x80  }
0xbd: {  	[sflag:s14] =	ssyncset.done $0x0  }
0xbe: {  	[sflag:s14] =	ssyncadd.s32 $0xFFFFFF80  }
0xbf: {  	_ =	swait.ge [sflag:s14], $0x80  }
0xc0: {  	[sflag:s14] =	ssyncset.done $0x0  }
0xc1: {  	[sflag:s14] =	ssyncadd.s32 $0xFFFFFF80  }
0xc2: {  	[tilespmem:s1], [sflag:$0x1] =	stream.indirect.gather [hbm4b:s23+s9], $0x80, s3, s9, $0xb8;
	[tilespmem:$0x1C400] =	vst v63  }
0xc3: {  	_ = 	snop  }
0xc4: {  	[spmem:s21] =	stream.indirect.scatter.add.f32 [tilespmem:s12], [sflag:$0x4], $0x80, s2, s9, $0xb8;
	[tilespmem:$0x1C400] =	vst v63  }
0xc5: {  	_ =	swait.ge [sflag:s10], $0x4000  }
0xc6: {  	[sflag:s10] =	ssyncset.done $0x0  }
0xc7: {  	[sflag:s10] =	ssyncadd.s32 $0xFFFFC000  }
0xc8: {  	_ =	swait.ge [sflag:s30], $0x4000  }
0xc9: {  	s25 =	sadd.s32 @!p0 s26, s17;
	[sflag:s30] =	ssyncset.done $0x0  }
0xca: {  	s29 =	simm.s32 @!p0 $0x1C080;
	s25 =	sadd.s32 @!p0 $0x50, s25;
	[sflag:s30] =	ssyncadd.s32 $0xFFFFC000  }
0xcb: {  	[tilespmem:s29], [sflag:$0x6] =	stream.linear.gather @!p0 [hbm4b:s25+s28], $0x80, $0x38;
	[tilespmem:$0x1C400] =	vst v63  }
0xcc: {  	s25 =	sadd.s32 @!p0 s26, s19  }
0xcd: {  	s29 =	simm.s32 @!p0 $0x1C280;
	s25 =	sadd.s32 @!p0 $0x50, s25  }
0xce: {  	[tilespmem:s29], [sflag:$0x6] =	stream.linear.gather @!p0 [hbm4b:s25+s28], $0x80, $0x38;
	[tilespmem:$0x1C400] =	vst v63  }
0xcf: {  	_ =	swait.ge [sflag:s24], $0x80  }
0xd0: {  	[sflag:s24] =	ssyncset.done $0x0  }
0xd1: {  	[sflag:s24] =	ssyncadd.s32 $0xFFFFFF80  }
0xd2: {  	_ =	swait.ge [sflag:s24], $0x80  }
0xd3: {  	[sflag:s24] =	ssyncset.done $0x0  }
0xd4: {  	[sflag:s24] =	ssyncadd.s32 $0xFFFFFF80  }
0xd5: {  	[tilespmem:s12], [sflag:$0x2] =	stream.indirect.gather [hbm4b:s23+s9], $0x80, s5, s9, $0xb8;
	[tilespmem:$0x1C400] =	vst v63  }
0xd6: {  	_ = 	snop  }
0xd7: {  	[spmem:s21] =	stream.indirect.scatter.add.f32 [tilespmem:s1], [sflag:$0x3], $0x80, s4, s9, $0xb8;
	[tilespmem:$0x1C400] =	vst v63  }
0xd8: {  	_ =	swait.ge [sflag:s7], $0x4000  }
.Ltmp3:
0xd9: {  	[sflag:s7] =	ssyncset.done $0x0;
	(pc) =	sbr.rel @p0 .LBB2_6-.Ltmp3, $4  }
0xda: {  	[sflag:s7] =	ssyncadd.s32 $0xFFFFC000  }
0xdb: {  	_ =	swait.ge [sflag:s13], $0x4000  }
0xdc: {  	[sflag:s13] =	ssyncset.done $0x0  }
0xdd: {  	[sflag:s13] =	ssyncadd.s32 $0xFFFFC000  }
0xde: {  	s25 =	sadd.s32 s26, s15  }
0xdf: {  	[tilespmem:s3], [sflag:$0x7] =	stream.linear.gather [hbm4b:s25+s1], $0x80, $0x38;
	[tilespmem:$0x1C400] =	vst v63  }
0xe0: {  	s29 =	sadd.s32 s26, s16  }
0xe1: {  	[tilespmem:s4], [sflag:$0x7] =	stream.linear.gather [hbm4b:s29+s1], $0x80, $0x38;
	[tilespmem:$0x1C400] =	vst v63  }
0xe2: {  	_ =	swait.ge [sflag:s8], $0x80  }
0xe3: {  	[sflag:s8] =	ssyncset.done $0x0  }
0xe4: {  	[sflag:s8] =	ssyncadd.s32 $0xFFFFFF80  }
0xe5: {  	_ =	swait.ge [sflag:s8], $0x80  }
.Ltmp4:
0xe6: {  	[sflag:s8] =	ssyncset.done $0x0;
	(pc) =	sbr.rel .LBB2_4-.Ltmp4, $4  }
0xe7: {  	[sflag:s8] =	ssyncadd.s32 $0xFFFFFF80  }
0xe8: {  	[tilespmem:s1], [sflag:$0x1] =	stream.indirect.gather [hbm4b:s23+s9], $0x80, s31, s9, $0xb8;
	[tilespmem:$0x1C400] =	vst v63  }
0xe9: {  	s26 =	sadd.s32 $0x40, s26  }
0xea: {  	[spmem:s21] =	stream.indirect.scatter.add.f32 [tilespmem:s12], [sflag:$0x4], $0x80, s6, s9, $0xb8;
	[tilespmem:$0x1C400] =	vst v63  }
.LBB2_7:
0xeb: {  	_ =	sfence.sel $0x180000  }
0xec: {  	[bflag:$0x0] =	sbarrier.arrive $0xFFFF  }
0xed: {  	_ =	strace $0x9000004A  }
0xee: {  	s0 =	stileid.u32;
	[bflag:$0x2] =	sbarrier.arrive $0xFFFF  }
0xef: {  	p0 =	sne.s32 s0, $0x0;
	s0 =	rddreg [dreg:$0x2]  }
0xf0: {  	s0 =	sadd.s32 @!p0 $0x100000, s0  }
0xf1: {  	[sflag:s0] =	ssyncadd.tile.s32 @!p0 $0x1;
	_ =	shalt  }
.Lfunc_end2:
_tile_overlayer_lowered:
.L_overlay_start_2:
0xf2: {  	(tag) =	ssettag $0x2  }
0xf3: {  	s0 =	rddreg [dreg:$0x0];
	s2 =	stileid.u32  }
0xf4: {  	s1 =	rddreg [dreg:$0x1];
	p0 =	sne.s32 s2, $0x0  }
0xf5: {  	s3 =	rddreg [dreg:$0x2];
	[bflag:$0x3] =	sbarrier.arrive $0xFFFF;
	s2 =	simm.s32 @!p0 $0x1C09  }
0xf6: {  	[timem:s3], [sflag:s2] =	dma.local @!p0 [hbm:s0], s1  }
0xf7: {  	s0 =	simm.s32 @!p0 $0x9  }
0xf8: {  	_ =	swait.ge @!p0 [sflag:s0], s1  }
0xf9: {  	s1 =	ssub.s32 @!p0 $0x0, s1;
	[sflag:s0] =	ssyncset.done @!p0 $0x0  }
0xfa: {  	[sflag:s0] =	ssyncadd.s32 @!p0 s1  }
0xfb: {  	[bflag:$0x3] =	sbarrier.arrive $0xFFFF  }
0xfc: {  	_ =	shalt  }

// kernel: kernel.14.cloned.1.call-start
scs
__scs_entry_jumppad:
0x0: {  	(pc) =	sbr.rel $0x88, $3  }
0x1: {  	(tag) =	ssettag $0x0;
	lr =	simm.s32 $0x1  }
0x2: {  	[smem:$0x3F9B] =	sst lr;
	_ =	strace $0xD0000000  }
0x3: {  	_ = 	snop  }
0x4: {  	_ = 	snop  }
0x5: {  	_ = 	snop  }
0x6: {  	_ = 	snop  }
0x7: {  	_ = 	snop  }
__scs_overlays_trampoline_lowered:
0x8: {  	[smem:$0x3FAA] =	sst s0  }
0x9: {  	[smem:$0x3FAB] =	sst s1  }
0xa: {  	[smem:$0x3FAC] =	sst s2  }
0xb: {  	[smem:$0x3FAD] =	sst s3  }
0xc: {  	[smem:$0x3FAE] =	sst s4  }
0xd: {  	[smem:$0x3FAF] =	sst s5  }
0xe: {  	[smem:$0x3FB0] =	sst s6  }
0xf: {  	[smem:$0x3FB1] =	sst s7  }
0x10: {  	[smem:$0x3FB2] =	sst s8  }
0x11: {  	[smem:$0x3FB3] =	sst s9;
	s0 =	simm.s32 @!p0 $0x0  }
0x12: {  	s1 =	sld [smem:$0x3F99];
	s0 =	simm.s32 @p0 $0x1  }
0x13: {  	[smem:$0x3FB4] =	sst s0;
	s0 =	simm.s32 @!p1 $0x0  }
0x14: {  	s2 =	sld [smem:$0x3F98];
	s0 =	simm.s32 @p1 $0x1  }
0x15: {  	[smem:$0x3FB5] =	sst s0;
	s0 =	simm.s32 @!p2 $0x0  }
0x16: {  	s3 =	sld [smem:$0x3FDB];
	s0 =	simm.s32 @p2 $0x1  }
0x17: {  	s4 =	simm.s32 $0x1BF5;
	[smem:$0x3FB7] =	sst s0  }
0x18: {  	s0 =	sld [smem:$0x3F9A];
	_ =	swait.ge [sflag:s4], $0x0  }
0x19: {  	s7 =	sld [smem:$0x3F9B]  }
0x1a: {  	s8 =	sadd.s32 $0xFFFFE003, lr  }
0x1b: {  	s9 =	sadd.s32 $0xFFFFFEF7, lr;
	s5 =	simm.s32 $0xFFFFFFFF;
	p2 =	slt.u32 s8, $0xFFFFF086  }
0x1c: {  	p1 =	slt.u32 s9, $0xF7A;
	s5 =	simm.s32 @!p2 $0x0  }
0x1d: {  	s5 =	simm.s32 @p1 $0x1;
	p0 =	seq.s32 s7, s2  }
0x1e: {  	s7 =	smul.u32 @!p0 $0xF7A, s2;
	p2 =	seq.s32 @!p0 s5, $0x0  }
0x1f: {  	s9 =	smul.u32 $0xF7A, s1;
	s8 =	simm.s32 @!p0 $0x1BF5;
	p2 =	por !p2, p0  }
0x20: {  	[sflag:s8] =	ssyncset.s32 @!p0 $0xFFFFF086;
	s6 =	sadd.s32 @!p0 s3, s7;
	s7 =	simm.s32 @!p0 $0x108  }
0x21: {  	s3 =	sadd.s32 s3, s9;
	s6 =	sadd.s32 @!p0 $0x88, s6;
	s7 =	simm.s32 @p2 $0x1082  }
0x22: {  	[simem:s7], [sflag:s8] =	dma.local @!p0 [hbm:s6], $0xF7A  }
0x23: {  	s9 =	sor.u32 $0xD0000000, s2;
	s6 =	simm.s32 $0x108;
	_ =	swait.ge @!p0 [sflag:s8], $0x0  }
0x24: {  	s3 =	sadd.s32 $0x88, s3;
	s6 =	simm.s32 @!p1 $0x1082;
	[sflag:s4] =	ssyncset.s32 $0xFFFFF086  }
0x25: {  	[simem:s6], [sflag:s4] =	dma.local [hbm:s3], $0xF7A  }
0x26: {  	[smem:$0x3F9B] =	sst s1;
	(tag) =	ssettag s2;
	_ =	strace s9  }
0x27: {  	s1 =	sld [smem:$0x3FAB]  }
0x28: {  	s2 =	sld [smem:$0x3FAC]  }
0x29: {  	s4 =	sld [smem:$0x3FAE]  }
0x2a: {  	p0 =	seq.s32 s5, $0x0;
	s5 =	sld [smem:$0x3FAF]  }
0x2b: {  	s6 =	sld [smem:$0x3FB0]  }
0x2c: {  	s7 =	sld [smem:$0x3FB1]  }
0x2d: {  	s3 =	simm.s32 $0x108;
	s8 =	sld [smem:$0x3FB2]  }
0x2e: {  	s3 =	simm.s32 @!p0 $0x1082;
	s9 =	sld [smem:$0x3FB3]  }
0x2f: {  	lr =	sadd.s32 s0, s3;
	s0 =	sld [smem:$0x3FAA]  }
0x30: {  	s3 =	sld [smem:$0x3FAD]  }
0x31: {  	[smem:$0x3FB6] =	sst s10  }
0x32: {  	s10 =	sld [smem:$0x3FB4];
	_ =	sdelay $0x3  }
0x33: {  	p0 =	seq.s32 s10, $0x1;
	s10 =	sld [smem:$0x3FB6];
	_ =	sdelay $0x3  }
0x34: {  	[smem:$0x3FB6] =	sst s10  }
0x35: {  	s10 =	sld [smem:$0x3FB5];
	_ =	sdelay $0x3  }
0x36: {  	p1 =	seq.s32 s10, $0x1;
	s10 =	sld [smem:$0x3FB6];
	_ =	sdelay $0x3  }
0x37: {  	[smem:$0x3FB6] =	sst s10  }
0x38: {  	s10 =	sld [smem:$0x3FB7]  }
0x39: {  	_ = 	snop;
	(pc) =	sbr.ind lr, $3  }
0x3a: {  	_ = 	snop  }
0x3b: {  	_ = 	snop  }
0x3c: {  	p2 =	seq.s32 s10, $0x1;
	s10 =	sld [smem:$0x3FB6]  }
0x3d: {  	_ =	shalt  }
0x3e: {  	_ =	shalt  }
0x3f: {  	_ =	shalt  }
0x40: {  	_ =	shalt  }
0x41: {  	_ =	shalt  }
0x42: {  	_ =	shalt  }
0x43: {  	_ =	shalt  }
0x44: {  	_ =	shalt  }
0x45: {  	_ =	shalt  }
0x46: {  	_ =	shalt  }
0x47: {  	_ =	shalt  }
0x48: {  	_ =	shalt  }
0x49: {  	_ =	shalt  }
0x4a: {  	_ =	shalt  }
0x4b: {  	_ =	shalt  }
0x4c: {  	_ =	shalt  }
0x4d: {  	_ =	shalt  }
0x4e: {  	_ =	shalt  }
0x4f: {  	_ =	shalt  }
0x50: {  	_ =	shalt  }
0x51: {  	_ =	shalt  }
0x52: {  	_ =	shalt  }
0x53: {  	_ =	shalt  }
0x54: {  	_ =	shalt  }
0x55: {  	_ =	shalt  }
0x56: {  	_ =	shalt  }
0x57: {  	_ =	shalt  }
0x58: {  	_ =	shalt  }
0x59: {  	_ =	shalt  }
0x5a: {  	_ =	shalt  }
0x5b: {  	_ =	shalt  }
0x5c: {  	_ =	shalt  }
0x5d: {  	_ =	shalt  }
0x5e: {  	_ =	shalt  }
0x5f: {  	_ =	shalt  }
0x60: {  	_ =	shalt  }
0x61: {  	_ =	shalt  }
0x62: {  	_ =	shalt  }
0x63: {  	_ =	shalt  }
0x64: {  	_ =	shalt  }
0x65: {  	_ =	shalt  }
0x66: {  	_ =	shalt  }
0x67: {  	_ =	shalt  }
0x68: {  	_ =	shalt  }
0x69: {  	_ =	shalt  }
0x6a: {  	_ =	shalt  }
0x6b: {  	_ =	shalt  }
0x6c: {  	_ =	shalt  }
0x6d: {  	_ =	shalt  }
0x6e: {  	_ =	shalt  }
0x6f: {  	_ =	shalt  }
0x70: {  	_ =	shalt  }
0x71: {  	_ =	shalt  }
0x72: {  	_ =	shalt  }
0x73: {  	_ =	shalt  }
0x74: {  	_ =	shalt  }
0x75: {  	_ =	shalt  }
0x76: {  	_ =	shalt  }
0x77: {  	_ =	shalt  }
0x78: {  	_ =	shalt  }
0x79: {  	_ =	shalt  }
0x7a: {  	_ =	shalt  }
0x7b: {  	_ =	shalt  }
0x7c: {  	_ =	shalt  }
0x7d: {  	_ =	shalt  }
0x7e: {  	_ =	shalt  }
0x7f: {  	_ =	shalt  }
0x80: {  	_ =	shalt  }
0x81: {  	_ =	shalt  }
0x82: {  	_ =	shalt  }
0x83: {  	_ =	shalt  }
0x84: {  	_ =	shalt  }
0x85: {  	_ =	shalt  }
0x86: {  	_ =	shalt  }
0x87: {  	_ =	shalt  }
.Lfunc_end0:
.L_simem_size_0:
called_computation.2_lowered:
.L_overlay_start_0:
0x88: {  	s2 =	sld [smem:$0x3FD9]  }
0x89: {  	s3 =	sld [smem:$0x3FFE];
	_ =	sdelay $0x1  }
0x8a: {  	s1 =	srdreg.scid  }
0x8b: {  	s0 =	sand.u32 $0x1, s1  }
0x8c: {  	s16 =	sshll.u32 s0, $0xA;
	s2 =	sadd.s32 s3, s2  }
0x8d: {  	s2 =	sadd.s32 s2, s16  }
0x8e: {  	[smem:$0x3FC2] =	sst s2  }
0x8f: {  	_ = 	snop  }
0x90: {  	(tm) =	ssettm $0x1  }
0x91: {  	s17 =	sld [smem:$0x3FFB];
	_ =	sdelay $0x3  }
0x92: {  	_ =	strace s17  }
0x93: {  	s2 =	sld [smem:$0x3FFC];
	_ =	sdelay $0x3  }
0x94: {  	_ =	strace s2  }
0x95: {  	s2 =	sld [smem:$0x3FFD];
	_ =	sdelay $0x3  }
0x96: {  	_ =	strace s2  }
0x97: {  	_ =	strace $0x8FFFFFFF  }
0x98: {  	s18 =	sld [smem:$0x3FDB];
	_ =	sdelay $0x1  }
0x99: {  	s19 =	simm.s32 $_scs_section_size  }
0x9a: {  	s4 =	simm.s32 $_size__tile_overlayer_lowered;
	s5 =	simm.s32 $_tile_overlayer_lowered  }
0x9b: {  	s22 =	simm.s32 $0x1BFF;
	s21 =	sshll.u32 s5, $0x1;
	s2 =	sadd.s32 s19, s18  }
0x9c: {  	s6 =	simm.s32 $0x0;
	s20 =	sshll.u32 s4, $0x1;
	s4 =	sadd.s32 s21, s2  }
0x9d: {  	[timem:s6], [sflag:s22] =	dma.local [hbm:s4], s20  }
0x9e: {  	_ =	swait.ge [sflag:s22], s20  }
0x9f: {  	s3 =	ssub.s32 $0x0, s20;
	[sflag:s22] =	ssyncset.done $0x0  }
0xa0: {  	[sflag:s22] =	ssyncadd.s32 s3;
	_ =	sdelay $0x1  }
0xa1: {  	s23 =	simm.s32 $0x1B8B  }
0xa2: {  	_ =	swait.ge [sflag:s23], $0x1  }
0xa3: {  	[sflag:s23] =	ssyncset.done $0x0  }
0xa4: {  	s25 =	simm.s32 $0x1B8E;
	s24 =	sld [smem:$0x3FFE];
	[sflag:s23] =	ssyncadd.s32 $0xFFFFFFFF  }
0xa5: {  	s26 =	simm.s32 $execute0_lowered;
	[smem:$0x3FD2] =	sst s25  }
0xa6: {  	s4 =	sshll.u32 s26, $0x1;
	_ =	strace $0x8000004C;
	[dreg:$0x1] =	wrdreg $0xFFFFFFFF  }
0xa7: {  	s28 =	simm.s32 $_size_execute0_lowered;
	s2 =	sadd.s32 s2, s4;
	[dreg:$0x0] =	wrdreg $0x0  }
0xa8: {  	s4 =	sshll.u32 s28, $0x1;
	[dreg:$0x2] =	wrdreg s2  }
0xa9: {  	[dreg:$0x3] =	wrdreg s4  }
0xaa: {  	[dreg:$0x4] =	wrdreg $0xC0  }
0xab: {  	_ =	task [dreg:s6], $0x5FFFF  }
0xac: {  	[dreg:$0x1] =	wrdreg $0xFFFFFFFF  }
0xad: {  	[dreg:$0x0] =	wrdreg $0x60  }
0xae: {  	[dreg:$0x2] =	wrdreg s24  }
0xaf: {  	[dreg:$0x3] =	wrdreg $0x80000  }
0xb0: {  	[dreg:$0x4] =	wrdreg $0x9  }
0xb1: {  	_ =	task.clear_ibuf [dreg:s6], $0x5FFFF;
	_ =	strace $0x9000004C  }
0xb2: {  	s29 =	simm.s32 $0x9;
	_ =	strace $0x8000004E  }
0xb3: {  	_ =	swait.ge [sflag:s29], $0x1  }
0xb4: {  	[sflag:s29] =	ssyncadd.s32 $0xFFFFFFFF  }
0xb5: {  	_ =	strace $0x9000004E  }
0xb6: {  	_ =	sfence  }
0xb7: {  	s30 =	sld [smem:$0x0];
	_ =	sdelay $0x2  }
0xb8: {  	s31 =	sshll.u32 s1, $0xD;
	s1 =	sshrl.u32 s1, $0x2  }
0xb9: {  	s3 =	sand.u32 $0x4000, s31;
	s1 =	sadd.s32 s1, s30  }
0xba: {  	s0 =	sor.u32 s3, s0;
	s1 =	sshll.u32 s1, $0x11  }
0xbb: {  	s0 =	sor.u32 s1, s0  }
0xbc: {  	s0 =	sadd.s32 $0x8F2B, s0  }
0xbd: {  	[sflag:s0] =	ssyncadd.remote.s32 $0x1  }
0xbe: {  	_ =	sfence.sel $0xFFFF  }
0xbf: {  	[dreg:$0x0] =	wrdreg $0xFFFFFFFF;
	(pc) =	sbr.abs _section_cstart, $3  }
0xc0: {  	[dreg:$0x1] =	wrdreg $0xFFFFFFFF  }
0xc1: {  	_ =	task.clear_ibuf [dreg:s6], $0x2FFFF;
	_ =	strace $0x9FFFFFFF  }
0xc2: {  	(tm) =	ssettm $0x7FFFFFFF  }
0xc3: {  	_ =	shalt  }
tec
execute0_lowered:
.L_overlay_start_1:
0x0: {  	(tag) =	ssettag $0x1  }
0x1: {  	s1 =	srdreg.scid;
	s0 =	rddreg [dreg:$0x0]  }
0x2: {  	s17 =	stileid.u32;
	s21 =	rddreg [dreg:$0x1]  }
0x3: {  	s31 =	simm.s32 $0x1C000;
	s30 =	simm.s32 $0x4;
	s2 =	sand.u32 $0x1, s1  }
0x4: {  	s1 =	simm.s32 $0x0;
	s5 =	sadd.s32 $0xCC00, s0;
	s7 =	sadd.s32 $0x16C00, s0  }
0x5: {  	s8 =	sadd.s32 $0x48C00, s0;
	s14 =	smul.u32 $0x14000, s17;
	s3 =	sshll.u32 s2, $0x4  }
0x6: {  	s23 =	sadd.s32 $0x20C00, s0;
	s16 =	smul.u32 $0x140000, s2;
	s3 =	sor.u32 s17, s3  }
0x7: {  	s0 =	simm.s32 $0x1C080;
	s4 =	ssub.s32 $0x2, s2;
	s3 =	smul.u32 $0x500, s3  }
0x8: {  	[smem:$0x7FF] =	sst s1;
	s2 =	smul.u32 $0x500, s2;
	s6 =	sshrl.u32 s4, $0x1  }
0x9: {  	s18 =	sadd.s32 $0x4000, s14;
	s4 =	ssub.s32 s4, s6;
	s9 =	sadd.s32 s5, s3  }
0xa: {  	s10 =	sadd.s32 s7, s3;
	s11 =	sor.u32 $0x10, s3;
	[dreg:$0x3] =	wrdreg s9  }
0xb: {  	s12 =	sor.u32 $0x20, s3;
	[dreg:$0x4] =	wrdreg s10;
	s9 =	sadd.s32 s5, s11  }
0xc: {  	s3 =	sor.u32 $0x30, s3;
	s6 =	sadd.s32 s7, s11;
	[dreg:$0x5] =	wrdreg s9  }
0xd: {  	s13 =	sadd.s32 s5, s12;
	s15 =	sadd.s32 s5, s3;
	[dreg:$0x6] =	wrdreg s6  }
0xe: {  	s3 =	sadd.s32 s7, s3;
	s10 =	sadd.s32 $0x8000, s14;
	[dreg:$0x7] =	wrdreg s13  }
0xf: {  	s11 =	sadd.s32 $0xC000, s14;
	s6 =	sadd.s32 s7, s12;
	[dreg:$0x9] =	wrdreg s15  }
0x10: {  	[dreg:$0xa] =	wrdreg s3;
	s12 =	sadd.s32 $0x10000, s14;
	s9 =	sadd.s32 s14, s16  }
0x11: {  	s13 =	sadd.s32 s16, s18;
	s14 =	sadd.s32 s16, s10;
	s15 =	smul.u32 $0x50, s17  }
0x12: {  	s26 =	sadd.s32 s16, s11;
	s18 =	sadd.s32 s18, s21;
	s3 =	simm.s32 $0x1C100  }
0x13: {  	[dreg:$0x8] =	wrdreg s6;
	s9 =	sshrl.u32 s9, $0x3;
	s13 =	sshrl.u32 s13, $0x3  }
0x14: {  	s25 =	sshrl.u32 s14, $0x3;
	s6 =	sadd.s32 s16, s12;
	s9 =	sadd.s32 s8, s9  }
0x15: {  	s24 =	sadd.s32 s8, s13;
	s2 =	sadd.s32 s15, s2;
	[dreg:$0xb] =	wrdreg s9  }
0x16: {  	s6 =	sshrl.u32 s6, $0x3;
	[dreg:$0xc] =	wrdreg s24;
	s9 =	sadd.s32 s8, s25  }
0x17: {  	s2 =	sshll.u32 s2, $0x4;
	s6 =	sadd.s32 s8, s6;
	s24 =	sadd.s32 s10, s21  }
0x18: {  	s25 =	sadd.s32 s11, s21;
	s10 =	simm.s32 $0x1;
	s11 =	simm.s32 $0x6  }
0x19: {  	[dreg:$0xd] =	wrdreg s9;
	s9 =	sshrl.u32 s26, $0x3;
	s28 =	sor.u32 $0x60, s2  }
0x1a: {  	[dreg:$0xf] =	wrdreg s6;
	s13 =	sor.u32 $0x40, s2;
	s19 =	sadd.s32 s2, s7  }
0x1b: {  	s26 =	sadd.s32 s12, s21;
	s6 =	simm.s32 $0x1C380;
	s12 =	simm.s32 $0x4000  }
0x1c: {  	s9 =	sadd.s32 s8, s9;
	s15 =	sadd.s32 s28, s5;
	s16 =	sadd.s32 s28, s7  }
0x1d: {  	s20 =	sadd.s32 s13, s5;
	s22 =	sadd.s32 s13, s7;
	s28 =	smax.u32 s4, $0x1  }
0x1e: {  	s4 =	simm.s32 $0x1C300;
	s7 =	simm.s32 $0x2;
	[dreg:$0xe] =	wrdreg s9  }
0x1f: {  	s8 =	simm.s32 $0x5;
	_ =	strace $0x8000004D;
	[dreg:$0x11] =	wrdreg s18  }
0x20: {  	s13 =	simm.s32 $0x3;
	s9 =	smul.u32 $0x50000, s17;
	[dreg:$0x12] =	wrdreg s24  }
.Ltmp0:
0x21: {  	s17 =	sadd.s32 s2, s5;
	[dreg:$0x13] =	wrdreg s25;
	(pc) =	sbr.rel .LBB2_1-.Ltmp0, $4  }
0x22: {  	s2 =	simm.s32 $0x1C280;
	s5 =	simm.s32 $0x1C180;
	[dreg:$0x14] =	wrdreg s26  }
0x23: {  	[dreg:$0x15] =	wrdreg s28;
	s18 =	simm.s32 $0x1C200;
	s14 =	sshrl.u32 s9, $0x2  }
0x24: {  	s24 =	simm.s32 $0x8;
	s26 =	simm.s32 $0x0;
	s29 =	sadd.s32 s14, s21  }
0x25: {  	v0 =	vimm.f32 $0.0e+00;
	s9 =	simm.s32 $0x80;
	s14 =	simm.s32 $0x7;
	[dreg:$0x10] =	wrdreg s29  }
.LBB2_6:
0x26: {  	[spmem:s21] =	stream.indirect.scatter.add.f32 [tilespmem:s12], [sflag:$0x4], $0x80, s6, s9, $0xb8;
	[tilespmem:$0x1C400] =	vst v63  }
0x27: {  	_ =	swait.ge [sflag:s30], $0x4000  }
0x28: {  	[sflag:s30] =	ssyncset.done $0x0  }
0x29: {  	[sflag:s30] =	ssyncadd.s32 $0xFFFFC000  }
0x2a: {  	[bflag:$0x0] =	sbarrier.arrive $0xFFFF  }
0x2b: {  	s29 =	rddreg [dreg:$0x10]  }
0x2c: {  	[tilespmem:s1], [sflag:$0x1] =	stream.linear.gather [spmem:s29], $0x4000, $0x38;
	[tilespmem:$0x1C400] =	vst v63  }
0x2d: {  	_ =	swait.ge [sflag:s10], $0x4000  }
0x2e: {  	[sflag:s10] =	ssyncset.done $0x0  }
0x2f: {  	s25 =	rddreg [dreg:$0x11];
	[sflag:s10] =	ssyncadd.s32 $0xFFFFC000  }
0x30: {  	[tilespmem:s12], [sflag:$0x2] =	stream.linear.gather [spmem:s25], $0x4000, $0x38;
	[tilespmem:$0x1C400] =	vst v63  }
0x31: {  	s28 =	rddreg [dreg:$0xb]  }
0x32: {  	[hbm4b:s28+s1] =	stream.linear.scatter [tilespmem:s1], [sflag:$0x1], $0x4000, $0x38;
	[tilespmem:$0x1C400] =	vst v63  }
0x33: {  	_ =	swait.ge [sflag:s10], $0x4000  }
0x34: {  	[sflag:s10] =	ssyncset.done $0x0  }
0x35: {  	[sflag:s10] =	ssyncadd.s32 $0xFFFFC000  }
0x36: {  	_ =	swait.ge [sflag:s7], $0x4000  }
0x37: {  	[sflag:s7] =	ssyncset.done $0x0  }
0x38: {  	s26 =	rddreg [dreg:$0x12];
	[sflag:s7] =	ssyncadd.s32 $0xFFFFC000  }
0x39: {  	[tilespmem:s1], [sflag:$0x1] =	stream.linear.gather [spmem:s26], $0x4000, $0x38;
	[tilespmem:$0x1C400] =	vst v63  }
0x3a: {  	s28 =	rddreg [dreg:$0xc]  }
0x3b: {  	[hbm4b:s28+s1] =	stream.linear.scatter [tilespmem:s12], [sflag:$0x2], $0x4000, $0x38;
	[tilespmem:$0x1C400] =	vst v63  }
0x3c: {  	_ =	swait.ge [sflag:s7], $0x4000  }
0x3d: {  	[sflag:s7] =	ssyncset.done $0x0  }
0x3e: {  	[sflag:s7] =	ssyncadd.s32 $0xFFFFC000  }
0x3f: {  	_ =	swait.ge [sflag:s10], $0x4000  }
0x40: {  	[sflag:s10] =	ssyncset.done $0x0  }
0x41: {  	s26 =	rddreg [dreg:$0x13];
	[sflag:s10] =	ssyncadd.s32 $0xFFFFC000  }
0x42: {  	[tilespmem:s12], [sflag:$0x2] =	stream.linear.gather [spmem:s26], $0x4000, $0x38;
	[tilespmem:$0x1C400] =	vst v63  }
0x43: {  	s28 =	rddreg [dreg:$0xd]  }
0x44: {  	[hbm4b:s28+s1] =	stream.linear.scatter [tilespmem:s1], [sflag:$0x1], $0x4000, $0x38;
	[tilespmem:$0x1C400] =	vst v63  }
0x45: {  	_ =	swait.ge [sflag:s10], $0x4000  }
0x46: {  	[sflag:s10] =	ssyncset.done $0x0  }
0x47: {  	[sflag:s10] =	ssyncadd.s32 $0xFFFFC000  }
0x48: {  	_ =	swait.ge [sflag:s7], $0x4000  }
0x49: {  	[sflag:s7] =	ssyncset.done $0x0  }
0x4a: {  	s26 =	rddreg [dreg:$0x14];
	[sflag:s7] =	ssyncadd.s32 $0xFFFFC000  }
0x4b: {  	[tilespmem:s1], [sflag:$0x1] =	stream.linear.gather [spmem:s26], $0x4000, $0x38;
	[tilespmem:$0x1C400] =	vst v63  }
0x4c: {  	s28 =	rddreg [dreg:$0xe]  }
0x4d: {  	[hbm4b:s28+s1] =	stream.linear.scatter [tilespmem:s12], [sflag:$0x2], $0x4000, $0x38;
	[tilespmem:$0x1C400] =	vst v63  }
0x4e: {  	_ =	swait.ge [sflag:s7], $0x4000  }
0x4f: {  	[sflag:s7] =	ssyncset.done $0x0  }
0x50: {  	[sflag:s7] =	ssyncadd.s32 $0xFFFFC000  }
0x51: {  	_ =	swait.ge [sflag:s10], $0x4000  }
0x52: {  	[sflag:s10] =	ssyncset.done $0x0  }
0x53: {  	s26 =	rddreg [dreg:$0xf];
	[sflag:s10] =	ssyncadd.s32 $0xFFFFC000  }
0x54: {  	[hbm4b:s26+s1] =	stream.linear.scatter [tilespmem:s1], [sflag:$0x1], $0x4000, $0x38;
	[tilespmem:$0x1C400] =	vst v63  }
0x55: {  	_ =	swait.ge [sflag:s10], $0x4000  }
0x56: {  	s26 =	rddreg [dreg:$0x16]  }
0x57: {  	s28 =	rddreg [dreg:$0x15];
	s26 =	sadd.s32 $0x1, s26  }
0x58: {  	p0 =	sne.s32 s26, s28  }
.Ltmp1:
0x59: {  	_ = 	snop;
	(pc) =	sbr.rel @!p0 .LBB2_7-.Ltmp1, $3  }
0x5a: {  	_ =	sdelay $0x1  }
0x5b: {  	[sflag:s10] =	ssyncset.done $0x0  }
0x5c: {  	[sflag:s10] =	ssyncadd.s32 $0xFFFFC000  }
.LBB2_1:
0x5d: {  	[dreg:$0x16] =	wrdreg s26  }
0x5e: {  	s25 =	rddreg [dreg:$0x3]  }
0x5f: {  	[tilespmem:s31], [sflag:$0x5] =	stream.linear.gather [hbm4b:s25+s1], $0x80, $0x38;
	[tilespmem:$0x1C400] =	vst v63  }
0x60: {  	s26 =	rddreg [dreg:$0x4]  }
0x61: {  	[tilespmem:s18], [sflag:$0x5] =	stream.linear.gather [hbm4b:s26+s1], $0x80, $0x38;
	[tilespmem:$0x1C400] =	vst v63  }
0x62: {  	s26 =	rddreg [dreg:$0x5]  }
0x63: {  	[tilespmem:s0], [sflag:$0x6] =	stream.linear.gather [hbm4b:s26+s1], $0x80, $0x38;
	[tilespmem:$0x1C400] =	vst v63  }
0x64: {  	s26 =	rddreg [dreg:$0x6]  }
0x65: {  	[tilespmem:s2], [sflag:$0x6] =	stream.linear.gather [hbm4b:s26+s1], $0x80, $0x38;
	[tilespmem:$0x1C400] =	vst v63  }
0x66: {  	s26 =	rddreg [dreg:$0x7]  }
0x67: {  	[tilespmem:s3], [sflag:$0x7] =	stream.linear.gather [hbm4b:s26+s1], $0x80, $0x38;
	[tilespmem:$0x1C400] =	vst v63  }
0x68: {  	s26 =	rddreg [dreg:$0x8]  }
0x69: {  	[tilespmem:s4], [sflag:$0x7] =	stream.linear.gather [hbm4b:s26+s1], $0x80, $0x38;
	[tilespmem:$0x1C400] =	vst v63  }
0x6a: {  	s26 =	rddreg [dreg:$0x9]  }
0x6b: {  	[tilespmem:s5], [sflag:$0x8] =	stream.linear.gather [hbm4b:s26+s1], $0x80, $0x38;
	[tilespmem:$0x1C400] =	vst v63  }
0x6c: {  	s26 =	rddreg [dreg:$0xa]  }
0x6d: {  	[tilespmem:s6], [sflag:$0x8] =	stream.linear.gather [hbm4b:s26+s1], $0x80, $0x38;
	[tilespmem:$0x1C400] =	vst v63  }
0x6e: {  	s28 =	simm.s32 $0x200;
	s26 =	simm.s32 $0x0  }
.LBB2_2:
0x6f: {  	p0 =	sne.s32 s28, $0xFE00;
	[tilespmem:s26+$0x70] =	vst v0  }
0x70: {  	[tilespmem:s26+$0x0] =	vst v0  }
0x71: {  	[tilespmem:s26+$0x10] =	vst v0  }
.Ltmp2:
0x72: {  	[tilespmem:s26+$0x20] =	vst v0;
	(pc) =	sbr.rel @p0 .LBB2_2-.Ltmp2, $4  }
0x73: {  	[tilespmem:s26+$0x30] =	vst v0  }
0x74: {  	[tilespmem:s26+$0x40] =	vst v0  }
0x75: {  	[tilespmem:s26+$0x50] =	vst v0  }
0x76: {  	[tilespmem:s26+$0x60] =	vst v0;
	s26 =	sshra.s32 s28, $0x2;
	s28 =	sadd.s32 $0x200, s28  }
0x77: {  	[tilespmem:s26+$0x70] =	vst v0  }
0x78: {  	[tilespmem:s26+$0x0] =	vst v0  }
0x79: {  	[tilespmem:s26+$0x10] =	vst v0  }
0x7a: {  	[tilespmem:s26+$0x20] =	vst v0  }
0x7b: {  	[tilespmem:s26+$0x30] =	vst v0  }
0x7c: {  	[tilespmem:s26+$0x40] =	vst v0  }
0x7d: {  	[tilespmem:s26+$0x50] =	vst v0  }
0x7e: {  	[tilespmem:s26+$0x60] =	vst v0;
	s26 =	simm.s32 $0x0  }
0x7f: {  	[spmem:s29] =	stream.linear.scatter [tilespmem:s26], [sflag:$0x2], $0x4000, $0x38;
	[tilespmem:$0x1C400] =	vst v63  }
0x80: {  	s25 =	rddreg [dreg:$0x11]  }
0x81: {  	[spmem:s25] =	stream.linear.scatter [tilespmem:s26], [sflag:$0x2], $0x4000, $0x38;
	[tilespmem:$0x1C400] =	vst v63  }
0x82: {  	s29 =	rddreg [dreg:$0x12]  }
0x83: {  	[spmem:s29] =	stream.linear.scatter [tilespmem:s26], [sflag:$0x2], $0x4000, $0x38;
	[tilespmem:$0x1C400] =	vst v63  }
0x84: {  	s28 =	rddreg [dreg:$0x13]  }
0x85: {  	[spmem:s28] =	stream.linear.scatter [tilespmem:s26], [sflag:$0x2], $0x4000, $0x38;
	[tilespmem:$0x1C400] =	vst v63  }
0x86: {  	s29 =	rddreg [dreg:$0x14]  }
0x87: {  	[spmem:s29] =	stream.linear.scatter [tilespmem:s26], [sflag:$0x2], $0x4000, $0x38;
	[tilespmem:$0x1C400] =	vst v63  }
0x88: {  	_ =	swait.ge [sflag:s7], $0x4000  }
0x89: {  	[sflag:s7] =	ssyncset.done $0x0  }
0x8a: {  	[sflag:s7] =	ssyncadd.s32 $0xFFFFC000  }
0x8b: {  	_ =	swait.ge [sflag:s7], $0x4000  }
0x8c: {  	[sflag:s7] =	ssyncset.done $0x0  }
0x8d: {  	[sflag:s7] =	ssyncadd.s32 $0xFFFFC000  }
0x8e: {  	_ =	swait.ge [sflag:s7], $0x4000  }
0x8f: {  	[sflag:s7] =	ssyncset.done $0x0  }
0x90: {  	[sflag:s7] =	ssyncadd.s32 $0xFFFFC000  }
0x91: {  	_ =	swait.ge [sflag:s7], $0x4000  }
0x92: {  	[sflag:s7] =	ssyncset.done $0x0  }
0x93: {  	[sflag:s7] =	ssyncadd.s32 $0xFFFFC000  }
0x94: {  	_ =	swait.ge [sflag:s7], $0x4000  }
0x95: {  	[sflag:s7] =	ssyncset.done $0x0  }
0x96: {  	[sflag:s7] =	ssyncadd.s32 $0xFFFFC000  }
0x97: {  	[bflag:$0x0] =	sbarrier.arrive $0xFFFF  }
0x98: {  	_ =	swait.ge [sflag:s8], $0x80  }
0x99: {  	[sflag:s8] =	ssyncset.done $0x0  }
0x9a: {  	[sflag:s8] =	ssyncadd.s32 $0xFFFFFF80  }
0x9b: {  	_ =	swait.ge [sflag:s8], $0x80  }
0x9c: {  	[sflag:s8] =	ssyncset.done $0x0  }
0x9d: {  	[sflag:s8] =	ssyncadd.s32 $0xFFFFFF80  }
0x9e: {  	[tilespmem:s26], [sflag:$0x1] =	stream.indirect.gather [hbm4b:s23+s9], $0x80, s31, s9, $0xb8;
	[tilespmem:$0x1C400] =	vst v63  }
.LBB2_4:
0x9f: {  	_ =	swait.ge [sflag:s10], $0x4000  }
0xa0: {  	p0 =	seq.s32 s26, $0x0;
	[sflag:s10] =	ssyncset.done $0x0  }
0xa1: {  	s28 =	simm.s32 @!p0 $0x4;
	[sflag:s10] =	ssyncadd.s32 $0xFFFFC000  }
0xa2: {  	_ =	swait.ge @!p0 [sflag:s28], $0x4000  }
0xa3: {  	[sflag:s28] =	ssyncset.done @!p0 $0x0  }
0xa4: {  	[sflag:s28] =	ssyncadd.s32 @!p0 $0xFFFFC000;
	s28 =	sadd.s32 @!p0 s26, s17  }
0xa5: {  	s29 =	simm.s32 @!p0 $0x0;
	s25 =	simm.s32 @!p0 $0x1C180;
	s28 =	sadd.s32 @!p0 $0x30, s28  }
0xa6: {  	[tilespmem:s25], [sflag:$0x8] =	stream.linear.gather @!p0 [hbm4b:s28+s29], $0x80, $0x38;
	[tilespmem:$0x1C400] =	vst v63  }
0xa7: {  	s25 =	sadd.s32 @!p0 s26, s19  }
0xa8: {  	s28 =	simm.s32 @!p0 $0x1C380;
	s25 =	sadd.s32 @!p0 $0x30, s25  }
0xa9: {  	[tilespmem:s28], [sflag:$0x8] =	stream.linear.gather @!p0 [hbm4b:s25+s29], $0x80, $0x38;
	[tilespmem:$0x1C400] =	vst v63  }
0xaa: {  	_ =	swait.ge [sflag:s11], $0x80  }
0xab: {  	[sflag:s11] =	ssyncset.done $0x0  }
0xac: {  	[sflag:s11] =	ssyncadd.s32 $0xFFFFFF80  }
0xad: {  	_ =	swait.ge [sflag:s11], $0x80  }
0xae: {  	[sflag:s11] =	ssyncset.done $0x0  }
0xaf: {  	[sflag:s11] =	ssyncadd.s32 $0xFFFFFF80  }
0xb0: {  	[tilespmem:s12], [sflag:$0x2] =	stream.indirect.gather [hbm4b:s23+s9], $0x80, s0, s9, $0xb8;
	[tilespmem:$0x1C400] =	vst v63  }
0xb1: {  	_ = 	snop  }
0xb2: {  	[spmem:s21] =	stream.indirect.scatter.add.f32 [tilespmem:s1], [sflag:$0x3], $0x80, s18, s9, $0xb8;
	[tilespmem:$0x1C400] =	vst v63  }
0xb3: {  	_ =	swait.ge [sflag:s7], $0x4000  }
0xb4: {  	[sflag:s7] =	ssyncset.done $0x0  }
0xb5: {  	[sflag:s7] =	ssyncadd.s32 $0xFFFFC000  }
0xb6: {  	p0 =	seq.s32 s26, $0x4C0;
	_ =	swait.ge [sflag:s13], $0x4000  }
0xb7: {  	s25 =	sadd.s32 @!p0 s26, s20;
	[sflag:s13] =	ssyncset.done $0x0  }
0xb8: {  	s28 =	simm.s32 @!p0 $0x0;
	s29 =	simm.s32 @!p0 $0x1C000;
	[sflag:s13] =	ssyncadd.s32 $0xFFFFC000  }
0xb9: {  	[tilespmem:s29], [sflag:$0x5] =	stream.linear.gather @!p0 [hbm4b:s25+s28], $0x80, $0x38;
	[tilespmem:$0x1C400] =	vst v63  }
0xba: {  	s25 =	sadd.s32 @!p0 s26, s22;
	s29 =	simm.s32 @!p0 $0x1C200  }
0xbb: {  	[tilespmem:s29], [sflag:$0x5] =	stream.linear.gather @!p0 [hbm4b:s25+s28], $0x80, $0x38;
	[tilespmem:$0x1C400] =	vst v63  }
0xbc: {  	_ =	swait.ge [sflag:s14], $0x80  }
0xbd: {  	[sflag:s14] =	ssyncset.done $0x0  }
0xbe: {  	[sflag:s14] =	ssyncadd.s32 $0xFFFFFF80  }
0xbf: {  	_ =	swait.ge [sflag:s14], $0x80  }
0xc0: {  	[sflag:s14] =	ssyncset.done $0x0  }
0xc1: {  	[sflag:s14] =	ssyncadd.s32 $0xFFFFFF80  }
0xc2: {  	[tilespmem:s1], [sflag:$0x1] =	stream.indirect.gather [hbm4b:s23+s9], $0x80, s3, s9, $0xb8;
	[tilespmem:$0x1C400] =	vst v63  }
0xc3: {  	_ = 	snop  }
0xc4: {  	[spmem:s21] =	stream.indirect.scatter.add.f32 [tilespmem:s12], [sflag:$0x4], $0x80, s2, s9, $0xb8;
	[tilespmem:$0x1C400] =	vst v63  }
0xc5: {  	_ =	swait.ge [sflag:s10], $0x4000  }
0xc6: {  	[sflag:s10] =	ssyncset.done $0x0  }
0xc7: {  	[sflag:s10] =	ssyncadd.s32 $0xFFFFC000  }
0xc8: {  	_ =	swait.ge [sflag:s30], $0x4000  }
0xc9: {  	s25 =	sadd.s32 @!p0 s26, s17;
	[sflag:s30] =	ssyncset.done $0x0  }
0xca: {  	s29 =	simm.s32 @!p0 $0x1C080;
	s25 =	sadd.s32 @!p0 $0x50, s25;
	[sflag:s30] =	ssyncadd.s32 $0xFFFFC000  }
0xcb: {  	[tilespmem:s29], [sflag:$0x6] =	stream.linear.gather @!p0 [hbm4b:s25+s28], $0x80, $0x38;
	[tilespmem:$0x1C400] =	vst v63  }
0xcc: {  	s25 =	sadd.s32 @!p0 s26, s19  }
0xcd: {  	s29 =	simm.s32 @!p0 $0x1C280;
	s25 =	sadd.s32 @!p0 $0x50, s25  }
0xce: {  	[tilespmem:s29], [sflag:$0x6] =	stream.linear.gather @!p0 [hbm4b:s25+s28], $0x80, $0x38;
	[tilespmem:$0x1C400] =	vst v63  }
0xcf: {  	_ =	swait.ge [sflag:s24], $0x80  }
0xd0: {  	[sflag:s24] =	ssyncset.done $0x0  }
0xd1: {  	[sflag:s24] =	ssyncadd.s32 $0xFFFFFF80  }
0xd2: {  	_ =	swait.ge [sflag:s24], $0x80  }
0xd3: {  	[sflag:s24] =	ssyncset.done $0x0  }
0xd4: {  	[sflag:s24] =	ssyncadd.s32 $0xFFFFFF80  }
0xd5: {  	[tilespmem:s12], [sflag:$0x2] =	stream.indirect.gather [hbm4b:s23+s9], $0x80, s5, s9, $0xb8;
	[tilespmem:$0x1C400] =	vst v63  }
0xd6: {  	_ = 	snop  }
0xd7: {  	[spmem:s21] =	stream.indirect.scatter.add.f32 [tilespmem:s1], [sflag:$0x3], $0x80, s4, s9, $0xb8;
	[tilespmem:$0x1C400] =	vst v63  }
0xd8: {  	_ =	swait.ge [sflag:s7], $0x4000  }
.Ltmp3:
0xd9: {  	[sflag:s7] =	ssyncset.done $0x0;
	(pc) =	sbr.rel @p0 .LBB2_6-.Ltmp3, $4  }
0xda: {  	[sflag:s7] =	ssyncadd.s32 $0xFFFFC000  }
0xdb: {  	_ =	swait.ge [sflag:s13], $0x4000  }
0xdc: {  	[sflag:s13] =	ssyncset.done $0x0  }
0xdd: {  	[sflag:s13] =	ssyncadd.s32 $0xFFFFC000  }
0xde: {  	s25 =	sadd.s32 s26, s15  }
0xdf: {  	[tilespmem:s3], [sflag:$0x7] =	stream.linear.gather [hbm4b:s25+s1], $0x80, $0x38;
	[tilespmem:$0x1C400] =	vst v63  }
0xe0: {  	s29 =	sadd.s32 s26, s16  }
0xe1: {  	[tilespmem:s4], [sflag:$0x7] =	stream.linear.gather [hbm4b:s29+s1], $0x80, $0x38;
	[tilespmem:$0x1C400] =	vst v63  }
0xe2: {  	_ =	swait.ge [sflag:s8], $0x80  }
0xe3: {  	[sflag:s8] =	ssyncset.done $0x0  }
0xe4: {  	[sflag:s8] =	ssyncadd.s32 $0xFFFFFF80  }
0xe5: {  	_ =	swait.ge [sflag:s8], $0x80  }
.Ltmp4:
0xe6: {  	[sflag:s8] =	ssyncset.done $0x0;
	(pc) =	sbr.rel .LBB2_4-.Ltmp4, $4  }
0xe7: {  	[sflag:s8] =	ssyncadd.s32 $0xFFFFFF80  }
0xe8: {  	[tilespmem:s1], [sflag:$0x1] =	stream.indirect.gather [hbm4b:s23+s9], $0x80, s31, s9, $0xb8;
	[tilespmem:$0x1C400] =	vst v63  }
0xe9: {  	s26 =	sadd.s32 $0x40, s26  }
0xea: {  	[spmem:s21] =	stream.indirect.scatter.add.f32 [tilespmem:s12], [sflag:$0x4], $0x80, s6, s9, $0xb8;
	[tilespmem:$0x1C400] =	vst v63  }
.LBB2_7:
0xeb: {  	_ =	sfence.sel $0x180000  }
0xec: {  	[bflag:$0x0] =	sbarrier.arrive $0xFFFF  }
0xed: {  	_ =	strace $0x9000004D  }
0xee: {  	s0 =	stileid.u32;
	[bflag:$0x2] =	sbarrier.arrive $0xFFFF  }
0xef: {  	p0 =	sne.s32 s0, $0x0;
	s0 =	rddreg [dreg:$0x2]  }
0xf0: {  	s0 =	sadd.s32 @!p0 $0x100000, s0  }
0xf1: {  	[sflag:s0] =	ssyncadd.tile.s32 @!p0 $0x1;
	_ =	shalt  }
.Lfunc_end2:
_tile_overlayer_lowered:
.L_overlay_start_2:
0xf2: {  	(tag) =	ssettag $0x2  }
0xf3: {  	s0 =	rddreg [dreg:$0x0];
	s2 =	stileid.u32  }
0xf4: {  	s1 =	rddreg [dreg:$0x1];
	p0 =	sne.s32 s2, $0x0  }
0xf5: {  	s3 =	rddreg [dreg:$0x2];
	[bflag:$0x3] =	sbarrier.arrive $0xFFFF;
	s2 =	simm.s32 @!p0 $0x1C09  }
0xf6: {  	[timem:s3], [sflag:s2] =	dma.local @!p0 [hbm:s0], s1  }
0xf7: {  	s0 =	simm.s32 @!p0 $0x9  }
0xf8: {  	_ =	swait.ge @!p0 [sflag:s0], s1  }
0xf9: {  	s1 =	ssub.s32 @!p0 $0x0, s1;
	[sflag:s0] =	ssyncset.done @!p0 $0x0  }
0xfa: {  	[sflag:s0] =	ssyncadd.s32 @!p0 s1  }
0xfb: {  	[bflag:$0x3] =	sbarrier.arrive $0xFFFF  }
0xfc: {  	_ =	shalt  }

// kernel: kernel.8.cloned.1.call-start
scs
__scs_entry_jumppad:
0x0: {  	(pc) =	sbr.rel $0x88, $3  }
0x1: {  	(tag) =	ssettag $0x0;
	lr =	simm.s32 $0x1  }
0x2: {  	[smem:$0x3F9B] =	sst lr;
	_ =	strace $0xD0000000  }
0x3: {  	_ = 	snop  }
0x4: {  	_ = 	snop  }
0x5: {  	_ = 	snop  }
0x6: {  	_ = 	snop  }
0x7: {  	_ = 	snop  }
__scs_overlays_trampoline_lowered:
0x8: {  	[smem:$0x3FAA] =	sst s0  }
0x9: {  	[smem:$0x3FAB] =	sst s1  }
0xa: {  	[smem:$0x3FAC] =	sst s2  }
0xb: {  	[smem:$0x3FAD] =	sst s3  }
0xc: {  	[smem:$0x3FAE] =	sst s4  }
0xd: {  	[smem:$0x3FAF] =	sst s5  }
0xe: {  	[smem:$0x3FB0] =	sst s6  }
0xf: {  	[smem:$0x3FB1] =	sst s7  }
0x10: {  	[smem:$0x3FB2] =	sst s8  }
0x11: {  	[smem:$0x3FB3] =	sst s9;
	s0 =	simm.s32 @!p0 $0x0  }
0x12: {  	s1 =	sld [smem:$0x3F99];
	s0 =	simm.s32 @p0 $0x1  }
0x13: {  	[smem:$0x3FB4] =	sst s0;
	s0 =	simm.s32 @!p1 $0x0  }
0x14: {  	s2 =	sld [smem:$0x3F98];
	s0 =	simm.s32 @p1 $0x1  }
0x15: {  	[smem:$0x3FB5] =	sst s0;
	s0 =	simm.s32 @!p2 $0x0  }
0x16: {  	s3 =	sld [smem:$0x3FDB];
	s0 =	simm.s32 @p2 $0x1  }
0x17: {  	s4 =	simm.s32 $0x1BF5;
	[smem:$0x3FB7] =	sst s0  }
0x18: {  	s0 =	sld [smem:$0x3F9A];
	_ =	swait.ge [sflag:s4], $0x0  }
0x19: {  	s7 =	sld [smem:$0x3F9B]  }
0x1a: {  	s8 =	sadd.s32 $0xFFFFE003, lr  }
0x1b: {  	s9 =	sadd.s32 $0xFFFFFEF7, lr;
	s5 =	simm.s32 $0xFFFFFFFF;
	p2 =	slt.u32 s8, $0xFFFFF086  }
0x1c: {  	p1 =	slt.u32 s9, $0xF7A;
	s5 =	simm.s32 @!p2 $0x0  }
0x1d: {  	s5 =	simm.s32 @p1 $0x1;
	p0 =	seq.s32 s7, s2  }
0x1e: {  	s7 =	smul.u32 @!p0 $0xF7A, s2;
	p2 =	seq.s32 @!p0 s5, $0x0  }
0x1f: {  	s9 =	smul.u32 $0xF7A, s1;
	s8 =	simm.s32 @!p0 $0x1BF5;
	p2 =	por !p2, p0  }
0x20: {  	[sflag:s8] =	ssyncset.s32 @!p0 $0xFFFFF086;
	s6 =	sadd.s32 @!p0 s3, s7;
	s7 =	simm.s32 @!p0 $0x108  }
0x21: {  	s3 =	sadd.s32 s3, s9;
	s6 =	sadd.s32 @!p0 $0x88, s6;
	s7 =	simm.s32 @p2 $0x1082  }
0x22: {  	[simem:s7], [sflag:s8] =	dma.local @!p0 [hbm:s6], $0xF7A  }
0x23: {  	s9 =	sor.u32 $0xD0000000, s2;
	s6 =	simm.s32 $0x108;
	_ =	swait.ge @!p0 [sflag:s8], $0x0  }
0x24: {  	s3 =	sadd.s32 $0x88, s3;
	s6 =	simm.s32 @!p1 $0x1082;
	[sflag:s4] =	ssyncset.s32 $0xFFFFF086  }
0x25: {  	[simem:s6], [sflag:s4] =	dma.local [hbm:s3], $0xF7A  }
0x26: {  	[smem:$0x3F9B] =	sst s1;
	(tag) =	ssettag s2;
	_ =	strace s9  }
0x27: {  	s1 =	sld [smem:$0x3FAB]  }
0x28: {  	s2 =	sld [smem:$0x3FAC]  }
0x29: {  	s4 =	sld [smem:$0x3FAE]  }
0x2a: {  	p0 =	seq.s32 s5, $0x0;
	s5 =	sld [smem:$0x3FAF]  }
0x2b: {  	s6 =	sld [smem:$0x3FB0]  }
0x2c: {  	s7 =	sld [smem:$0x3FB1]  }
0x2d: {  	s3 =	simm.s32 $0x108;
	s8 =	sld [smem:$0x3FB2]  }
0x2e: {  	s3 =	simm.s32 @!p0 $0x1082;
	s9 =	sld [smem:$0x3FB3]  }
0x2f: {  	lr =	sadd.s32 s0, s3;
	s0 =	sld [smem:$0x3FAA]  }
0x30: {  	s3 =	sld [smem:$0x3FAD]  }
0x31: {  	[smem:$0x3FB6] =	sst s10  }
0x32: {  	s10 =	sld [smem:$0x3FB4];
	_ =	sdelay $0x3  }
0x33: {  	p0 =	seq.s32 s10, $0x1;
	s10 =	sld [smem:$0x3FB6];
	_ =	sdelay $0x3  }
0x34: {  	[smem:$0x3FB6] =	sst s10  }
0x35: {  	s10 =	sld [smem:$0x3FB5];
	_ =	sdelay $0x3  }
0x36: {  	p1 =	seq.s32 s10, $0x1;
	s10 =	sld [smem:$0x3FB6];
	_ =	sdelay $0x3  }
0x37: {  	[smem:$0x3FB6] =	sst s10  }
0x38: {  	s10 =	sld [smem:$0x3FB7]  }
0x39: {  	_ = 	snop;
	(pc) =	sbr.ind lr, $3  }
0x3a: {  	_ = 	snop  }
0x3b: {  	_ = 	snop  }
0x3c: {  	p2 =	seq.s32 s10, $0x1;
	s10 =	sld [smem:$0x3FB6]  }
0x3d: {  	_ =	shalt  }
0x3e: {  	_ =	shalt  }
0x3f: {  	_ =	shalt  }
0x40: {  	_ =	shalt  }
0x41: {  	_ =	shalt  }
0x42: {  	_ =	shalt  }
0x43: {  	_ =	shalt  }
0x44: {  	_ =	shalt  }
0x45: {  	_ =	shalt  }
0x46: {  	_ =	shalt  }
0x47: {  	_ =	shalt  }
0x48: {  	_ =	shalt  }
0x49: {  	_ =	shalt  }
0x4a: {  	_ =	shalt  }
0x4b: {  	_ =	shalt  }
0x4c: {  	_ =	shalt  }
0x4d: {  	_ =	shalt  }
0x4e: {  	_ =	shalt  }
0x4f: {  	_ =	shalt  }
0x50: {  	_ =	shalt  }
0x51: {  	_ =	shalt  }
0x52: {  	_ =	shalt  }
0x53: {  	_ =	shalt  }
0x54: {  	_ =	shalt  }
0x55: {  	_ =	shalt  }
0x56: {  	_ =	shalt  }
0x57: {  	_ =	shalt  }
0x58: {  	_ =	shalt  }
0x59: {  	_ =	shalt  }
0x5a: {  	_ =	shalt  }
0x5b: {  	_ =	shalt  }
0x5c: {  	_ =	shalt  }
0x5d: {  	_ =	shalt  }
0x5e: {  	_ =	shalt  }
0x5f: {  	_ =	shalt  }
0x60: {  	_ =	shalt  }
0x61: {  	_ =	shalt  }
0x62: {  	_ =	shalt  }
0x63: {  	_ =	shalt  }
0x64: {  	_ =	shalt  }
0x65: {  	_ =	shalt  }
0x66: {  	_ =	shalt  }
0x67: {  	_ =	shalt  }
0x68: {  	_ =	shalt  }
0x69: {  	_ =	shalt  }
0x6a: {  	_ =	shalt  }
0x6b: {  	_ =	shalt  }
0x6c: {  	_ =	shalt  }
0x6d: {  	_ =	shalt  }
0x6e: {  	_ =	shalt  }
0x6f: {  	_ =	shalt  }
0x70: {  	_ =	shalt  }
0x71: {  	_ =	shalt  }
0x72: {  	_ =	shalt  }
0x73: {  	_ =	shalt  }
0x74: {  	_ =	shalt  }
0x75: {  	_ =	shalt  }
0x76: {  	_ =	shalt  }
0x77: {  	_ =	shalt  }
0x78: {  	_ =	shalt  }
0x79: {  	_ =	shalt  }
0x7a: {  	_ =	shalt  }
0x7b: {  	_ =	shalt  }
0x7c: {  	_ =	shalt  }
0x7d: {  	_ =	shalt  }
0x7e: {  	_ =	shalt  }
0x7f: {  	_ =	shalt  }
0x80: {  	_ =	shalt  }
0x81: {  	_ =	shalt  }
0x82: {  	_ =	shalt  }
0x83: {  	_ =	shalt  }
0x84: {  	_ =	shalt  }
0x85: {  	_ =	shalt  }
0x86: {  	_ =	shalt  }
0x87: {  	_ =	shalt  }
.Lfunc_end0:
.L_simem_size_0:
called_computation_lowered:
.L_overlay_start_0:
0x88: {  	s2 =	sld [smem:$0x3FD9]  }
0x89: {  	s3 =	sld [smem:$0x3FFE];
	_ =	sdelay $0x1  }
0x8a: {  	s1 =	srdreg.scid  }
0x8b: {  	s0 =	sand.u32 $0x1, s1  }
0x8c: {  	s17 =	sshll.u32 s0, $0xA;
	s2 =	sadd.s32 s3, s2  }
0x8d: {  	s2 =	sadd.s32 s2, s17  }
0x8e: {  	[smem:$0x3FC2] =	sst s2  }
0x8f: {  	_ = 	snop  }
0x90: {  	s2 =	sld [smem:$0x3FD0];
	(tm) =	ssettm $0x1  }
0x91: {  	s18 =	sld [smem:$0x3FFB];
	_ =	sdelay $0x3  }
0x92: {  	_ =	strace s18  }
0x93: {  	s3 =	sld [smem:$0x3FFC];
	_ =	sdelay $0x3  }
0x94: {  	_ =	strace s3  }
0x95: {  	s3 =	sld [smem:$0x3FFD];
	_ =	sdelay $0x3  }
0x96: {  	_ =	strace s3  }
0x97: {  	_ =	strace $0x8FFFFFFF  }
0x98: {  	s19 =	sld [smem:$0x3FDB];
	_ =	sdelay $0x1  }
0x99: {  	s4 =	simm.s32 $_scs_section_size  }
0x9a: {  	s5 =	simm.s32 $_size__tile_overlayer_lowered;
	s6 =	simm.s32 $_tile_overlayer_lowered  }
0x9b: {  	s22 =	simm.s32 $0x1BFF;
	s21 =	sshll.u32 s6, $0x1;
	s3 =	sadd.s32 s4, s19  }
0x9c: {  	s7 =	simm.s32 $0x0;
	s20 =	sshll.u32 s5, $0x1;
	s5 =	sadd.s32 s21, s3  }
0x9d: {  	[timem:s7], [sflag:s22] =	dma.local [hbm:s5], s20  }
0x9e: {  	_ =	swait.ge [sflag:s22], s20  }
0x9f: {  	s4 =	ssub.s32 $0x0, s20;
	[sflag:s22] =	ssyncset.done $0x0  }
0xa0: {  	[sflag:s22] =	ssyncadd.s32 s4;
	_ =	sdelay $0x1  }
0xa1: {  	s23 =	simm.s32 $0x1B8B  }
0xa2: {  	_ =	swait.ge [sflag:s23], $0x1  }
0xa3: {  	[sflag:s23] =	ssyncset.done $0x0  }
0xa4: {  	s25 =	simm.s32 $0x1B8E;
	s24 =	sld [smem:$0x3FFE];
	[sflag:s23] =	ssyncadd.s32 $0xFFFFFFFF  }
0xa5: {  	s26 =	simm.s32 $execute0_lowered;
	[smem:$0x3FD2] =	sst s25  }
0xa6: {  	s5 =	sshll.u32 s26, $0x1;
	_ =	strace $0x80000046;
	[dreg:$0x1] =	wrdreg $0xFFFFFFFF  }
0xa7: {  	s28 =	simm.s32 $_size_execute0_lowered;
	s3 =	sadd.s32 s3, s5;
	[dreg:$0x0] =	wrdreg $0x0  }
0xa8: {  	s5 =	sshll.u32 s28, $0x1;
	[dreg:$0x2] =	wrdreg s3  }
0xa9: {  	[dreg:$0x3] =	wrdreg s5  }
0xaa: {  	[dreg:$0x4] =	wrdreg $0xC0  }
0xab: {  	_ =	task [dreg:s7], $0x5FFFF  }
0xac: {  	[dreg:$0x1] =	wrdreg $0xFFFFFFFF  }
0xad: {  	[dreg:$0x0] =	wrdreg $0x60  }
0xae: {  	[dreg:$0x2] =	wrdreg s2  }
0xaf: {  	[dreg:$0x3] =	wrdreg s24  }
0xb0: {  	[dreg:$0x4] =	wrdreg $0xA2800  }
0xb1: {  	[dreg:$0x5] =	wrdreg $0x9  }
0xb2: {  	_ =	task.clear_ibuf [dreg:s7], $0x6FFFF;
	_ =	strace $0x90000046  }
0xb3: {  	s29 =	simm.s32 $0x9;
	_ =	strace $0x80000048  }
0xb4: {  	_ =	swait.ge [sflag:s29], $0x1  }
0xb5: {  	[sflag:s29] =	ssyncadd.s32 $0xFFFFFFFF  }
0xb6: {  	_ =	strace $0x90000048  }
0xb7: {  	_ =	sfence  }
0xb8: {  	s30 =	sld [smem:$0x0];
	_ =	sdelay $0x2  }
0xb9: {  	s31 =	sshll.u32 s1, $0xD;
	s1 =	sshrl.u32 s1, $0x2  }
0xba: {  	s3 =	sand.u32 $0x4000, s31;
	s1 =	sadd.s32 s1, s30  }
0xbb: {  	s0 =	sor.u32 s3, s0;
	s1 =	sshll.u32 s1, $0x11  }
0xbc: {  	s0 =	sor.u32 s1, s0  }
0xbd: {  	s0 =	sadd.s32 $0x8F2B, s0  }
0xbe: {  	[sflag:s0] =	ssyncadd.remote.s32 $0x1  }
0xbf: {  	_ =	sfence.sel $0xFFFF  }
0xc0: {  	[dreg:$0x0] =	wrdreg $0xFFFFFFFF;
	(pc) =	sbr.abs _section_cstart, $3  }
0xc1: {  	[dreg:$0x1] =	wrdreg $0xFFFFFFFF  }
0xc2: {  	_ =	task.clear_ibuf [dreg:s7], $0x2FFFF;
	_ =	strace $0x9FFFFFFF  }
0xc3: {  	(tm) =	ssettm $0x7FFFFFFF  }
tec
execute0_lowered:
.L_overlay_start_1:
0x0: {  	(tag) =	ssettag $0x1  }
0x1: {  	s5 =	rddreg [dreg:$0x0]  }
0x2: {  	s4 =	rddreg [dreg:$0x1];
	s0 =	srdreg.scid  }
0x3: {  	s2 =	rddreg [dreg:$0x2];
	s1 =	stileid.u32  }
0x4: {  	s3 =	simm.s32 $0x0;
	s12 =	simm.s32 $0x2800;
	s13 =	simm.s32 $0x5000  }
0x5: {  	s14 =	simm.s32 $0x80;
	s15 =	simm.s32 $0x1;
	s16 =	simm.s32 $0x100  }
0x6: {  	s6 =	sand.u32 $0x1, s0;
	s0 =	rddreg [dreg:$0x3];
	s8 =	smul.u32 $0x500, s1  }
0x7: {  	s17 =	simm.s32 $0x0;
	[smem:$0x7FF] =	sst s3;
	s30 =	smul.u32 $0xA00, s1  }
0x8: {  	s7 =	sshll.u32 s6, $0x4;
	s9 =	sshll.u32 s6, $0x7;
	_ =	strace $0x80000047  }
0x9: {  	s6 =	ssub.s32 $0x2, s6;
	s7 =	sor.u32 s1, s7;
	s8 =	sor.u32 s9, s8  }
0xa: {  	s31 =	sshrl.u32 s6, $0x1;
	s7 =	smul.u32 $0x500, s7;
	s8 =	sshrl.u32 s8, $0x3  }
0xb: {  	s9 =	sshrl.u32 s30, $0x2;
	s11 =	ssub.s32 s6, s31;
	s8 =	sadd.s32 s8, s4  }
0xc: {  	s10 =	sadd.s32 s7, s4;
	s4 =	sadd.s32 s9, s2;
	s5 =	sadd.s32 s5, s7  }
0xd: {  	s8 =	sadd.s32 $0xC200, s8;
	s9 =	smax.u32 s11, $0x1;
	s11 =	simm.s32 $0x2  }
0xe: {  	v0 =	vimm.f32 $0.0e+00;
	v1 =	vimm.f32 $1.000000000e+00;
	s6 =	sadd.s32 $0x2200, s10;
	s7 =	sadd.s32 $0xCC00, s10;
	s10 =	simm.s32 $0xA000  }
.LBB2_1:
0xf: {  	[tilespmem:$0xA000] =	vst v0  }
0x10: {  	[tilespmem:$0xA010] =	vst v0  }
0x11: {  	[tilespmem:$0xA020] =	vst v0  }
0x12: {  	[tilespmem:$0xA030] =	vst v0  }
0x13: {  	[tilespmem:$0xA040] =	vst v0  }
0x14: {  	[tilespmem:$0xA050] =	vst v0  }
0x15: {  	[tilespmem:$0xA060] =	vst v0  }
0x16: {  	[tilespmem:$0xA070] =	vst v0  }
0x17: {  	[tilespmem:$0xA080] =	vst v0  }
0x18: {  	[tilespmem:$0xA090] =	vst v0  }
0x19: {  	[tilespmem:$0xA0A0] =	vst v0  }
0x1a: {  	[tilespmem:$0xA0B0] =	vst v0  }
0x1b: {  	[tilespmem:$0xA0C0] =	vst v0  }
0x1c: {  	[tilespmem:$0xA0D0] =	vst v0  }
0x1d: {  	[tilespmem:$0xA0E0] =	vst v0  }
0x1e: {  	[tilespmem:$0xA0F0] =	vst v0  }
0x1f: {  	[tilespmem:$0xA100] =	vst v0  }
0x20: {  	[tilespmem:$0xA110] =	vst v0  }
0x21: {  	[tilespmem:$0xA120] =	vst v0  }
0x22: {  	[tilespmem:$0xA130] =	vst v0  }
0x23: {  	[tilespmem:$0xA140] =	vst v0  }
0x24: {  	[tilespmem:$0xA150] =	vst v0  }
0x25: {  	[tilespmem:$0xA160] =	vst v0  }
0x26: {  	[tilespmem:$0xA170] =	vst v0  }
0x27: {  	[tilespmem:$0xA180] =	vst v0  }
0x28: {  	[tilespmem:$0xA190] =	vst v0  }
0x29: {  	[tilespmem:$0xA1A0] =	vst v0  }
0x2a: {  	[tilespmem:$0xA1B0] =	vst v0  }
0x2b: {  	[tilespmem:$0xA1C0] =	vst v0  }
0x2c: {  	[tilespmem:$0xA1D0] =	vst v0  }
0x2d: {  	[tilespmem:$0xA1E0] =	vst v0  }
0x2e: {  	[tilespmem:$0xA1F0] =	vst v0  }
0x2f: {  	[tilespmem:$0xA200] =	vst v0  }
0x30: {  	[tilespmem:$0xA210] =	vst v0  }
0x31: {  	[tilespmem:$0xA220] =	vst v0  }
0x32: {  	[tilespmem:$0xA230] =	vst v0  }
0x33: {  	[tilespmem:$0xA240] =	vst v0  }
0x34: {  	[tilespmem:$0xA250] =	vst v0  }
0x35: {  	[tilespmem:$0xA260] =	vst v0  }
0x36: {  	[tilespmem:$0xA270] =	vst v0  }
0x37: {  	[spmem:s4] =	stream.linear.scatter [tilespmem:s10], [sflag:$0x2], $0x280, $0x38;
	[tilespmem:$0xA500] =	vst v63  }
0x38: {  	_ =	swait.ge [sflag:s11], $0x280  }
0x39: {  	[sflag:s11] =	ssyncset.done $0x0  }
0x3a: {  	[sflag:s11] =	ssyncadd.s32 $0xFFFFFD80  }
0x3b: {  	[tilespmem:s3], [sflag:$0x2] =	stream.linear.gather [hbm4b:s5+s3], $0x2800, $0x38;
	[tilespmem:$0xA500] =	vst v63  }
0x3c: {  	_ =	swait.ge [sflag:s11], $0x2800  }
0x3d: {  	[sflag:s11] =	ssyncset.done $0x0  }
0x3e: {  	[sflag:s11] =	ssyncadd.s32 $0xFFFFD800  }
0x3f: {  	[tilespmem:s12], [sflag:$0x2] =	stream.linear.gather [hbm4b:s6+s3], $0x2800, $0x38;
	[tilespmem:$0xA500] =	vst v63  }
0x40: {  	_ =	swait.ge [sflag:s11], $0x2800  }
0x41: {  	[sflag:s11] =	ssyncset.done $0x0  }
0x42: {  	s18 =	simm.s32 $0x0;
	[sflag:s11] =	ssyncadd.s32 $0xFFFFD800  }
0x43: {  	v2 =	vld [tilespmem:s18+$0x70]  }
0x44: {  	v3 =	vld [tilespmem:s18+$0x2870]  }
0x45: {  	v4 =	vld [tilespmem:s18+$0x0]  }
0x46: {  	v5 =	vld [tilespmem:s18+$0x2800]  }
0x47: {  	v6 =	vld [tilespmem:s18+$0x10]  }
0x48: {  	v7 =	vld [tilespmem:s18+$0x2810]  }
0x49: {  	v8 =	vld [tilespmem:s18+$0x20];
	vm0 =	veq.s32 v2, v3  }
0x4a: {  	v9 =	vld [tilespmem:s18+$0x2820];
	v3 =	vsel vm0, $0x0, v1  }
0x4b: {  	v10 =	vld [tilespmem:s18+$0x30];
	v2 =	vsel vm0, $0x2710, v2;
	vm0 =	veq.s32 v4, v5;
	[tilespmem:s18+$0x7870] =	vst v3  }
0x4c: {  	v11 =	vld [tilespmem:s18+$0x2830];
	v3 =	vsel vm0, $0x2710, v4;
	[tilespmem:s18+$0x5070] =	vst v2  }
0x4d: {  	v12 =	vld [tilespmem:s18+$0x2840];
	v2 =	vsel vm0, $0x0, v1;
	vm0 =	veq.s32 v6, v7;
	[tilespmem:s18+$0x5000] =	vst v3  }
0x4e: {  	v3 =	vld [tilespmem:s18+$0x40];
	[tilespmem:s18+$0x7800] =	vst v2;
	v2 =	vsel vm0, $0x2710, v6  }
0x4f: {  	v4 =	vld [tilespmem:s18+$0x50];
	[tilespmem:s18+$0x5010] =	vst v2;
	v2 =	vsel vm0, $0x0, v1;
	vm0 =	veq.s32 v8, v9  }
0x50: {  	v6 =	vld [tilespmem:s18+$0x2850];
	[tilespmem:s18+$0x7810] =	vst v2;
	v2 =	vsel vm0, $0x2710, v8  }
0x51: {  	v5 =	vld [tilespmem:s18+$0x60];
	[tilespmem:s18+$0x5020] =	vst v2;
	v2 =	vsel vm0, $0x0, v1;
	vm0 =	veq.s32 v10, v11  }
0x52: {  	s19 =	simm.s32 $0x80;
	v7 =	vld [tilespmem:s18+$0x2860];
	[tilespmem:s18+$0x7820] =	vst v2;
	v9 =	vsel vm0, $0x2710, v10  }
0x53: {  	s20 =	simm.s32 $0x400;
	v8 =	vsel vm0, $0x0, v1;
	v2 =	vld [tilespmem:s19+$0x70];
	[tilespmem:s18+$0x5030] =	vst v9;
	vm0 =	veq.s32 v3, v12  }
.LBB2_2:
0x54: {  	p0 =	sne.s32 s20, $0x9E00;
	v9 =	vld [tilespmem:s19+$0x2870];
	[tilespmem:s18+$0x7830] =	vst v8;
	v3 =	vsel vm0, $0x2710, v3;
	v8 =	vsel vm0, $0x0, v1  }
0x55: {  	v10 =	vld [tilespmem:s19+$0x0];
	[tilespmem:s18+$0x5040] =	vst v3;
	vm0 =	veq.s32 v4, v6  }
0x56: {  	v3 =	vld [tilespmem:s19+$0x2800];
	[tilespmem:s18+$0x7840] =	vst v8;
	v4 =	vsel vm0, $0x2710, v4;
	v6 =	vsel vm0, $0x0, v1  }
0x57: {  	v8 =	vld [tilespmem:s19+$0x10];
	[tilespmem:s18+$0x5050] =	vst v4;
	vm0 =	veq.s32 v5, v7  }
0x58: {  	v4 =	vld [tilespmem:s19+$0x2810];
	[tilespmem:s18+$0x7850] =	vst v6;
	v5 =	vsel vm0, $0x2710, v5;
	v6 =	vsel vm0, $0x0, v1  }
0x59: {  	v7 =	vld [tilespmem:s19+$0x20];
	vm0 =	veq.s32 v2, v9;
	[tilespmem:s18+$0x5060] =	vst v5  }
0x5a: {  	v5 =	vld [tilespmem:s19+$0x2820];
	v2 =	vsel vm0, $0x2710, v2;
	v9 =	vsel vm0, $0x0, v1;
	[tilespmem:s18+$0x7860] =	vst v6;
	s18 =	smov.u32 s19  }
0x5b: {  	vm0 =	veq.s32 v10, v3;
	v11 =	vld [tilespmem:s18+$0x30];
	[tilespmem:s18+$0x7870] =	vst v9  }
0x5c: {  	v3 =	vsel vm0, $0x2710, v10;
	v6 =	vsel vm0, $0x0, v1;
	v9 =	vld [tilespmem:s18+$0x2830];
	[tilespmem:s18+$0x5070] =	vst v2  }
0x5d: {  	[tilespmem:s18+$0x5000] =	vst v3;
	vm0 =	veq.s32 v8, v4;
	v3 =	vld [tilespmem:s18+$0x40]  }
0x5e: {  	[tilespmem:s18+$0x7800] =	vst v6;
	v2 =	vsel vm0, $0x2710, v8;
	v6 =	vsel vm0, $0x0, v1;
	v10 =	vld [tilespmem:s18+$0x2840]  }
.Ltmp0:
0x5f: {  	[tilespmem:s18+$0x5010] =	vst v2;
	vm0 =	veq.s32 v7, v5;
	v4 =	vld [tilespmem:s18+$0x50];
	(pc) =	sbr.rel @p0 .LBB2_2-.Ltmp0, $4  }
0x60: {  	[tilespmem:s18+$0x7810] =	vst v6;
	v2 =	vsel vm0, $0x2710, v7;
	v7 =	vsel vm0, $0x0, v1;
	v6 =	vld [tilespmem:s18+$0x2850]  }
0x61: {  	[tilespmem:s18+$0x5020] =	vst v2;
	vm0 =	veq.s32 v11, v9;
	v5 =	vld [tilespmem:s18+$0x60]  }
0x62: {  	s19 =	sshra.s32 s20, $0x2;
	[tilespmem:s18+$0x7820] =	vst v7;
	v9 =	vsel vm0, $0x2710, v11;
	v8 =	vsel vm0, $0x0, v1;
	v7 =	vld [tilespmem:s18+$0x2860]  }
0x63: {  	s20 =	sadd.s32 $0x200, s20;
	v2 =	vld [tilespmem:s19+$0x70];
	[tilespmem:s18+$0x5030] =	vst v9;
	vm0 =	veq.s32 v3, v10  }
0x64: {  	v9 =	vld [tilespmem:s19+$0x2870];
	[tilespmem:s18+$0x7830] =	vst v8;
	v3 =	vsel vm0, $0x2710, v3  }
0x65: {  	v8 =	vld [tilespmem:s19+$0x0];
	[tilespmem:s18+$0x5040] =	vst v3;
	v3 =	vsel vm0, $0x0, v1;
	vm6 =	veq.s32 v4, v6  }
0x66: {  	v10 =	vld [tilespmem:s19+$0x2800];
	[tilespmem:s18+$0x7840] =	vst v3;
	v3 =	vsel vm6, $0x2710, v4  }
0x67: {  	v52 =	vld [tilespmem:s19+$0x10];
	[tilespmem:s18+$0x5050] =	vst v3;
	v3 =	vsel vm6, $0x0, v1;
	vm7 =	veq.s32 v5, v7  }
0x68: {  	v53 =	vld [tilespmem:s19+$0x2810];
	[tilespmem:s18+$0x7850] =	vst v3;
	v3 =	vsel vm7, $0x2710, v5  }
0x69: {  	v54 =	vld [tilespmem:s19+$0x20];
	[tilespmem:s18+$0x5060] =	vst v3;
	v3 =	vsel vm7, $0x0, v1  }
0x6a: {  	vm8 =	veq.s32 v2, v9;
	v55 =	vld [tilespmem:s19+$0x2820];
	[tilespmem:s18+$0x7860] =	vst v3  }
0x6b: {  	v3 =	vsel vm8, $0x0, v1;
	v56 =	vld [tilespmem:s19+$0x30]  }
0x6c: {  	[tilespmem:s19+$0x7870] =	vst v3;
	v3 =	vld [tilespmem:s19+$0x2830]  }
0x6d: {  	v2 =	vsel vm8, $0x2710, v2;
	vm9 =	veq.s32 v8, v10;
	v57 =	vld [tilespmem:s19+$0x40]  }
0x6e: {  	[tilespmem:s19+$0x5070] =	vst v2;
	v58 =	vld [tilespmem:s19+$0x2840];
	v8 =	vsel vm9, $0x2710, v8  }
0x6f: {  	v59 =	vld [tilespmem:s19+$0x50];
	v2 =	vsel vm9, $0x0, v1;
	[tilespmem:s19+$0x5000] =	vst v8;
	vm10 =	veq.s32 v52, v53  }
0x70: {  	v60 =	vld [tilespmem:s19+$0x2850];
	[tilespmem:s19+$0x7800] =	vst v2;
	v2 =	vsel vm10, $0x2710, v52  }
0x71: {  	[tilespmem:s19+$0x5010] =	vst v2;
	v2 =	vsel vm10, $0x0, v1;
	vm11 =	veq.s32 v54, v55  }
0x72: {  	[tilespmem:s19+$0x7810] =	vst v2;
	v2 =	vsel vm11, $0x2710, v54  }
0x73: {  	v61 =	vld [tilespmem:s19+$0x60];
	vm12 =	veq.s32 v56, v3;
	[tilespmem:s19+$0x5020] =	vst v2;
	v2 =	vsel vm11, $0x0, v1  }
0x74: {  	v3 =	vld [tilespmem:s19+$0x2860];
	vm13 =	veq.s32 v57, v58;
	v62 =	vsel vm12, $0x0, v1;
	[tilespmem:s19+$0x7820] =	vst v2  }
0x75: {  	vm14 =	veq.s32 v59, v60;
	v4 =	vsel vm13, $0x0, v1;
	[tilespmem:s19+$0x7830] =	vst v62  }
0x76: {  	v63 =	vsel vm14, $0x0, v1;
	[tilespmem:s19+$0x7840] =	vst v4  }
0x77: {  	v2 =	vsel vm12, $0x2710, v56;
	[tilespmem:s19+$0x7850] =	vst v63  }
0x78: {  	[tilespmem:s19+$0x5030] =	vst v2;
	v2 =	vsel vm13, $0x2710, v57  }
0x79: {  	[tilespmem:s19+$0x5040] =	vst v2;
	v2 =	vsel vm14, $0x2710, v59;
	vm15 =	veq.s32 v61, v3  }
0x7a: {  	[tilespmem:s19+$0x5050] =	vst v2;
	v2 =	vsel vm15, $0x2710, v61  }
0x7b: {  	v3 =	vsel vm15, $0x0, v1;
	[tilespmem:s19+$0x5060] =	vst v2  }
0x7c: {  	s18 =	simm.s32 $0x0;
	[tilespmem:s19+$0x7860] =	vst v3  }
0x7d: {  	[hbm4b:s7+s18] =	stream.linear.scatter [tilespmem:s13], [sflag:$0x2], $0x2800, $0x38;
	[tilespmem:$0xA500] =	vst v63  }
0x7e: {  	_ =	swait.ge [sflag:s11], $0x2800  }
0x7f: {  	[sflag:s11] =	ssyncset.done $0x0  }
0x80: {  	[sflag:s11] =	ssyncadd.s32 $0xFFFFD800  }
0x81: {  	[bflag:$0x0] =	sbarrier.arrive $0xFFFF  }
.LBB2_4:
0x82: {  	p0 =	sne.s32 s18, $0x9E00  }
.Ltmp1:
0x83: {  	_ = 	snop;
	(pc) =	sbr.rel @p0 .LBB2_4-.Ltmp1, $4  }
0x84: {  	_ = 	snop  }
0x85: {  	s19 =	sshra.s32 s18, $0x2  }
0x86: {  	s18 =	sadd.s32 $0x200, s18;
	s20 =	sadd.s32 $0x7800, s19  }
0x87: {  	[spmem:s2] =	stream.indirect.scatter.add.f32 [tilespmem:s20], [sflag:$0x1], $0x1, s19, s14, $0xb8;
	[tilespmem:$0xA500] =	vst v63  }
0x88: {  	_ =	swait.ge [sflag:s15], $0x80  }
0x89: {  	s18 =	simm.s32 $0x4F;
	[sflag:s15] =	ssyncset.done $0x0  }
.LBB2_6:
0x8a: {  	p0 =	sne.s32 s18, $0x1;
	s18 =	sadd.s32 $0xFFFFFFFF, s18;
	[sflag:s15] =	ssyncadd.s32 $0xFFFFFF80  }
.Ltmp2:
0x8b: {  	(pc) =	sbr.rel @p0 .LBB2_6-.Ltmp2, $3  }
0x8c: {  	_ =	sdelay $0x1  }
0x8d: {  	_ =	swait.ge [sflag:s15], $0x80  }
0x8e: {  	[sflag:s15] =	ssyncset.done $0x0  }
0x8f: {  	[sflag:s15] =	ssyncadd.s32 $0xFFFFFF80  }
0x90: {  	[bflag:$0x0] =	sbarrier.arrive $0xFFFF  }
0x91: {  	[tilespmem:s10], [sflag:$0x2] =	stream.linear.gather [spmem:s4], $0x280, $0x38;
	[tilespmem:$0xA500] =	vst v63  }
0x92: {  	s17 =	sadd.s32 $0x1, s17;
	_ =	swait.ge [sflag:s11], $0x280  }
0x93: {  	p0 =	sne.s32 s17, s9;
	[sflag:s11] =	ssyncset.done $0x0  }
.Ltmp3:
0x94: {  	[sflag:s11] =	ssyncadd.s32 $0xFFFFFD80;
	(pc) =	sbr.rel @p0 .LBB2_1-.Ltmp3, $4  }
0x95: {  	[hbm4b:s8+s14] =	stream.strided.scatter [tilespmem:s10], [sflag:$0x2], $0x280, s16, s14, $0x38;
	[tilespmem:$0xA500] =	vst v63  }
0x96: {  	_ =	swait.ge [sflag:s11], $0x280  }
0x97: {  	[sflag:s11] =	ssyncset.done $0x0  }
0x98: {  	[sflag:s11] =	ssyncadd.s32 $0xFFFFFD80  }
0x99: {  	_ =	sfence.sel $0x180000  }
0x9a: {  	[bflag:$0x0] =	sbarrier.arrive $0xFFFF  }
0x9b: {  	p0 =	sne.s32 s1, $0x0;
	_ =	strace $0x90000047  }
0x9c: {  	s0 =	sadd.s32 @!p0 $0x100000, s0;
	[bflag:$0x2] =	sbarrier.arrive $0xFFFF  }
0x9d: {  	[sflag:s0] =	ssyncadd.tile.s32 @!p0 $0x1;
	_ =	shalt  }
.Lfunc_end2:
_tile_overlayer_lowered:
.L_overlay_start_2:
0x9e: {  	(tag) =	ssettag $0x2  }
0x9f: {  	s0 =	rddreg [dreg:$0x0];
	s2 =	stileid.u32  }
0xa0: {  	s1 =	rddreg [dreg:$0x1];
	p0 =	sne.s32 s2, $0x0  }
0xa1: {  	s3 =	rddreg [dreg:$0x2];
	[bflag:$0x3] =	sbarrier.arrive $0xFFFF;
	s2 =	simm.s32 @!p0 $0x1C02  }
0xa2: {  	[timem:s3], [sflag:s2] =	dma.local @!p0 [hbm:s0], s1  }
0xa3: {  	s0 =	simm.s32 @!p0 $0x2  }
0xa4: {  	_ =	swait.ge @!p0 [sflag:s0], s1  }
0xa5: {  	s1 =	ssub.s32 @!p0 $0x0, s1;
	[sflag:s0] =	ssyncset.done @!p0 $0x0  }
0xa6: {  	[sflag:s0] =	ssyncadd.s32 @!p0 s1  }
0xa7: {  	[bflag:$0x3] =	sbarrier.arrive $0xFFFF  }
0xa8: {  	_ =	shalt  }

</sc_bundles>
